<compile_context>
chip_gen: v7x
topology: tpu7x:2x2x1
jax: 0.10.2.dev20260603
libtpu: 0.0.44.dev20260713+nightly
codegen_flags: <defaults>
</compile_context>

<pallas_src>
import jax
import jax.numpy as jnp
from jax import lax
from jax.experimental import pallas as pl
from jax.experimental.pallas import tpu as pltpu
from jax.experimental.pallas import tpu_sc as plsc

D = 768
H = 1536
E = 8
K = 2
N = 2048
PROJ = 256
CAP = 2 * ((K * N) // E)
NB = 3
A = K * N
AT = NB * A
T = 256
TPG = CAP // T
TRASH = E * CAP
R_B = E * CAP + 256
CB = 512
L = 16


def _gate_route_body(x_ref, pw_ref, pb_ref, sim_ref, ls_ref, lab_ref,
                     ds_ref, dest_ref, w_ref, cnt_ref, oh_ref, idx_ref,
                     wv_ref):
    b = pl.program_id(0)
    x = x_ref[...]
    proj = jnp.dot(x.astype(jnp.bfloat16),
                   pw_ref[0].astype(jnp.bfloat16),
                   preferred_element_type=jnp.float32) + pb_ref[0]
    proj = proj / (jnp.sqrt(jnp.sum(proj * proj, axis=-1, keepdims=True))
                   + 1e-12)
    sim = sim_ref[0]
    simn = sim / (jnp.sqrt(jnp.sum(sim * sim, axis=0, keepdims=True))
                  + 1e-12)
    scale = jnp.exp(jnp.minimum(ls_ref[b, 0], jnp.log(1.0 / 0.01)))
    logits = jnp.dot(proj.astype(jnp.bfloat16),
                     simn.astype(jnp.bfloat16),
                     preferred_element_type=jnp.float32) * scale
    m = jnp.max(logits, axis=-1, keepdims=True)
    eg = jnp.exp(logits - m)
    gates = eg / jnp.sum(eg, axis=-1, keepdims=True)

    lanes = lax.broadcasted_iota(jnp.int32, (N, E), 1)
    v1 = jnp.max(gates, axis=-1, keepdims=True)
    i1 = jnp.min(jnp.where(gates == v1, lanes, E), axis=-1, keepdims=True)
    masked = jnp.where(lanes == i1, -jnp.inf, gates)
    v2 = jnp.max(masked, axis=-1, keepdims=True)
    i2 = jnp.min(jnp.where(masked == v2, lanes, E), axis=-1, keepdims=True)
    s = v1 + v2 + 1e-12
    g1, g2 = v1 / s, v2 / s

    lab = lab_ref[...]
    ds = ds_ref[0, 0]
    bscale = jnp.where(b == 0, jnp.ones((N, 1), jnp.float32),
                       ds * (lab == (b - 1)).astype(jnp.float32))
    wv_ref[...] = jnp.concatenate([g1 * bscale, g2 * bscale], axis=0)
    idx = jnp.concatenate([i1, i2], axis=0)
    idx_ref[...] = idx
    oh_ref[...] = (idx == lax.broadcasted_iota(jnp.int32, (A, E), 1)
                   ).astype(jnp.float32)
    r_i = lax.broadcasted_iota(jnp.int32, (CB, CB), 0)
    c_i = lax.broadcasted_iota(jnp.int32, (CB, CB), 1)
    tri = (c_i <= r_i).astype(jnp.float32)

    def blk(i, carry):
        base_pos, base_act = carry
        ohb = oh_ref[pl.ds(i * CB, CB), :]
        idx_b = idx_ref[pl.ds(i * CB, CB), :]
        w_b = wv_ref[pl.ds(i * CB, CB), :]
        incl = jnp.dot(tri, ohb, preferred_element_type=jnp.float32,
                       precision=lax.Precision.HIGHEST)
        pos = jnp.sum((incl + base_pos - 1.0) * ohb, axis=-1,
                      keepdims=True)
        keep = pos < float(CAP)
        active = jnp.logical_and(keep, w_b != 0.0)
        aohb = ohb * active.astype(jnp.float32)
        incl_a = jnp.dot(tri, aohb, preferred_element_type=jnp.float32,
                         precision=lax.Precision.HIGHEST)
        slot = jnp.sum((incl_a + base_act - 1.0) * ohb, axis=-1,
                       keepdims=True).astype(jnp.int32)
        dest = jnp.where(active, idx_b * CAP + slot, TRASH)
        dest_ref[0, pl.ds(i * CB, CB), :] = dest
        wm = jnp.where(active, w_b, 0.0)
        w_ref[0, pl.ds(i * CB, CB), :] = jnp.broadcast_to(wm, (CB, L))
        return (base_pos + jnp.sum(ohb, axis=0, keepdims=True),
                base_act + jnp.sum(aohb, axis=0, keepdims=True))

    zero8 = jnp.zeros((1, E), jnp.float32)
    _, base_act = lax.fori_loop(0, A // CB, blk, (zero8, zero8))
    cnt_ref[0] = base_act.astype(jnp.int32)


def _gate_route(x, pw_all, pb_all, sim_all, ls_all, lab, ds):
    return pl.pallas_call(
        _gate_route_body,
        grid=(NB,),
        in_specs=[
            pl.BlockSpec((N, D), lambda b: (0, 0)),
            pl.BlockSpec((1, D, PROJ), lambda b: (b, 0, 0)),
            pl.BlockSpec((1, 1, PROJ), lambda b: (b, 0, 0)),
            pl.BlockSpec((1, PROJ, E), lambda b: (b, 0, 0)),
            pl.BlockSpec((NB, 1), lambda b: (0, 0),
                         memory_space=pltpu.SMEM),
            pl.BlockSpec((N, 1), lambda b: (0, 0)),
            pl.BlockSpec((1, 1), lambda b: (0, 0),
                         memory_space=pltpu.SMEM),
        ],
        out_specs=[
            pl.BlockSpec((1, A, 1), lambda b: (b, 0, 0)),
            pl.BlockSpec((1, A, L), lambda b: (b, 0, 0)),
            pl.BlockSpec((1, 1, E), lambda b: (b, 0, 0)),
        ],
        out_shape=[
            jax.ShapeDtypeStruct((NB, A, 1), jnp.int32),
            jax.ShapeDtypeStruct((NB, A, L), jnp.float32),
            jax.ShapeDtypeStruct((NB, 1, E), jnp.int32),
        ],
        scratch_shapes=[
            pltpu.VMEM((A, E), jnp.float32),
            pltpu.VMEM((A, 1), jnp.int32),
            pltpu.VMEM((A, 1), jnp.float32),
        ],
    )(x, pw_all, pb_all, sim_all, ls_all, lab, ds)


_SC_INFO = plsc.get_sparse_core_info()
_NTILES = _SC_INFO.num_cores * _SC_INFO.num_subcores
_DISP_C = 64
_PER_TILE = A // _NTILES
_NCHUNK = _PER_TILE // _DISP_C


def _dispatch_body(x_hbm, tok_hbm, dest_hbm, xe0_hbm, xe1_hbm, xe2_hbm,
                   tok0, tok1, dbuf, rows0, rows1,
                   sl, sg0, sg1, ss0, ss1):
    wid = lax.axis_index("s") * _SC_INFO.num_cores + lax.axis_index("c")
    base = wid * _PER_TILE
    toks = (tok0, tok1)
    rows = (rows0, rows1)
    sgs = (sg0, sg1)
    sss = (ss0, ss1)
    xes = (xe0_hbm, xe1_hbm, xe2_hbm)

    loads = []
    for ci in range(_NCHUNK):
        loads.append(pltpu.make_async_copy(
            tok_hbm.at[pl.ds(base + ci * _DISP_C, _DISP_C)], toks[ci], sl))
    for b in range(NB):
        for ci in range(_NCHUNK):
            off = b * A + base + ci * _DISP_C
            loads.append(pltpu.make_async_copy(
                dest_hbm.at[pl.ds(off, _DISP_C)],
                dbuf.at[b * _NCHUNK + ci], sl))
    for cp in loads:
        cp.start()
    for cp in loads:
        cp.wait()
    gathers = [pltpu.make_async_copy(x_hbm.at[toks[ci]], rows[ci], sgs[ci])
               for ci in range(_NCHUNK)]
    for cp in gathers:
        cp.start()
    scats = []
    for ci in range(_NCHUNK):
        gathers[ci].wait()
        for b in range(NB):
            cp = pltpu.make_async_copy(
                rows[ci], xes[b].at[dbuf.at[b * _NCHUNK + ci]], sss[ci])
            cp.start()
            scats.append(cp)
    for cp in scats:
        cp.wait()


def _dispatch(x, tok, dest):
    kfn = pl.kernel(
        _dispatch_body,
        out_type=[jax.ShapeDtypeStruct((R_B, D), jnp.float32)] * NB,
        mesh=plsc.VectorSubcoreMesh(core_axis_name="c",
                                    subcore_axis_name="s"),
        scratch_types=[
            pltpu.VMEM((_DISP_C,), jnp.int32),
            pltpu.VMEM((_DISP_C,), jnp.int32),
            pltpu.VMEM((NB * _NCHUNK, _DISP_C), jnp.int32),
            pltpu.VMEM((_DISP_C, D), jnp.float32),
            pltpu.VMEM((_DISP_C, D), jnp.float32),
            pltpu.SemaphoreType.DMA,
            pltpu.SemaphoreType.DMA,
            pltpu.SemaphoreType.DMA,
            pltpu.SemaphoreType.DMA,
            pltpu.SemaphoreType.DMA,
        ],
    )
    return kfn(x, tok, dest)


def _ffn_body(cnt_ref, xe_ref, w1_ref, b1_ref, w2_ref, b2_ref, ye_ref,
              w1bf_ref, w2bf_ref):
    g = pl.program_id(0)
    j = pl.program_id(1)

    @pl.when(jnp.logical_and(j == 0, g < E))
    def _():
        w1bf_ref[...] = w1_ref[0].astype(jnp.bfloat16)
        w2bf_ref[...] = w2_ref[0].astype(jnp.bfloat16)

    @pl.when(jnp.logical_and(j * T < cnt_ref[g], g < E))
    def _():
        xb = xe_ref[...].astype(jnp.bfloat16)
        h = jnp.dot(xb, w1bf_ref[...], preferred_element_type=jnp.float32)
        h = jnp.maximum(h + b1_ref[0], 0.0).astype(jnp.bfloat16)
        y = jnp.dot(h, w2bf_ref[...], preferred_element_type=jnp.float32)
        ye_ref[...] = y + b2_ref[0]

    @pl.when(jnp.logical_and(j == 0, g == E))
    def _():
        ye_ref[...] = jnp.zeros((T, D), jnp.float32)


def _ffn(counts, xe, w1, b1, w2, b2):
    def tile_idx(g, j, cnt):
        ntile = jnp.maximum((cnt[g] + (T - 1)) // T - 1, 0)
        return g * TPG + jnp.minimum(j, ntile)

    grid_spec = pltpu.PrefetchScalarGridSpec(
        num_scalar_prefetch=1,
        grid=(E + 1, TPG),
        in_specs=[
            pl.BlockSpec((T, D), lambda g, j, cnt: (tile_idx(g, j, cnt), 0)),
            pl.BlockSpec((1, D, H),
                         lambda g, j, cnt: (jnp.minimum(g, E - 1), 0, 0)),
            pl.BlockSpec((1, 1, H),
                         lambda g, j, cnt: (jnp.minimum(g, E - 1), 0, 0)),
            pl.BlockSpec((1, H, D),
                         lambda g, j, cnt: (jnp.minimum(g, E - 1), 0, 0)),
            pl.BlockSpec((1, 1, D),
                         lambda g, j, cnt: (jnp.minimum(g, E - 1), 0, 0)),
        ],
        out_specs=pl.BlockSpec((T, D),
                               lambda g, j, cnt: (tile_idx(g, j, cnt), 0)),
        scratch_shapes=[
            pltpu.VMEM((D, H), jnp.bfloat16),
            pltpu.VMEM((H, D), jnp.bfloat16),
        ],
    )
    return pl.pallas_call(
        _ffn_body,
        grid_spec=grid_spec,
        out_shape=jax.ShapeDtypeStruct((R_B, D), jnp.float32),
    )(counts, xe, w1, b1, w2, b2)


_TOK_C = 64
_NJ = NB * K
_ROUNDS = (N // _NTILES) // _TOK_C


def _combine_gather_body(ye_s, ye_d, ye_n, dest_hbm, buf_hbm,
                         dall, rows0, rows1, sl, sg0, sg1, ss0, ss1):
    wid = lax.axis_index("s") * _SC_INFO.num_cores + lax.axis_index("c")
    yes = (ye_s, ye_s, ye_d, ye_d, ye_n, ye_n)
    rows = (rows0, rows1)
    sgs = (sg0, sg1)
    sss = (ss0, ss1)

    for hh in range(_ROUNDS):
        base = wid * (_ROUNDS * _TOK_C) + hh * _TOK_C
        loads = []
        for j in range(_NJ):
            loads.append(pltpu.make_async_copy(
                dest_hbm.at[pl.ds(j * N + base, _TOK_C)], dall.at[j], sl))
        for cp in loads:
            cp.start()
        for cp in loads:
            cp.wait()

        def gath(j):
            p = j % 2
            return pltpu.make_async_copy(yes[j].at[dall.at[j]], rows[p],
                                         sgs[p])

        stores = [None] * _NJ
        gath(0).start()
        for j in range(_NJ):
            p = j % 2
            if j >= 2:
                stores[j - 2].wait()
            gath(j).wait()
            if j + 1 < _NJ:
                gath(j + 1).start()
            stores[j] = pltpu.make_async_copy(
                rows[p], buf_hbm.at[pl.ds(j * N + base, _TOK_C)], sss[p])
            stores[j].start()
        stores[_NJ - 2].wait()
        stores[_NJ - 1].wait()


def _combine_gather(ye_s, ye_d, ye_n, dest):
    kfn = pl.kernel(
        _combine_gather_body,
        out_type=jax.ShapeDtypeStruct((_NJ * N, D), jnp.float32),
        mesh=plsc.VectorSubcoreMesh(core_axis_name="c",
                                    subcore_axis_name="s"),
        scratch_types=[
            pltpu.VMEM((_NJ, _TOK_C), jnp.int32),
            pltpu.VMEM((_TOK_C, D), jnp.float32),
            pltpu.VMEM((_TOK_C, D), jnp.float32),
            pltpu.SemaphoreType.DMA,
            pltpu.SemaphoreType.DMA,
            pltpu.SemaphoreType.DMA,
            pltpu.SemaphoreType.DMA,
            pltpu.SemaphoreType.DMA,
        ],
    )
    return kfn(ye_s, ye_d, ye_n, dest)


_WT = 256


def _wsum_body(buf_ref, w_ref, y_ref):
    acc = w_ref[0, :, 0:1] * buf_ref[0]
    for j in range(1, _NJ):
        acc = acc + w_ref[j, :, 0:1] * buf_ref[j]
    y_ref[...] = acc


def _wsum(buf, w):
    return pl.pallas_call(
        _wsum_body,
        grid=(N // _WT,),
        in_specs=[
            pl.BlockSpec((_NJ, _WT, D), lambda i: (0, i, 0)),
            pl.BlockSpec((_NJ, _WT, L), lambda i: (0, i, 0)),
        ],
        out_specs=pl.BlockSpec((_WT, D), lambda i: (i, 0)),
        out_shape=jax.ShapeDtypeStruct((N, D), jnp.float32),
    )(buf, w)


def kernel(x, domain_label, domain_scale, s_pw, s_pb, s_sim, s_ls, s_w1,
           s_b1, s_w2, s_b2, d_pw, d_pb, d_sim, d_ls, d_w1, d_b1, d_w2,
           d_b2, n_pw, n_pb, n_sim, n_ls, n_w1, n_b1, n_w2, n_b2):
    pw_all = jnp.stack([s_pw, d_pw, n_pw])
    pb_all = jnp.stack([s_pb, d_pb, n_pb]).reshape(NB, 1, PROJ)
    sim_all = jnp.stack([s_sim, d_sim, n_sim])
    ls_all = jnp.stack([s_ls, d_ls, n_ls]).reshape(NB, 1)
    lab = domain_label.astype(jnp.int32).reshape(N, 1)
    ds = domain_scale.reshape(1, 1)

    dest3, w3, cnt3 = _gate_route(x, pw_all, pb_all, sim_all, ls_all,
                                  lab, ds)
    tok = jnp.tile(jnp.arange(N, dtype=jnp.int32), K)
    xes = _dispatch(x, tok, dest3.reshape(AT))

    yes = []
    packs = [(s_w1, s_b1, s_w2, s_b2), (d_w1, d_b1, d_w2, d_b2),
             (n_w1, n_b1, n_w2, n_b2)]
    for b in range(NB):
        w1, b1, w2, b2 = packs[b]
        cnt9 = jnp.concatenate([cnt3[b].reshape(E),
                                jnp.ones((1,), jnp.int32)])
        ye = _ffn(cnt9, xes[b], w1, b1.reshape(E, 1, H),
                  w2, b2.reshape(E, 1, D))
        yes.append(ye)

    buf = _combine_gather(yes[0], yes[1], yes[2], dest3.reshape(AT))
    return _wsum(buf.reshape(_NJ, N, D), w3.reshape(_NJ, N, L))

# --- scband reference (transcript-rebuilt; emitter-appended) ---
"""Pipeline reference for scband-mo-elayer-5669356830855 (READ-ONLY COPY).

The authoritative reference and input builder live on the scoring server;
editing this copy changes nothing except your own understanding.
"""

import jax, jax.numpy as jnp
import numpy as np

D = 768
H = 1536
E = 8
K = 2
N = 2048
PROJ = 256
CAP = 2 * ((K * N) // E)


def setup_inputs(seed: int = 0) -> dict:
    key = jax.random.key(seed)
    ks = jax.random.split(key, 4)
    inp = {}
    inp['x'] = jax.random.normal(ks[0], (N, D), dtype=jnp.float32)
    inp['domain_label'] = jax.random.randint(ks[1], (N,), 0, 2)
    inp['domain_scale'] = jax.random.normal(ks[2], (1,), dtype=jnp.float32) * 0.1
    for i, p in enumerate(['s', 'd', 'n']):
        kk = jax.random.split(jax.random.fold_in(key, 10 + i), 4)
        inp[p + '_pw'] = jax.random.normal(kk[0], (D, PROJ), dtype=jnp.float32) * 0.02
        inp[p + '_pb'] = jnp.zeros((PROJ,), jnp.float32)
        inp[p + '_sim'] = jax.random.normal(kk[1], (PROJ, E), dtype=jnp.float32)
        inp[p + '_ls'] = jnp.full((), float(np.log(1.0 / 0.07)), jnp.float32)
        inp[p + '_w1'] = jax.random.normal(kk[2], (E, D, H), dtype=jnp.float32) * 0.02
        inp[p + '_b1'] = jnp.zeros((E, H), jnp.float32)
        inp[p + '_w2'] = jax.random.normal(kk[3], (E, H, D), dtype=jnp.float32) * 0.02
        inp[p + '_b2'] = jnp.zeros((E, D), jnp.float32)
    return inp


def _moe(x, pw, pb, sim, ls, w1, b1, w2, b2):
    # tutel 'cosine_top' gate: projected, L2-normalized cosine similarity with clamped learned logit scale
    proj = x @ pw + pb
    proj = proj / (jnp.linalg.norm(proj, axis=-1, keepdims=True) + 1e-12)
    simn = sim / (jnp.linalg.norm(sim, axis=0, keepdims=True) + 1e-12)
    scale = jnp.exp(jnp.minimum(ls, jnp.log(1.0 / 0.01)))
    logits = (proj @ simn) * scale
    gates = jax.nn.softmax(logits, axis=-1)
    topv, topi = jax.lax.top_k(gates, K)
    topv = topv / (jnp.sum(topv, axis=-1, keepdims=True) + 1e-12)
    n = x.shape[0]
    idx = topi.T.reshape(-1)
    gv = topv.T.reshape(-1)
    tok = jnp.tile(jnp.arange(n), K)
    oh = jax.nn.one_hot(idx, E, dtype=jnp.float32)
    pos = jnp.sum((jnp.cumsum(oh, axis=0) - 1.0) * oh, axis=-1).astype(jnp.int32)
    keep = (pos < CAP).astype(x.dtype)
    posc = jnp.clip(pos, 0, CAP - 1)
    xe = jnp.zeros((E, CAP, D), x.dtype).at[idx, posc].add(x[tok] * keep[:, None])
    hdn = jax.nn.relu(jnp.einsum('ecd,edh->ech', xe, w1) + b1[:, None, :])
    ye = jnp.einsum('ech,ehd->ecd', hdn, w2) + b2[:, None, :]
    y = jnp.zeros((n, D), x.dtype).at[tok].add(ye[idx, posc] * (gv * keep)[:, None])
    return y


def reference(x, domain_label, domain_scale, s_pw, s_pb, s_sim, s_ls, s_w1, s_b1, s_w2, s_b2, d_pw, d_pb, d_sim, d_ls, d_w1, d_b1, d_w2, d_b2, n_pw, n_pb, n_sim, n_ls, n_w1, n_b1, n_w2, n_b2):
    f_shared = _moe(x, s_pw, s_pb, s_sim, s_ls, s_w1, s_b1, s_w2, s_b2)
    day = (domain_label == 0).astype(x.dtype)[:, None]
    night = (domain_label == 1).astype(x.dtype)[:, None]
    f_domain = _moe(x, d_pw, d_pb, d_sim, d_ls, d_w1, d_b1, d_w2, d_b2) * day \
        + _moe(x, n_pw, n_pb, n_sim, n_ls, n_w1, n_b1, n_w2, n_b2) * night
    out = f_shared + domain_scale * f_domain
    return out

if __name__ == "__main__":
    import jax
    _d = setup_inputs()
    print(jax.jit(kernel)(*tuple(_d.values())))

</pallas_src>

<mosaic_0001>
#map = affine_map<(d0, d1) -> (0, 0)>
#map1 = affine_map<(d0, d1) -> (0)>
module attributes {stable_mosaic.version = 14 : i64} {
  func.func @_dispatch_body(%arg0: i32, %arg1: i32, %arg2: memref<2048x768xf32, #tpu.memory_space<hbm>>, %arg3: memref<4096xi32, #tpu.memory_space<hbm>>, %arg4: memref<12288xi32, #tpu.memory_space<hbm>>, %arg5: memref<8448x768xf32, #tpu.memory_space<hbm>>, %arg6: memref<8448x768xf32, #tpu.memory_space<hbm>>, %arg7: memref<8448x768xf32, #tpu.memory_space<hbm>>, %arg8: memref<64xi32, #tpu.memory_space<vmem>>, %arg9: memref<64xi32, #tpu.memory_space<vmem>>, %arg10: memref<6x64xi32, #tpu.memory_space<vmem>>, %arg11: memref<64x768xf32, #tpu.memory_space<vmem>>, %arg12: memref<64x768xf32, #tpu.memory_space<vmem>>, %arg13: memref<!tpu.dma_semaphore, #tpu.memory_space<semaphore_mem>>, %arg14: memref<!tpu.dma_semaphore, #tpu.memory_space<semaphore_mem>>, %arg15: memref<!tpu.dma_semaphore, #tpu.memory_space<semaphore_mem>>, %arg16: memref<!tpu.dma_semaphore, #tpu.memory_space<semaphore_mem>>, %arg17: memref<!tpu.dma_semaphore, #tpu.memory_space<semaphore_mem>>) attributes {dimension_semantics = [#tpu.dimension_semantics<core_parallel>, #tpu.dimension_semantics<subcore_parallel>], iteration_bounds = array<i64: 2, 16>, scalar_prefetch = 0 : i64, scratch_operands = 10 : i64, tpu.core_type = #tpu.core_type<sc_vector_subcore>, window_params = [{transform_indices = #map}, {transform_indices = #map1}, {transform_indices = #map1}, {transform_indices = #map}, {transform_indices = #map}, {transform_indices = #map}]} {
    %mul3A = arith.constant 2 : i32
    %mul3A_0 = arith.muli %arg1, %mul3A : i32
    %add3A = arith.addi %mul3A_0, %arg0 : i32
    %mul3A_1 = arith.constant 128 : i32
    %mul3A_2 = arith.muli %add3A, %mul3A_1 : i32
    %add3A_3 = arith.constant 0 : i32
    %add3A_4 = arith.addi %mul3A_2, %add3A_3 : i32
    %add3A_5 = arith.constant 64 : i32
    %add3A_6 = arith.addi %mul3A_2, %add3A_5 : i32
    %add3A_7 = arith.constant 0 : i32
    %add3A_8 = arith.addi %add3A_7, %mul3A_2 : i32
    %add3A_9 = arith.constant 0 : i32
    %add3A_10 = arith.addi %add3A_8, %add3A_9 : i32
    %add3A_11 = arith.constant 0 : i32
    %add3A_12 = arith.addi %add3A_11, %mul3A_2 : i32
    %add3A_13 = arith.constant 64 : i32
    %add3A_14 = arith.addi %add3A_12, %add3A_13 : i32
    %add3A_15 = arith.constant 4096 : i32
    %add3A_16 = arith.addi %add3A_15, %mul3A_2 : i32
    %add3A_17 = arith.constant 0 : i32
    %add3A_18 = arith.addi %add3A_16, %add3A_17 : i32
    %add3A_19 = arith.constant 4096 : i32
    %add3A_20 = arith.addi %add3A_19, %mul3A_2 : i32
    %add3A_21 = arith.constant 64 : i32
    %add3A_22 = arith.addi %add3A_20, %add3A_21 : i32
    %add3A_23 = arith.constant 8192 : i32
    %add3A_24 = arith.addi %add3A_23, %mul3A_2 : i32
    %add3A_25 = arith.constant 0 : i32
    %add3A_26 = arith.addi %add3A_24, %add3A_25 : i32
    %add3A_27 = arith.constant 8192 : i32
    %add3A_28 = arith.addi %add3A_27, %mul3A_2 : i32
    %add3A_29 = arith.constant 64 : i32
    %add3A_30 = arith.addi %add3A_28, %add3A_29 : i32
    %dma_start3A = tpu.memref_slice %arg3[%add3A_4] : memref<4096xi32, #tpu.memory_space<hbm>> -> memref<64xi32, #tpu.memory_space<hbm>>
    %dma_start3A_31 = tpu.memref_slice %arg3[%add3A_4] : memref<4096xi32, #tpu.memory_space<hbm>> -> memref<64xi32, #tpu.memory_space<hbm>>
    tpu.enqueue_dma source(%dma_start3A_31 : memref<64xi32, #tpu.memory_space<hbm>>) target(%arg8 : memref<64xi32, #tpu.memory_space<vmem>>) target_semaphore(%arg13 : memref<!tpu.dma_semaphore, #tpu.memory_space<semaphore_mem>>)
    %dma_start3A_32 = tpu.memref_slice %arg3[%add3A_6] : memref<4096xi32, #tpu.memory_space<hbm>> -> memref<64xi32, #tpu.memory_space<hbm>>
    %dma_start3A_33 = tpu.memref_slice %arg3[%add3A_6] : memref<4096xi32, #tpu.memory_space<hbm>> -> memref<64xi32, #tpu.memory_space<hbm>>
    tpu.enqueue_dma source(%dma_start3A_33 : memref<64xi32, #tpu.memory_space<hbm>>) target(%arg9 : memref<64xi32, #tpu.memory_space<vmem>>) target_semaphore(%arg13 : memref<!tpu.dma_semaphore, #tpu.memory_space<semaphore_mem>>)
    %dma_start3A_34 = arith.constant 0 : i32
    %dma_start3A_35 = arith.constant 0 : i32
    %dma_start3A_36 = tpu.memref_slice %arg10[%dma_start3A_34, %dma_start3A_35] : memref<6x64xi32, #tpu.memory_space<vmem>> -> memref<1x64xi32, #tpu.memory_space<vmem>>
    %dma_start3A_37 = tpu.memref_squeeze %dma_start3A_36 : memref<1x64xi32, #tpu.memory_space<vmem>> -> memref<64xi32, #tpu.memory_space<vmem>>
    %dma_start3A_38 = tpu.memref_slice %arg4[%add3A_10] : memref<12288xi32, #tpu.memory_space<hbm>> -> memref<64xi32, #tpu.memory_space<hbm>>
    %dma_start3A_39 = arith.constant 0 : i32
    %dma_start3A_40 = tpu.memref_slice %arg10[%dma_start3A_34, %dma_start3A_39] : memref<6x64xi32, #tpu.memory_space<vmem>> -> memref<1x64xi32, #tpu.memory_space<vmem>>
    %dma_start3A_41 = tpu.memref_squeeze %dma_start3A_40 : memref<1x64xi32, #tpu.memory_space<vmem>> -> memref<64xi32, #tpu.memory_space<vmem>>
    %dma_start3A_42 = tpu.memref_slice %arg4[%add3A_10] : memref<12288xi32, #tpu.memory_space<hbm>> -> memref<64xi32, #tpu.memory_space<hbm>>
    tpu.enqueue_dma source(%dma_start3A_42 : memref<64xi32, #tpu.memory_space<hbm>>) target(%dma_start3A_41 : memref<64xi32, #tpu.memory_space<vmem>>) target_semaphore(%arg13 : memref<!tpu.dma_semaphore, #tpu.memory_space<semaphore_mem>>)
    %dma_start3A_43 = arith.constant 1 : i32
    %dma_start3A_44 = arith.constant 0 : i32
    %dma_start3A_45 = tpu.memref_slice %arg10[%dma_start3A_43, %dma_start3A_44] : memref<6x64xi32, #tpu.memory_space<vmem>> -> memref<1x64xi32, #tpu.memory_space<vmem>>
    %dma_start3A_46 = tpu.memref_squeeze %dma_start3A_45 : memref<1x64xi32, #tpu.memory_space<vmem>> -> memref<64xi32, #tpu.memory_space<vmem>>
    %dma_start3A_47 = tpu.memref_slice %arg4[%add3A_14] : memref<12288xi32, #tpu.memory_space<hbm>> -> memref<64xi32, #tpu.memory_space<hbm>>
    %dma_start3A_48 = arith.constant 0 : i32
    %dma_start3A_49 = tpu.memref_slice %arg10[%dma_start3A_43, %dma_start3A_48] : memref<6x64xi32, #tpu.memory_space<vmem>> -> memref<1x64xi32, #tpu.memory_space<vmem>>
    %dma_start3A_50 = tpu.memref_squeeze %dma_start3A_49 : memref<1x64xi32, #tpu.memory_space<vmem>> -> memref<64xi32, #tpu.memory_space<vmem>>
    %dma_start3A_51 = tpu.memref_slice %arg4[%add3A_14] : memref<12288xi32, #tpu.memory_space<hbm>> -> memref<64xi32, #tpu.memory_space<hbm>>
    tpu.enqueue_dma source(%dma_start3A_51 : memref<64xi32, #tpu.memory_space<hbm>>) target(%dma_start3A_50 : memref<64xi32, #tpu.memory_space<vmem>>) target_semaphore(%arg13 : memref<!tpu.dma_semaphore, #tpu.memory_space<semaphore_mem>>)
    %dma_start3A_52 = arith.constant 2 : i32
    %dma_start3A_53 = arith.constant 0 : i32
    %dma_start3A_54 = tpu.memref_slice %arg10[%dma_start3A_52, %dma_start3A_53] : memref<6x64xi32, #tpu.memory_space<vmem>> -> memref<1x64xi32, #tpu.memory_space<vmem>>
    %dma_start3A_55 = tpu.memref_squeeze %dma_start3A_54 : memref<1x64xi32, #tpu.memory_space<vmem>> -> memref<64xi32, #tpu.memory_space<vmem>>
    %dma_start3A_56 = tpu.memref_slice %arg4[%add3A_18] : memref<12288xi32, #tpu.memory_space<hbm>> -> memref<64xi32, #tpu.memory_space<hbm>>
    %dma_start3A_57 = arith.constant 0 : i32
    %dma_start3A_58 = tpu.memref_slice %arg10[%dma_start3A_52, %dma_start3A_57] : memref<6x64xi32, #tpu.memory_space<vmem>> -> memref<1x64xi32, #tpu.memory_space<vmem>>
    %dma_start3A_59 = tpu.memref_squeeze %dma_start3A_58 : memref<1x64xi32, #tpu.memory_space<vmem>> -> memref<64xi32, #tpu.memory_space<vmem>>
    %dma_start3A_60 = tpu.memref_slice %arg4[%add3A_18] : memref<12288xi32, #tpu.memory_space<hbm>> -> memref<64xi32, #tpu.memory_space<hbm>>
    tpu.enqueue_dma source(%dma_start3A_60 : memref<64xi32, #tpu.memory_space<hbm>>) target(%dma_start3A_59 : memref<64xi32, #tpu.memory_space<vmem>>) target_semaphore(%arg13 : memref<!tpu.dma_semaphore, #tpu.memory_space<semaphore_mem>>)
    %dma_start3A_61 = arith.constant 3 : i32
    %dma_start3A_62 = arith.constant 0 : i32
    %dma_start3A_63 = tpu.memref_slice %arg10[%dma_start3A_61, %dma_start3A_62] : memref<6x64xi32, #tpu.memory_space<vmem>> -> memref<1x64xi32, #tpu.memory_space<vmem>>
    %dma_start3A_64 = tpu.memref_squeeze %dma_start3A_63 : memref<1x64xi32, #tpu.memory_space<vmem>> -> memref<64xi32, #tpu.memory_space<vmem>>
    %dma_start3A_65 = tpu.memref_slice %arg4[%add3A_22] : memref<12288xi32, #tpu.memory_space<hbm>> -> memref<64xi32, #tpu.memory_space<hbm>>
    %dma_start3A_66 = arith.constant 0 : i32
    %dma_start3A_67 = tpu.memref_slice %arg10[%dma_start3A_61, %dma_start3A_66] : memref<6x64xi32, #tpu.memory_space<vmem>> -> memref<1x64xi32, #tpu.memory_space<vmem>>
    %dma_start3A_68 = tpu.memref_squeeze %dma_start3A_67 : memref<1x64xi32, #tpu.memory_space<vmem>> -> memref<64xi32, #tpu.memory_space<vmem>>
    %dma_start3A_69 = tpu.memref_slice %arg4[%add3A_22] : memref<12288xi32, #tpu.memory_space<hbm>> -> memref<64xi32, #tpu.memory_space<hbm>>
    tpu.enqueue_dma source(%dma_start3A_69 : memref<64xi32, #tpu.memory_space<hbm>>) target(%dma_start3A_68 : memref<64xi32, #tpu.memory_space<vmem>>) target_semaphore(%arg13 : memref<!tpu.dma_semaphore, #tpu.memory_space<semaphore_mem>>)
    %dma_start3A_70 = arith.constant 4 : i32
    %dma_start3A_71 = arith.constant 0 : i32
    %dma_start3A_72 = tpu.memref_slice %arg10[%dma_start3A_70, %dma_start3A_71] : memref<6x64xi32, #tpu.memory_space<vmem>> -> memref<1x64xi32, #tpu.memory_space<vmem>>
    %dma_start3A_73 = tpu.memref_squeeze %dma_start3A_72 : memref<1x64xi32, #tpu.memory_space<vmem>> -> memref<64xi32, #tpu.memory_space<vmem>>
    %dma_start3A_74 = tpu.memref_slice %arg4[%add3A_26] : memref<12288xi32, #tpu.memory_space<hbm>> -> memref<64xi32, #tpu.memory_space<hbm>>
    %dma_start3A_75 = arith.constant 0 : i32
    %dma_start3A_76 = tpu.memref_slice %arg10[%dma_start3A_70, %dma_start3A_75] : memref<6x64xi32, #tpu.memory_space<vmem>> -> memref<1x64xi32, #tpu.memory_space<vmem>>
    %dma_start3A_77 = tpu.memref_squeeze %dma_start3A_76 : memref<1x64xi32, #tpu.memory_space<vmem>> -> memref<64xi32, #tpu.memory_space<vmem>>
    %dma_start3A_78 = tpu.memref_slice %arg4[%add3A_26] : memref<12288xi32, #tpu.memory_space<hbm>> -> memref<64xi32, #tpu.memory_space<hbm>>
    tpu.enqueue_dma source(%dma_start3A_78 : memref<64xi32, #tpu.memory_space<hbm>>) target(%dma_start3A_77 : memref<64xi32, #tpu.memory_space<vmem>>) target_semaphore(%arg13 : memref<!tpu.dma_semaphore, #tpu.memory_space<semaphore_mem>>)
    %dma_start3A_79 = arith.constant 5 : i32
    %dma_start3A_80 = arith.constant 0 : i32
    %dma_start3A_81 = tpu.memref_slice %arg10[%dma_start3A_79, %dma_start3A_80] : memref<6x64xi32, #tpu.memory_space<vmem>> -> memref<1x64xi32, #tpu.memory_space<vmem>>
    %dma_start3A_82 = tpu.memref_squeeze %dma_start3A_81 : memref<1x64xi32, #tpu.memory_space<vmem>> -> memref<64xi32, #tpu.memory_space<vmem>>
    %dma_start3A_83 = tpu.memref_slice %arg4[%add3A_30] : memref<12288xi32, #tpu.memory_space<hbm>> -> memref<64xi32, #tpu.memory_space<hbm>>
    %dma_start3A_84 = arith.constant 0 : i32
    %dma_start3A_85 = tpu.memref_slice %arg10[%dma_start3A_79, %dma_start3A_84] : memref<6x64xi32, #tpu.memory_space<vmem>> -> memref<1x64xi32, #tpu.memory_space<vmem>>
    %dma_start3A_86 = tpu.memref_squeeze %dma_start3A_85 : memref<1x64xi32, #tpu.memory_space<vmem>> -> memref<64xi32, #tpu.memory_space<vmem>>
    %dma_start3A_87 = tpu.memref_slice %arg4[%add3A_30] : memref<12288xi32, #tpu.memory_space<hbm>> -> memref<64xi32, #tpu.memory_space<hbm>>
    tpu.enqueue_dma source(%dma_start3A_87 : memref<64xi32, #tpu.memory_space<hbm>>) target(%dma_start3A_86 : memref<64xi32, #tpu.memory_space<vmem>>) target_semaphore(%arg13 : memref<!tpu.dma_semaphore, #tpu.memory_space<semaphore_mem>>)
    %dma_wait3A = tpu.memref_slice %arg3[%add3A_4] : memref<4096xi32, #tpu.memory_space<hbm>> -> memref<64xi32, #tpu.memory_space<hbm>>
    %dma_wait3A_88 = tpu.memref_slice %arg3[%add3A_4] : memref<4096xi32, #tpu.memory_space<hbm>> -> memref<64xi32, #tpu.memory_space<hbm>>
    tpu.wait_dma2 semaphore(%arg13 : memref<!tpu.dma_semaphore, #tpu.memory_space<semaphore_mem>>) src(%dma_wait3A_88 : memref<64xi32, #tpu.memory_space<hbm>>) dst(%arg8 : memref<64xi32, #tpu.memory_space<vmem>>)
    %dma_wait3A_89 = tpu.memref_slice %arg3[%add3A_6] : memref<4096xi32, #tpu.memory_space<hbm>> -> memref<64xi32, #tpu.memory_space<hbm>>
    %dma_wait3A_90 = tpu.memref_slice %arg3[%add3A_6] : memref<4096xi32, #tpu.memory_space<hbm>> -> memref<64xi32, #tpu.memory_space<hbm>>
    tpu.wait_dma2 semaphore(%arg13 : memref<!tpu.dma_semaphore, #tpu.memory_space<semaphore_mem>>) src(%dma_wait3A_90 : memref<64xi32, #tpu.memory_space<hbm>>) dst(%arg9 : memref<64xi32, #tpu.memory_space<vmem>>)
    %dma_wait3A_91 = arith.constant 0 : i32
    %dma_wait3A_92 = arith.constant 0 : i32
    %dma_wait3A_93 = tpu.memref_slice %arg10[%dma_wait3A_91, %dma_wait3A_92] : memref<6x64xi32, #tpu.memory_space<vmem>> -> memref<1x64xi32, #tpu.memory_space<vmem>>
    %dma_wait3A_94 = tpu.memref_squeeze %dma_wait3A_93 : memref<1x64xi32, #tpu.memory_space<vmem>> -> memref<64xi32, #tpu.memory_space<vmem>>
    %dma_wait3A_95 = tpu.memref_slice %arg4[%add3A_10] : memref<12288xi32, #tpu.memory_space<hbm>> -> memref<64xi32, #tpu.memory_space<hbm>>
    %dma_wait3A_96 = arith.constant 0 : i32
    %dma_wait3A_97 = tpu.memref_slice %arg10[%dma_wait3A_91, %dma_wait3A_96] : memref<6x64xi32, #tpu.memory_space<vmem>> -> memref<1x64xi32, #tpu.memory_space<vmem>>
    %dma_wait3A_98 = tpu.memref_squeeze %dma_wait3A_97 : memref<1x64xi32, #tpu.memory_space<vmem>> -> memref<64xi32, #tpu.memory_space<vmem>>
    %dma_wait3A_99 = tpu.memref_slice %arg4[%add3A_10] : memref<12288xi32, #tpu.memory_space<hbm>> -> memref<64xi32, #tpu.memory_space<hbm>>
    tpu.wait_dma2 semaphore(%arg13 : memref<!tpu.dma_semaphore, #tpu.memory_space<semaphore_mem>>) src(%dma_wait3A_99 : memref<64xi32, #tpu.memory_space<hbm>>) dst(%dma_wait3A_98 : memref<64xi32, #tpu.memory_space<vmem>>)
    %dma_wait3A_100 = arith.constant 1 : i32
    %dma_wait3A_101 = arith.constant 0 : i32
    %dma_wait3A_102 = tpu.memref_slice %arg10[%dma_wait3A_100, %dma_wait3A_101] : memref<6x64xi32, #tpu.memory_space<vmem>> -> memref<1x64xi32, #tpu.memory_space<vmem>>
    %dma_wait3A_103 = tpu.memref_squeeze %dma_wait3A_102 : memref<1x64xi32, #tpu.memory_space<vmem>> -> memref<64xi32, #tpu.memory_space<vmem>>
    %dma_wait3A_104 = tpu.memref_slice %arg4[%add3A_14] : memref<12288xi32, #tpu.memory_space<hbm>> -> memref<64xi32, #tpu.memory_space<hbm>>
    %dma_wait3A_105 = arith.constant 0 : i32
    %dma_wait3A_106 = tpu.memref_slice %arg10[%dma_wait3A_100, %dma_wait3A_105] : memref<6x64xi32, #tpu.memory_space<vmem>> -> memref<1x64xi32, #tpu.memory_space<vmem>>
    %dma_wait3A_107 = tpu.memref_squeeze %dma_wait3A_106 : memref<1x64xi32, #tpu.memory_space<vmem>> -> memref<64xi32, #tpu.memory_space<vmem>>
    %dma_wait3A_108 = tpu.memref_slice %arg4[%add3A_14] : memref<12288xi32, #tpu.memory_space<hbm>> -> memref<64xi32, #tpu.memory_space<hbm>>
    tpu.wait_dma2 semaphore(%arg13 : memref<!tpu.dma_semaphore, #tpu.memory_space<semaphore_mem>>) src(%dma_wait3A_108 : memref<64xi32, #tpu.memory_space<hbm>>) dst(%dma_wait3A_107 : memref<64xi32, #tpu.memory_space<vmem>>)
    %dma_wait3A_109 = arith.constant 2 : i32
    %dma_wait3A_110 = arith.constant 0 : i32
    %dma_wait3A_111 = tpu.memref_slice %arg10[%dma_wait3A_109, %dma_wait3A_110] : memref<6x64xi32, #tpu.memory_space<vmem>> -> memref<1x64xi32, #tpu.memory_space<vmem>>
    %dma_wait3A_112 = tpu.memref_squeeze %dma_wait3A_111 : memref<1x64xi32, #tpu.memory_space<vmem>> -> memref<64xi32, #tpu.memory_space<vmem>>
    %dma_wait3A_113 = tpu.memref_slice %arg4[%add3A_18] : memref<12288xi32, #tpu.memory_space<hbm>> -> memref<64xi32, #tpu.memory_space<hbm>>
    %dma_wait3A_114 = arith.constant 0 : i32
    %dma_wait3A_115 = tpu.memref_slice %arg10[%dma_wait3A_109, %dma_wait3A_114] : memref<6x64xi32, #tpu.memory_space<vmem>> -> memref<1x64xi32, #tpu.memory_space<vmem>>
    %dma_wait3A_116 = tpu.memref_squeeze %dma_wait3A_115 : memref<1x64xi32, #tpu.memory_space<vmem>> -> memref<64xi32, #tpu.memory_space<vmem>>
    %dma_wait3A_117 = tpu.memref_slice %arg4[%add3A_18] : memref<12288xi32, #tpu.memory_space<hbm>> -> memref<64xi32, #tpu.memory_space<hbm>>
    tpu.wait_dma2 semaphore(%arg13 : memref<!tpu.dma_semaphore, #tpu.memory_space<semaphore_mem>>) src(%dma_wait3A_117 : memref<64xi32, #tpu.memory_space<hbm>>) dst(%dma_wait3A_116 : memref<64xi32, #tpu.memory_space<vmem>>)
    %dma_wait3A_118 = arith.constant 3 : i32
    %dma_wait3A_119 = arith.constant 0 : i32
    %dma_wait3A_120 = tpu.memref_slice %arg10[%dma_wait3A_118, %dma_wait3A_119] : memref<6x64xi32, #tpu.memory_space<vmem>> -> memref<1x64xi32, #tpu.memory_space<vmem>>
    %dma_wait3A_121 = tpu.memref_squeeze %dma_wait3A_120 : memref<1x64xi32, #tpu.memory_space<vmem>> -> memref<64xi32, #tpu.memory_space<vmem>>
    %dma_wait3A_122 = tpu.memref_slice %arg4[%add3A_22] : memref<12288xi32, #tpu.memory_space<hbm>> -> memref<64xi32, #tpu.memory_space<hbm>>
    %dma_wait3A_123 = arith.constant 0 : i32
    %dma_wait3A_124 = tpu.memref_slice %arg10[%dma_wait3A_118, %dma_wait3A_123] : memref<6x64xi32, #tpu.memory_space<vmem>> -> memref<1x64xi32, #tpu.memory_space<vmem>>
    %dma_wait3A_125 = tpu.memref_squeeze %dma_wait3A_124 : memref<1x64xi32, #tpu.memory_space<vmem>> -> memref<64xi32, #tpu.memory_space<vmem>>
    %dma_wait3A_126 = tpu.memref_slice %arg4[%add3A_22] : memref<12288xi32, #tpu.memory_space<hbm>> -> memref<64xi32, #tpu.memory_space<hbm>>
    tpu.wait_dma2 semaphore(%arg13 : memref<!tpu.dma_semaphore, #tpu.memory_space<semaphore_mem>>) src(%dma_wait3A_126 : memref<64xi32, #tpu.memory_space<hbm>>) dst(%dma_wait3A_125 : memref<64xi32, #tpu.memory_space<vmem>>)
    %dma_wait3A_127 = arith.constant 4 : i32
    %dma_wait3A_128 = arith.constant 0 : i32
    %dma_wait3A_129 = tpu.memref_slice %arg10[%dma_wait3A_127, %dma_wait3A_128] : memref<6x64xi32, #tpu.memory_space<vmem>> -> memref<1x64xi32, #tpu.memory_space<vmem>>
    %dma_wait3A_130 = tpu.memref_squeeze %dma_wait3A_129 : memref<1x64xi32, #tpu.memory_space<vmem>> -> memref<64xi32, #tpu.memory_space<vmem>>
    %dma_wait3A_131 = tpu.memref_slice %arg4[%add3A_26] : memref<12288xi32, #tpu.memory_space<hbm>> -> memref<64xi32, #tpu.memory_space<hbm>>
    %dma_wait3A_132 = arith.constant 0 : i32
    %dma_wait3A_133 = tpu.memref_slice %arg10[%dma_wait3A_127, %dma_wait3A_132] : memref<6x64xi32, #tpu.memory_space<vmem>> -> memref<1x64xi32, #tpu.memory_space<vmem>>
    %dma_wait3A_134 = tpu.memref_squeeze %dma_wait3A_133 : memref<1x64xi32, #tpu.memory_space<vmem>> -> memref<64xi32, #tpu.memory_space<vmem>>
    %dma_wait3A_135 = tpu.memref_slice %arg4[%add3A_26] : memref<12288xi32, #tpu.memory_space<hbm>> -> memref<64xi32, #tpu.memory_space<hbm>>
    tpu.wait_dma2 semaphore(%arg13 : memref<!tpu.dma_semaphore, #tpu.memory_space<semaphore_mem>>) src(%dma_wait3A_135 : memref<64xi32, #tpu.memory_space<hbm>>) dst(%dma_wait3A_134 : memref<64xi32, #tpu.memory_space<vmem>>)
    %dma_wait3A_136 = arith.constant 5 : i32
    %dma_wait3A_137 = arith.constant 0 : i32
    %dma_wait3A_138 = tpu.memref_slice %arg10[%dma_wait3A_136, %dma_wait3A_137] : memref<6x64xi32, #tpu.memory_space<vmem>> -> memref<1x64xi32, #tpu.memory_space<vmem>>
    %dma_wait3A_139 = tpu.memref_squeeze %dma_wait3A_138 : memref<1x64xi32, #tpu.memory_space<vmem>> -> memref<64xi32, #tpu.memory_space<vmem>>
    %dma_wait3A_140 = tpu.memref_slice %arg4[%add3A_30] : memref<12288xi32, #tpu.memory_space<hbm>> -> memref<64xi32, #tpu.memory_space<hbm>>
    %dma_wait3A_141 = arith.constant 0 : i32
    %dma_wait3A_142 = tpu.memref_slice %arg10[%dma_wait3A_136, %dma_wait3A_141] : memref<6x64xi32, #tpu.memory_space<vmem>> -> memref<1x64xi32, #tpu.memory_space<vmem>>
    %dma_wait3A_143 = tpu.memref_squeeze %dma_wait3A_142 : memref<1x64xi32, #tpu.memory_space<vmem>> -> memref<64xi32, #tpu.memory_space<vmem>>
    %dma_wait3A_144 = tpu.memref_slice %arg4[%add3A_30] : memref<12288xi32, #tpu.memory_space<hbm>> -> memref<64xi32, #tpu.memory_space<hbm>>
    tpu.wait_dma2 semaphore(%arg13 : memref<!tpu.dma_semaphore, #tpu.memory_space<semaphore_mem>>) src(%dma_wait3A_144 : memref<64xi32, #tpu.memory_space<hbm>>) dst(%dma_wait3A_143 : memref<64xi32, #tpu.memory_space<vmem>>)
    %dma_start3A_145 = arith.constant 0 : i32
    %dma_start3A_146 = arith.constant 0 : i32
    %dma_start3A_147 = tpu.memref_slice %arg2[%dma_start3A_145, %dma_start3A_146] : memref<2048x768xf32, #tpu.memory_space<hbm>> -> memref<2048x768xf32, #tpu.memory_space<hbm>>
    tpu.enqueue_indirect_dma source(%dma_start3A_147 : memref<2048x768xf32, #tpu.memory_space<hbm>>) target(%arg11 : memref<64x768xf32, #tpu.memory_space<vmem>>) offsets(%arg8 : memref<64xi32, #tpu.memory_space<vmem>>) semaphore(%arg14 : memref<!tpu.dma_semaphore, #tpu.memory_space<semaphore_mem>>)
    %dma_start3A_148 = arith.constant 0 : i32
    %dma_start3A_149 = arith.constant 0 : i32
    %dma_start3A_150 = tpu.memref_slice %arg2[%dma_start3A_148, %dma_start3A_149] : memref<2048x768xf32, #tpu.memory_space<hbm>> -> memref<2048x768xf32, #tpu.memory_space<hbm>>
    tpu.enqueue_indirect_dma source(%dma_start3A_150 : memref<2048x768xf32, #tpu.memory_space<hbm>>) target(%arg12 : memref<64x768xf32, #tpu.memory_space<vmem>>) offsets(%arg9 : memref<64xi32, #tpu.memory_space<vmem>>) semaphore(%arg15 : memref<!tpu.dma_semaphore, #tpu.memory_space<semaphore_mem>>)
    %dma_wait3A_151 = arith.constant 0 : i32
    %dma_wait3A_152 = arith.constant 0 : i32
    %dma_wait3A_153 = tpu.memref_slice %arg2[%dma_wait3A_151, %dma_wait3A_152] : memref<2048x768xf32, #tpu.memory_space<hbm>> -> memref<2048x768xf32, #tpu.memory_space<hbm>>
    tpu.wait_indirect_dma semaphore(%arg14 : memref<!tpu.dma_semaphore, #tpu.memory_space<semaphore_mem>>) src(%dma_wait3A_153 : memref<2048x768xf32, #tpu.memory_space<hbm>>) dst(%arg11 : memref<64x768xf32, #tpu.memory_space<vmem>>)
    %dma_start3A_154 = arith.constant 0 : i32
    %dma_start3A_155 = arith.constant 0 : i32
    %dma_start3A_156 = tpu.memref_slice %arg10[%dma_start3A_154, %dma_start3A_155] : memref<6x64xi32, #tpu.memory_space<vmem>> -> memref<1x64xi32, #tpu.memory_space<vmem>>
    %dma_start3A_157 = tpu.memref_squeeze %dma_start3A_156 : memref<1x64xi32, #tpu.memory_space<vmem>> -> memref<64xi32, #tpu.memory_space<vmem>>
    %dma_start3A_158 = arith.constant 0 : i32
    %dma_start3A_159 = arith.constant 0 : i32
    %dma_start3A_160 = tpu.memref_slice %arg5[%dma_start3A_158, %dma_start3A_159] : memref<8448x768xf32, #tpu.memory_space<hbm>> -> memref<8448x768xf32, #tpu.memory_space<hbm>>
    tpu.enqueue_indirect_dma source(%arg11 : memref<64x768xf32, #tpu.memory_space<vmem>>) target(%dma_start3A_160 : memref<8448x768xf32, #tpu.memory_space<hbm>>) offsets(%dma_start3A_157 : memref<64xi32, #tpu.memory_space<vmem>>) semaphore(%arg16 : memref<!tpu.dma_semaphore, #tpu.memory_space<semaphore_mem>>)
    %dma_start3A_161 = arith.constant 2 : i32
    %dma_start3A_162 = arith.constant 0 : i32
    %dma_start3A_163 = tpu.memref_slice %arg10[%dma_start3A_161, %dma_start3A_162] : memref<6x64xi32, #tpu.memory_space<vmem>> -> memref<1x64xi32, #tpu.memory_space<vmem>>
    %dma_start3A_164 = tpu.memref_squeeze %dma_start3A_163 : memref<1x64xi32, #tpu.memory_space<vmem>> -> memref<64xi32, #tpu.memory_space<vmem>>
    %dma_start3A_165 = arith.constant 0 : i32
    %dma_start3A_166 = arith.constant 0 : i32
    %dma_start3A_167 = tpu.memref_slice %arg6[%dma_start3A_165, %dma_start3A_166] : memref<8448x768xf32, #tpu.memory_space<hbm>> -> memref<8448x768xf32, #tpu.memory_space<hbm>>
    tpu.enqueue_indirect_dma source(%arg11 : memref<64x768xf32, #tpu.memory_space<vmem>>) target(%dma_start3A_167 : memref<8448x768xf32, #tpu.memory_space<hbm>>) offsets(%dma_start3A_164 : memref<64xi32, #tpu.memory_space<vmem>>) semaphore(%arg16 : memref<!tpu.dma_semaphore, #tpu.memory_space<semaphore_mem>>)
    %dma_start3A_168 = arith.constant 4 : i32
    %dma_start3A_169 = arith.constant 0 : i32
    %dma_start3A_170 = tpu.memref_slice %arg10[%dma_start3A_168, %dma_start3A_169] : memref<6x64xi32, #tpu.memory_space<vmem>> -> memref<1x64xi32, #tpu.memory_space<vmem>>
    %dma_start3A_171 = tpu.memref_squeeze %dma_start3A_170 : memref<1x64xi32, #tpu.memory_space<vmem>> -> memref<64xi32, #tpu.memory_space<vmem>>
    %dma_start3A_172 = arith.constant 0 : i32
    %dma_start3A_173 = arith.constant 0 : i32
    %dma_start3A_174 = tpu.memref_slice %arg7[%dma_start3A_172, %dma_start3A_173] : memref<8448x768xf32, #tpu.memory_space<hbm>> -> memref<8448x768xf32, #tpu.memory_space<hbm>>
    tpu.enqueue_indirect_dma source(%arg11 : memref<64x768xf32, #tpu.memory_space<vmem>>) target(%dma_start3A_174 : memref<8448x768xf32, #tpu.memory_space<hbm>>) offsets(%dma_start3A_171 : memref<64xi32, #tpu.memory_space<vmem>>) semaphore(%arg16 : memref<!tpu.dma_semaphore, #tpu.memory_space<semaphore_mem>>)
    %dma_wait3A_175 = arith.constant 0 : i32
    %dma_wait3A_176 = arith.constant 0 : i32
    %dma_wait3A_177 = tpu.memref_slice %arg2[%dma_wait3A_175, %dma_wait3A_176] : memref<2048x768xf32, #tpu.memory_space<hbm>> -> memref<2048x768xf32, #tpu.memory_space<hbm>>
    tpu.wait_indirect_dma semaphore(%arg15 : memref<!tpu.dma_semaphore, #tpu.memory_space<semaphore_mem>>) src(%dma_wait3A_177 : memref<2048x768xf32, #tpu.memory_space<hbm>>) dst(%arg12 : memref<64x768xf32, #tpu.memory_space<vmem>>)
    %dma_start3A_178 = arith.constant 1 : i32
    %dma_start3A_179 = arith.constant 0 : i32
    %dma_start3A_180 = tpu.memref_slice %arg10[%dma_start3A_178, %dma_start3A_179] : memref<6x64xi32, #tpu.memory_space<vmem>> -> memref<1x64xi32, #tpu.memory_space<vmem>>
    %dma_start3A_181 = tpu.memref_squeeze %dma_start3A_180 : memref<1x64xi32, #tpu.memory_space<vmem>> -> memref<64xi32, #tpu.memory_space<vmem>>
    %dma_start3A_182 = arith.constant 0 : i32
    %dma_start3A_183 = arith.constant 0 : i32
    %dma_start3A_184 = tpu.memref_slice %arg5[%dma_start3A_182, %dma_start3A_183] : memref<8448x768xf32, #tpu.memory_space<hbm>> -> memref<8448x768xf32, #tpu.memory_space<hbm>>
    tpu.enqueue_indirect_dma source(%arg12 : memref<64x768xf32, #tpu.memory_space<vmem>>) target(%dma_start3A_184 : memref<8448x768xf32, #tpu.memory_space<hbm>>) offsets(%dma_start3A_181 : memref<64xi32, #tpu.memory_space<vmem>>) semaphore(%arg17 : memref<!tpu.dma_semaphore, #tpu.memory_space<semaphore_mem>>)
    %dma_start3A_185 = arith.constant 3 : i32
    %dma_start3A_186 = arith.constant 0 : i32
    %dma_start3A_187 = tpu.memref_slice %arg10[%dma_start3A_185, %dma_start3A_186] : memref<6x64xi32, #tpu.memory_space<vmem>> -> memref<1x64xi32, #tpu.memory_space<vmem>>
    %dma_start3A_188 = tpu.memref_squeeze %dma_start3A_187 : memref<1x64xi32, #tpu.memory_space<vmem>> -> memref<64xi32, #tpu.memory_space<vmem>>
    %dma_start3A_189 = arith.constant 0 : i32
    %dma_start3A_190 = arith.constant 0 : i32
    %dma_start3A_191 = tpu.memref_slice %arg6[%dma_start3A_189, %dma_start3A_190] : memref<8448x768xf32, #tpu.memory_space<hbm>> -> memref<8448x768xf32, #tpu.memory_space<hbm>>
    tpu.enqueue_indirect_dma source(%arg12 : memref<64x768xf32, #tpu.memory_space<vmem>>) target(%dma_start3A_191 : memref<8448x768xf32, #tpu.memory_space<hbm>>) offsets(%dma_start3A_188 : memref<64xi32, #tpu.memory_space<vmem>>) semaphore(%arg17 : memref<!tpu.dma_semaphore, #tpu.memory_space<semaphore_mem>>)
    %dma_start3A_192 = arith.constant 5 : i32
    %dma_start3A_193 = arith.constant 0 : i32
    %dma_start3A_194 = tpu.memref_slice %arg10[%dma_start3A_192, %dma_start3A_193] : memref<6x64xi32, #tpu.memory_space<vmem>> -> memref<1x64xi32, #tpu.memory_space<vmem>>
    %dma_start3A_195 = tpu.memref_squeeze %dma_start3A_194 : memref<1x64xi32, #tpu.memory_space<vmem>> -> memref<64xi32, #tpu.memory_space<vmem>>
    %dma_start3A_196 = arith.constant 0 : i32
    %dma_start3A_197 = arith.constant 0 : i32
    %dma_start3A_198 = tpu.memref_slice %arg7[%dma_start3A_196, %dma_start3A_197] : memref<8448x768xf32, #tpu.memory_space<hbm>> -> memref<8448x768xf32, #tpu.memory_space<hbm>>
    tpu.enqueue_indirect_dma source(%arg12 : memref<64x768xf32, #tpu.memory_space<vmem>>) target(%dma_start3A_198 : memref<8448x768xf32, #tpu.memory_space<hbm>>) offsets(%dma_start3A_195 : memref<64xi32, #tpu.memory_space<vmem>>) semaphore(%arg17 : memref<!tpu.dma_semaphore, #tpu.memory_space<semaphore_mem>>)
    %dma_wait3A_199 = arith.constant 0 : i32
    %dma_wait3A_200 = arith.constant 0 : i32
    %dma_wait3A_201 = tpu.memref_slice %arg10[%dma_wait3A_199, %dma_wait3A_200] : memref<6x64xi32, #tpu.memory_space<vmem>> -> memref<1x64xi32, #tpu.memory_space<vmem>>
    %dma_wait3A_202 = tpu.memref_squeeze %dma_wait3A_201 : memref<1x64xi32, #tpu.memory_space<vmem>> -> memref<64xi32, #tpu.memory_space<vmem>>
    %dma_wait3A_203 = arith.constant 0 : i32
    %dma_wait3A_204 = arith.constant 0 : i32
    %dma_wait3A_205 = tpu.memref_slice %arg5[%dma_wait3A_203, %dma_wait3A_204] : memref<8448x768xf32, #tpu.memory_space<hbm>> -> memref<8448x768xf32, #tpu.memory_space<hbm>>
    tpu.wait_indirect_dma semaphore(%arg16 : memref<!tpu.dma_semaphore, #tpu.memory_space<semaphore_mem>>) src(%arg11 : memref<64x768xf32, #tpu.memory_space<vmem>>) dst(%dma_wait3A_205 : memref<8448x768xf32, #tpu.memory_space<hbm>>)
    %dma_wait3A_206 = arith.constant 2 : i32
    %dma_wait3A_207 = arith.constant 0 : i32
    %dma_wait3A_208 = tpu.memref_slice %arg10[%dma_wait3A_206, %dma_wait3A_207] : memref<6x64xi32, #tpu.memory_space<vmem>> -> memref<1x64xi32, #tpu.memory_space<vmem>>
    %dma_wait3A_209 = tpu.memref_squeeze %dma_wait3A_208 : memref<1x64xi32, #tpu.memory_space<vmem>> -> memref<64xi32, #tpu.memory_space<vmem>>
    %dma_wait3A_210 = arith.constant 0 : i32
    %dma_wait3A_211 = arith.constant 0 : i32
    %dma_wait3A_212 = tpu.memref_slice %arg6[%dma_wait3A_210, %dma_wait3A_211] : memref<8448x768xf32, #tpu.memory_space<hbm>> -> memref<8448x768xf32, #tpu.memory_space<hbm>>
    tpu.wait_indirect_dma semaphore(%arg16 : memref<!tpu.dma_semaphore, #tpu.memory_space<semaphore_mem>>) src(%arg11 : memref<64x768xf32, #tpu.memory_space<vmem>>) dst(%dma_wait3A_212 : memref<8448x768xf32, #tpu.memory_space<hbm>>)
    %dma_wait3A_213 = arith.constant 4 : i32
    %dma_wait3A_214 = arith.constant 0 : i32
    %dma_wait3A_215 = tpu.memref_slice %arg10[%dma_wait3A_213, %dma_wait3A_214] : memref<6x64xi32, #tpu.memory_space<vmem>> -> memref<1x64xi32, #tpu.memory_space<vmem>>
    %dma_wait3A_216 = tpu.memref_squeeze %dma_wait3A_215 : memref<1x64xi32, #tpu.memory_space<vmem>> -> memref<64xi32, #tpu.memory_space<vmem>>
    %dma_wait3A_217 = arith.constant 0 : i32
    %dma_wait3A_218 = arith.constant 0 : i32
    %dma_wait3A_219 = tpu.memref_slice %arg7[%dma_wait3A_217, %dma_wait3A_218] : memref<8448x768xf32, #tpu.memory_space<hbm>> -> memref<8448x768xf32, #tpu.memory_space<hbm>>
    tpu.wait_indirect_dma semaphore(%arg16 : memref<!tpu.dma_semaphore, #tpu.memory_space<semaphore_mem>>) src(%arg11 : memref<64x768xf32, #tpu.memory_space<vmem>>) dst(%dma_wait3A_219 : memref<8448x768xf32, #tpu.memory_space<hbm>>)
    %dma_wait3A_220 = arith.constant 1 : i32
    %dma_wait3A_221 = arith.constant 0 : i32
    %dma_wait3A_222 = tpu.memref_slice %arg10[%dma_wait3A_220, %dma_wait3A_221] : memref<6x64xi32, #tpu.memory_space<vmem>> -> memref<1x64xi32, #tpu.memory_space<vmem>>
    %dma_wait3A_223 = tpu.memref_squeeze %dma_wait3A_222 : memref<1x64xi32, #tpu.memory_space<vmem>> -> memref<64xi32, #tpu.memory_space<vmem>>
    %dma_wait3A_224 = arith.constant 0 : i32
    %dma_wait3A_225 = arith.constant 0 : i32
    %dma_wait3A_226 = tpu.memref_slice %arg5[%dma_wait3A_224, %dma_wait3A_225] : memref<8448x768xf32, #tpu.memory_space<hbm>> -> memref<8448x768xf32, #tpu.memory_space<hbm>>
    tpu.wait_indirect_dma semaphore(%arg17 : memref<!tpu.dma_semaphore, #tpu.memory_space<semaphore_mem>>) src(%arg12 : memref<64x768xf32, #tpu.memory_space<vmem>>) dst(%dma_wait3A_226 : memref<8448x768xf32, #tpu.memory_space<hbm>>)
    %dma_wait3A_227 = arith.constant 3 : i32
    %dma_wait3A_228 = arith.constant 0 : i32
    %dma_wait3A_229 = tpu.memref_slice %arg10[%dma_wait3A_227, %dma_wait3A_228] : memref<6x64xi32, #tpu.memory_space<vmem>> -> memref<1x64xi32, #tpu.memory_space<vmem>>
    %dma_wait3A_230 = tpu.memref_squeeze %dma_wait3A_229 : memref<1x64xi32, #tpu.memory_space<vmem>> -> memref<64xi32, #tpu.memory_space<vmem>>
    %dma_wait3A_231 = arith.constant 0 : i32
    %dma_wait3A_232 = arith.constant 0 : i32
    %dma_wait3A_233 = tpu.memref_slice %arg6[%dma_wait3A_231, %dma_wait3A_232] : memref<8448x768xf32, #tpu.memory_space<hbm>> -> memref<8448x768xf32, #tpu.memory_space<hbm>>
    tpu.wait_indirect_dma semaphore(%arg17 : memref<!tpu.dma_semaphore, #tpu.memory_space<semaphore_mem>>) src(%arg12 : memref<64x768xf32, #tpu.memory_space<vmem>>) dst(%dma_wait3A_233 : memref<8448x768xf32, #tpu.memory_space<hbm>>)
    %dma_wait3A_234 = arith.constant 5 : i32
    %dma_wait3A_235 = arith.constant 0 : i32
    %dma_wait3A_236 = tpu.memref_slice %arg10[%dma_wait3A_234, %dma_wait3A_235] : memref<6x64xi32, #tpu.memory_space<vmem>> -> memref<1x64xi32, #tpu.memory_space<vmem>>
    %dma_wait3A_237 = tpu.memref_squeeze %dma_wait3A_236 : memref<1x64xi32, #tpu.memory_space<vmem>> -> memref<64xi32, #tpu.memory_space<vmem>>
    %dma_wait3A_238 = arith.constant 0 : i32
    %dma_wait3A_239 = arith.constant 0 : i32
    %dma_wait3A_240 = tpu.memref_slice %arg7[%dma_wait3A_238, %dma_wait3A_239] : memref<8448x768xf32, #tpu.memory_space<hbm>> -> memref<8448x768xf32, #tpu.memory_space<hbm>>
    tpu.wait_indirect_dma semaphore(%arg17 : memref<!tpu.dma_semaphore, #tpu.memory_space<semaphore_mem>>) src(%arg12 : memref<64x768xf32, #tpu.memory_space<vmem>>) dst(%dma_wait3A_240 : memref<8448x768xf32, #tpu.memory_space<hbm>>)
    return
  }
}

#map = affine_map<(d0, d1) -> (0, 0)>
#map1 = affine_map<(d0, d1) -> (0)>
module attributes {stable_mosaic.version = 14 : i64} {
  func.func @_combine_gather_body(%arg0: i32, %arg1: i32, %arg2: memref<8448x768xf32, #tpu.memory_space<hbm>>, %arg3: memref<8448x768xf32, #tpu.memory_space<hbm>>, %arg4: memref<8448x768xf32, #tpu.memory_space<hbm>>, %arg5: memref<12288xi32, #tpu.memory_space<hbm>>, %arg6: memref<12288x768xf32, #tpu.memory_space<hbm>>, %arg7: memref<6x64xi32, #tpu.memory_space<vmem>>, %arg8: memref<64x768xf32, #tpu.memory_space<vmem>>, %arg9: memref<64x768xf32, #tpu.memory_space<vmem>>, %arg10: memref<!tpu.dma_semaphore, #tpu.memory_space<semaphore_mem>>, %arg11: memref<!tpu.dma_semaphore, #tpu.memory_space<semaphore_mem>>, %arg12: memref<!tpu.dma_semaphore, #tpu.memory_space<semaphore_mem>>, %arg13: memref<!tpu.dma_semaphore, #tpu.memory_space<semaphore_mem>>, %arg14: memref<!tpu.dma_semaphore, #tpu.memory_space<semaphore_mem>>) attributes {dimension_semantics = [#tpu.dimension_semantics<core_parallel>, #tpu.dimension_semantics<subcore_parallel>], iteration_bounds = array<i64: 2, 16>, scalar_prefetch = 0 : i64, scratch_operands = 8 : i64, tpu.core_type = #tpu.core_type<sc_vector_subcore>, window_params = [{transform_indices = #map}, {transform_indices = #map}, {transform_indices = #map}, {transform_indices = #map1}, {transform_indices = #map}]} {
    %mul3A = arith.constant 2 : i32
    %mul3A_0 = arith.muli %arg1, %mul3A : i32
    %add3A = arith.addi %mul3A_0, %arg0 : i32
    %mul3A_1 = arith.constant 64 : i32
    %mul3A_2 = arith.muli %add3A, %mul3A_1 : i32
    %add3A_3 = arith.constant 0 : i32
    %add3A_4 = arith.addi %mul3A_2, %add3A_3 : i32
    %add3A_5 = arith.constant 0 : i32
    %add3A_6 = arith.addi %add3A_5, %add3A_4 : i32
    %add3A_7 = arith.constant 2048 : i32
    %add3A_8 = arith.addi %add3A_7, %add3A_4 : i32
    %add3A_9 = arith.constant 4096 : i32
    %add3A_10 = arith.addi %add3A_9, %add3A_4 : i32
    %add3A_11 = arith.constant 6144 : i32
    %add3A_12 = arith.addi %add3A_11, %add3A_4 : i32
    %add3A_13 = arith.constant 8192 : i32
    %add3A_14 = arith.addi %add3A_13, %add3A_4 : i32
    %add3A_15 = arith.constant 10240 : i32
    %add3A_16 = arith.addi %add3A_15, %add3A_4 : i32
    %dma_start3A = arith.constant 0 : i32
    %dma_start3A_17 = arith.constant 0 : i32
    %dma_start3A_18 = tpu.memref_slice %arg7[%dma_start3A, %dma_start3A_17] : memref<6x64xi32, #tpu.memory_space<vmem>> -> memref<1x64xi32, #tpu.memory_space<vmem>>
    %dma_start3A_19 = tpu.memref_squeeze %dma_start3A_18 : memref<1x64xi32, #tpu.memory_space<vmem>> -> memref<64xi32, #tpu.memory_space<vmem>>
    %dma_start3A_20 = tpu.memref_slice %arg5[%add3A_6] : memref<12288xi32, #tpu.memory_space<hbm>> -> memref<64xi32, #tpu.memory_space<hbm>>
    %dma_start3A_21 = arith.constant 0 : i32
    %dma_start3A_22 = tpu.memref_slice %arg7[%dma_start3A, %dma_start3A_21] : memref<6x64xi32, #tpu.memory_space<vmem>> -> memref<1x64xi32, #tpu.memory_space<vmem>>
    %dma_start3A_23 = tpu.memref_squeeze %dma_start3A_22 : memref<1x64xi32, #tpu.memory_space<vmem>> -> memref<64xi32, #tpu.memory_space<vmem>>
    %dma_start3A_24 = tpu.memref_slice %arg5[%add3A_6] : memref<12288xi32, #tpu.memory_space<hbm>> -> memref<64xi32, #tpu.memory_space<hbm>>
    tpu.enqueue_dma source(%dma_start3A_24 : memref<64xi32, #tpu.memory_space<hbm>>) target(%dma_start3A_23 : memref<64xi32, #tpu.memory_space<vmem>>) target_semaphore(%arg10 : memref<!tpu.dma_semaphore, #tpu.memory_space<semaphore_mem>>)
    %dma_start3A_25 = arith.constant 1 : i32
    %dma_start3A_26 = arith.constant 0 : i32
    %dma_start3A_27 = tpu.memref_slice %arg7[%dma_start3A_25, %dma_start3A_26] : memref<6x64xi32, #tpu.memory_space<vmem>> -> memref<1x64xi32, #tpu.memory_space<vmem>>
    %dma_start3A_28 = tpu.memref_squeeze %dma_start3A_27 : memref<1x64xi32, #tpu.memory_space<vmem>> -> memref<64xi32, #tpu.memory_space<vmem>>
    %dma_start3A_29 = tpu.memref_slice %arg5[%add3A_8] : memref<12288xi32, #tpu.memory_space<hbm>> -> memref<64xi32, #tpu.memory_space<hbm>>
    %dma_start3A_30 = arith.constant 0 : i32
    %dma_start3A_31 = tpu.memref_slice %arg7[%dma_start3A_25, %dma_start3A_30] : memref<6x64xi32, #tpu.memory_space<vmem>> -> memref<1x64xi32, #tpu.memory_space<vmem>>
    %dma_start3A_32 = tpu.memref_squeeze %dma_start3A_31 : memref<1x64xi32, #tpu.memory_space<vmem>> -> memref<64xi32, #tpu.memory_space<vmem>>
    %dma_start3A_33 = tpu.memref_slice %arg5[%add3A_8] : memref<12288xi32, #tpu.memory_space<hbm>> -> memref<64xi32, #tpu.memory_space<hbm>>
    tpu.enqueue_dma source(%dma_start3A_33 : memref<64xi32, #tpu.memory_space<hbm>>) target(%dma_start3A_32 : memref<64xi32, #tpu.memory_space<vmem>>) target_semaphore(%arg10 : memref<!tpu.dma_semaphore, #tpu.memory_space<semaphore_mem>>)
    %dma_start3A_34 = arith.constant 2 : i32
    %dma_start3A_35 = arith.constant 0 : i32
    %dma_start3A_36 = tpu.memref_slice %arg7[%dma_start3A_34, %dma_start3A_35] : memref<6x64xi32, #tpu.memory_space<vmem>> -> memref<1x64xi32, #tpu.memory_space<vmem>>
    %dma_start3A_37 = tpu.memref_squeeze %dma_start3A_36 : memref<1x64xi32, #tpu.memory_space<vmem>> -> memref<64xi32, #tpu.memory_space<vmem>>
    %dma_start3A_38 = tpu.memref_slice %arg5[%add3A_10] : memref<12288xi32, #tpu.memory_space<hbm>> -> memref<64xi32, #tpu.memory_space<hbm>>
    %dma_start3A_39 = arith.constant 0 : i32
    %dma_start3A_40 = tpu.memref_slice %arg7[%dma_start3A_34, %dma_start3A_39] : memref<6x64xi32, #tpu.memory_space<vmem>> -> memref<1x64xi32, #tpu.memory_space<vmem>>
    %dma_start3A_41 = tpu.memref_squeeze %dma_start3A_40 : memref<1x64xi32, #tpu.memory_space<vmem>> -> memref<64xi32, #tpu.memory_space<vmem>>
    %dma_start3A_42 = tpu.memref_slice %arg5[%add3A_10] : memref<12288xi32, #tpu.memory_space<hbm>> -> memref<64xi32, #tpu.memory_space<hbm>>
    tpu.enqueue_dma source(%dma_start3A_42 : memref<64xi32, #tpu.memory_space<hbm>>) target(%dma_start3A_41 : memref<64xi32, #tpu.memory_space<vmem>>) target_semaphore(%arg10 : memref<!tpu.dma_semaphore, #tpu.memory_space<semaphore_mem>>)
    %dma_start3A_43 = arith.constant 3 : i32
    %dma_start3A_44 = arith.constant 0 : i32
    %dma_start3A_45 = tpu.memref_slice %arg7[%dma_start3A_43, %dma_start3A_44] : memref<6x64xi32, #tpu.memory_space<vmem>> -> memref<1x64xi32, #tpu.memory_space<vmem>>
    %dma_start3A_46 = tpu.memref_squeeze %dma_start3A_45 : memref<1x64xi32, #tpu.memory_space<vmem>> -> memref<64xi32, #tpu.memory_space<vmem>>
    %dma_start3A_47 = tpu.memref_slice %arg5[%add3A_12] : memref<12288xi32, #tpu.memory_space<hbm>> -> memref<64xi32, #tpu.memory_space<hbm>>
    %dma_start3A_48 = arith.constant 0 : i32
    %dma_start3A_49 = tpu.memref_slice %arg7[%dma_start3A_43, %dma_start3A_48] : memref<6x64xi32, #tpu.memory_space<vmem>> -> memref<1x64xi32, #tpu.memory_space<vmem>>
    %dma_start3A_50 = tpu.memref_squeeze %dma_start3A_49 : memref<1x64xi32, #tpu.memory_space<vmem>> -> memref<64xi32, #tpu.memory_space<vmem>>
    %dma_start3A_51 = tpu.memref_slice %arg5[%add3A_12] : memref<12288xi32, #tpu.memory_space<hbm>> -> memref<64xi32, #tpu.memory_space<hbm>>
    tpu.enqueue_dma source(%dma_start3A_51 : memref<64xi32, #tpu.memory_space<hbm>>) target(%dma_start3A_50 : memref<64xi32, #tpu.memory_space<vmem>>) target_semaphore(%arg10 : memref<!tpu.dma_semaphore, #tpu.memory_space<semaphore_mem>>)
    %dma_start3A_52 = arith.constant 4 : i32
    %dma_start3A_53 = arith.constant 0 : i32
    %dma_start3A_54 = tpu.memref_slice %arg7[%dma_start3A_52, %dma_start3A_53] : memref<6x64xi32, #tpu.memory_space<vmem>> -> memref<1x64xi32, #tpu.memory_space<vmem>>
    %dma_start3A_55 = tpu.memref_squeeze %dma_start3A_54 : memref<1x64xi32, #tpu.memory_space<vmem>> -> memref<64xi32, #tpu.memory_space<vmem>>
    %dma_start3A_56 = tpu.memref_slice %arg5[%add3A_14] : memref<12288xi32, #tpu.memory_space<hbm>> -> memref<64xi32, #tpu.memory_space<hbm>>
    %dma_start3A_57 = arith.constant 0 : i32
    %dma_start3A_58 = tpu.memref_slice %arg7[%dma_start3A_52, %dma_start3A_57] : memref<6x64xi32, #tpu.memory_space<vmem>> -> memref<1x64xi32, #tpu.memory_space<vmem>>
    %dma_start3A_59 = tpu.memref_squeeze %dma_start3A_58 : memref<1x64xi32, #tpu.memory_space<vmem>> -> memref<64xi32, #tpu.memory_space<vmem>>
    %dma_start3A_60 = tpu.memref_slice %arg5[%add3A_14] : memref<12288xi32, #tpu.memory_space<hbm>> -> memref<64xi32, #tpu.memory_space<hbm>>
    tpu.enqueue_dma source(%dma_start3A_60 : memref<64xi32, #tpu.memory_space<hbm>>) target(%dma_start3A_59 : memref<64xi32, #tpu.memory_space<vmem>>) target_semaphore(%arg10 : memref<!tpu.dma_semaphore, #tpu.memory_space<semaphore_mem>>)
    %dma_start3A_61 = arith.constant 5 : i32
    %dma_start3A_62 = arith.constant 0 : i32
    %dma_start3A_63 = tpu.memref_slice %arg7[%dma_start3A_61, %dma_start3A_62] : memref<6x64xi32, #tpu.memory_space<vmem>> -> memref<1x64xi32, #tpu.memory_space<vmem>>
    %dma_start3A_64 = tpu.memref_squeeze %dma_start3A_63 : memref<1x64xi32, #tpu.memory_space<vmem>> -> memref<64xi32, #tpu.memory_space<vmem>>
    %dma_start3A_65 = tpu.memref_slice %arg5[%add3A_16] : memref<12288xi32, #tpu.memory_space<hbm>> -> memref<64xi32, #tpu.memory_space<hbm>>
    %dma_start3A_66 = arith.constant 0 : i32
    %dma_start3A_67 = tpu.memref_slice %arg7[%dma_start3A_61, %dma_start3A_66] : memref<6x64xi32, #tpu.memory_space<vmem>> -> memref<1x64xi32, #tpu.memory_space<vmem>>
    %dma_start3A_68 = tpu.memref_squeeze %dma_start3A_67 : memref<1x64xi32, #tpu.memory_space<vmem>> -> memref<64xi32, #tpu.memory_space<vmem>>
    %dma_start3A_69 = tpu.memref_slice %arg5[%add3A_16] : memref<12288xi32, #tpu.memory_space<hbm>> -> memref<64xi32, #tpu.memory_space<hbm>>
    tpu.enqueue_dma source(%dma_start3A_69 : memref<64xi32, #tpu.memory_space<hbm>>) target(%dma_start3A_68 : memref<64xi32, #tpu.memory_space<vmem>>) target_semaphore(%arg10 : memref<!tpu.dma_semaphore, #tpu.memory_space<semaphore_mem>>)
    %dma_wait3A = arith.constant 0 : i32
    %dma_wait3A_70 = arith.constant 0 : i32
    %dma_wait3A_71 = tpu.memref_slice %arg7[%dma_wait3A, %dma_wait3A_70] : memref<6x64xi32, #tpu.memory_space<vmem>> -> memref<1x64xi32, #tpu.memory_space<vmem>>
    %dma_wait3A_72 = tpu.memref_squeeze %dma_wait3A_71 : memref<1x64xi32, #tpu.memory_space<vmem>> -> memref<64xi32, #tpu.memory_space<vmem>>
    %dma_wait3A_73 = tpu.memref_slice %arg5[%add3A_6] : memref<12288xi32, #tpu.memory_space<hbm>> -> memref<64xi32, #tpu.memory_space<hbm>>
    %dma_wait3A_74 = arith.constant 0 : i32
    %dma_wait3A_75 = tpu.memref_slice %arg7[%dma_wait3A, %dma_wait3A_74] : memref<6x64xi32, #tpu.memory_space<vmem>> -> memref<1x64xi32, #tpu.memory_space<vmem>>
    %dma_wait3A_76 = tpu.memref_squeeze %dma_wait3A_75 : memref<1x64xi32, #tpu.memory_space<vmem>> -> memref<64xi32, #tpu.memory_space<vmem>>
    %dma_wait3A_77 = tpu.memref_slice %arg5[%add3A_6] : memref<12288xi32, #tpu.memory_space<hbm>> -> memref<64xi32, #tpu.memory_space<hbm>>
    tpu.wait_dma2 semaphore(%arg10 : memref<!tpu.dma_semaphore, #tpu.memory_space<semaphore_mem>>) src(%dma_wait3A_77 : memref<64xi32, #tpu.memory_space<hbm>>) dst(%dma_wait3A_76 : memref<64xi32, #tpu.memory_space<vmem>>)
    %dma_wait3A_78 = arith.constant 1 : i32
    %dma_wait3A_79 = arith.constant 0 : i32
    %dma_wait3A_80 = tpu.memref_slice %arg7[%dma_wait3A_78, %dma_wait3A_79] : memref<6x64xi32, #tpu.memory_space<vmem>> -> memref<1x64xi32, #tpu.memory_space<vmem>>
    %dma_wait3A_81 = tpu.memref_squeeze %dma_wait3A_80 : memref<1x64xi32, #tpu.memory_space<vmem>> -> memref<64xi32, #tpu.memory_space<vmem>>
    %dma_wait3A_82 = tpu.memref_slice %arg5[%add3A_8] : memref<12288xi32, #tpu.memory_space<hbm>> -> memref<64xi32, #tpu.memory_space<hbm>>
    %dma_wait3A_83 = arith.constant 0 : i32
    %dma_wait3A_84 = tpu.memref_slice %arg7[%dma_wait3A_78, %dma_wait3A_83] : memref<6x64xi32, #tpu.memory_space<vmem>> -> memref<1x64xi32, #tpu.memory_space<vmem>>
    %dma_wait3A_85 = tpu.memref_squeeze %dma_wait3A_84 : memref<1x64xi32, #tpu.memory_space<vmem>> -> memref<64xi32, #tpu.memory_space<vmem>>
    %dma_wait3A_86 = tpu.memref_slice %arg5[%add3A_8] : memref<12288xi32, #tpu.memory_space<hbm>> -> memref<64xi32, #tpu.memory_space<hbm>>
    tpu.wait_dma2 semaphore(%arg10 : memref<!tpu.dma_semaphore, #tpu.memory_space<semaphore_mem>>) src(%dma_wait3A_86 : memref<64xi32, #tpu.memory_space<hbm>>) dst(%dma_wait3A_85 : memref<64xi32, #tpu.memory_space<vmem>>)
    %dma_wait3A_87 = arith.constant 2 : i32
    %dma_wait3A_88 = arith.constant 0 : i32
    %dma_wait3A_89 = tpu.memref_slice %arg7[%dma_wait3A_87, %dma_wait3A_88] : memref<6x64xi32, #tpu.memory_space<vmem>> -> memref<1x64xi32, #tpu.memory_space<vmem>>
    %dma_wait3A_90 = tpu.memref_squeeze %dma_wait3A_89 : memref<1x64xi32, #tpu.memory_space<vmem>> -> memref<64xi32, #tpu.memory_space<vmem>>
    %dma_wait3A_91 = tpu.memref_slice %arg5[%add3A_10] : memref<12288xi32, #tpu.memory_space<hbm>> -> memref<64xi32, #tpu.memory_space<hbm>>
    %dma_wait3A_92 = arith.constant 0 : i32
    %dma_wait3A_93 = tpu.memref_slice %arg7[%dma_wait3A_87, %dma_wait3A_92] : memref<6x64xi32, #tpu.memory_space<vmem>> -> memref<1x64xi32, #tpu.memory_space<vmem>>
    %dma_wait3A_94 = tpu.memref_squeeze %dma_wait3A_93 : memref<1x64xi32, #tpu.memory_space<vmem>> -> memref<64xi32, #tpu.memory_space<vmem>>
    %dma_wait3A_95 = tpu.memref_slice %arg5[%add3A_10] : memref<12288xi32, #tpu.memory_space<hbm>> -> memref<64xi32, #tpu.memory_space<hbm>>
    tpu.wait_dma2 semaphore(%arg10 : memref<!tpu.dma_semaphore, #tpu.memory_space<semaphore_mem>>) src(%dma_wait3A_95 : memref<64xi32, #tpu.memory_space<hbm>>) dst(%dma_wait3A_94 : memref<64xi32, #tpu.memory_space<vmem>>)
    %dma_wait3A_96 = arith.constant 3 : i32
    %dma_wait3A_97 = arith.constant 0 : i32
    %dma_wait3A_98 = tpu.memref_slice %arg7[%dma_wait3A_96, %dma_wait3A_97] : memref<6x64xi32, #tpu.memory_space<vmem>> -> memref<1x64xi32, #tpu.memory_space<vmem>>
    %dma_wait3A_99 = tpu.memref_squeeze %dma_wait3A_98 : memref<1x64xi32, #tpu.memory_space<vmem>> -> memref<64xi32, #tpu.memory_space<vmem>>
    %dma_wait3A_100 = tpu.memref_slice %arg5[%add3A_12] : memref<12288xi32, #tpu.memory_space<hbm>> -> memref<64xi32, #tpu.memory_space<hbm>>
    %dma_wait3A_101 = arith.constant 0 : i32
    %dma_wait3A_102 = tpu.memref_slice %arg7[%dma_wait3A_96, %dma_wait3A_101] : memref<6x64xi32, #tpu.memory_space<vmem>> -> memref<1x64xi32, #tpu.memory_space<vmem>>
    %dma_wait3A_103 = tpu.memref_squeeze %dma_wait3A_102 : memref<1x64xi32, #tpu.memory_space<vmem>> -> memref<64xi32, #tpu.memory_space<vmem>>
    %dma_wait3A_104 = tpu.memref_slice %arg5[%add3A_12] : memref<12288xi32, #tpu.memory_space<hbm>> -> memref<64xi32, #tpu.memory_space<hbm>>
    tpu.wait_dma2 semaphore(%arg10 : memref<!tpu.dma_semaphore, #tpu.memory_space<semaphore_mem>>) src(%dma_wait3A_104 : memref<64xi32, #tpu.memory_space<hbm>>) dst(%dma_wait3A_103 : memref<64xi32, #tpu.memory_space<vmem>>)
    %dma_wait3A_105 = arith.constant 4 : i32
    %dma_wait3A_106 = arith.constant 0 : i32
    %dma_wait3A_107 = tpu.memref_slice %arg7[%dma_wait3A_105, %dma_wait3A_106] : memref<6x64xi32, #tpu.memory_space<vmem>> -> memref<1x64xi32, #tpu.memory_space<vmem>>
    %dma_wait3A_108 = tpu.memref_squeeze %dma_wait3A_107 : memref<1x64xi32, #tpu.memory_space<vmem>> -> memref<64xi32, #tpu.memory_space<vmem>>
    %dma_wait3A_109 = tpu.memref_slice %arg5[%add3A_14] : memref<12288xi32, #tpu.memory_space<hbm>> -> memref<64xi32, #tpu.memory_space<hbm>>
    %dma_wait3A_110 = arith.constant 0 : i32
    %dma_wait3A_111 = tpu.memref_slice %arg7[%dma_wait3A_105, %dma_wait3A_110] : memref<6x64xi32, #tpu.memory_space<vmem>> -> memref<1x64xi32, #tpu.memory_space<vmem>>
    %dma_wait3A_112 = tpu.memref_squeeze %dma_wait3A_111 : memref<1x64xi32, #tpu.memory_space<vmem>> -> memref<64xi32, #tpu.memory_space<vmem>>
    %dma_wait3A_113 = tpu.memref_slice %arg5[%add3A_14] : memref<12288xi32, #tpu.memory_space<hbm>> -> memref<64xi32, #tpu.memory_space<hbm>>
    tpu.wait_dma2 semaphore(%arg10 : memref<!tpu.dma_semaphore, #tpu.memory_space<semaphore_mem>>) src(%dma_wait3A_113 : memref<64xi32, #tpu.memory_space<hbm>>) dst(%dma_wait3A_112 : memref<64xi32, #tpu.memory_space<vmem>>)
    %dma_wait3A_114 = arith.constant 5 : i32
    %dma_wait3A_115 = arith.constant 0 : i32
    %dma_wait3A_116 = tpu.memref_slice %arg7[%dma_wait3A_114, %dma_wait3A_115] : memref<6x64xi32, #tpu.memory_space<vmem>> -> memref<1x64xi32, #tpu.memory_space<vmem>>
    %dma_wait3A_117 = tpu.memref_squeeze %dma_wait3A_116 : memref<1x64xi32, #tpu.memory_space<vmem>> -> memref<64xi32, #tpu.memory_space<vmem>>
    %dma_wait3A_118 = tpu.memref_slice %arg5[%add3A_16] : memref<12288xi32, #tpu.memory_space<hbm>> -> memref<64xi32, #tpu.memory_space<hbm>>
    %dma_wait3A_119 = arith.constant 0 : i32
    %dma_wait3A_120 = tpu.memref_slice %arg7[%dma_wait3A_114, %dma_wait3A_119] : memref<6x64xi32, #tpu.memory_space<vmem>> -> memref<1x64xi32, #tpu.memory_space<vmem>>
    %dma_wait3A_121 = tpu.memref_squeeze %dma_wait3A_120 : memref<1x64xi32, #tpu.memory_space<vmem>> -> memref<64xi32, #tpu.memory_space<vmem>>
    %dma_wait3A_122 = tpu.memref_slice %arg5[%add3A_16] : memref<12288xi32, #tpu.memory_space<hbm>> -> memref<64xi32, #tpu.memory_space<hbm>>
    tpu.wait_dma2 semaphore(%arg10 : memref<!tpu.dma_semaphore, #tpu.memory_space<semaphore_mem>>) src(%dma_wait3A_122 : memref<64xi32, #tpu.memory_space<hbm>>) dst(%dma_wait3A_121 : memref<64xi32, #tpu.memory_space<vmem>>)
    %dma_start3A_123 = arith.constant 0 : i32
    %dma_start3A_124 = arith.constant 0 : i32
    %dma_start3A_125 = tpu.memref_slice %arg7[%dma_start3A_123, %dma_start3A_124] : memref<6x64xi32, #tpu.memory_space<vmem>> -> memref<1x64xi32, #tpu.memory_space<vmem>>
    %dma_start3A_126 = tpu.memref_squeeze %dma_start3A_125 : memref<1x64xi32, #tpu.memory_space<vmem>> -> memref<64xi32, #tpu.memory_space<vmem>>
    %dma_start3A_127 = arith.constant 0 : i32
    %dma_start3A_128 = arith.constant 0 : i32
    %dma_start3A_129 = tpu.memref_slice %arg2[%dma_start3A_127, %dma_start3A_128] : memref<8448x768xf32, #tpu.memory_space<hbm>> -> memref<8448x768xf32, #tpu.memory_space<hbm>>
    tpu.enqueue_indirect_dma source(%dma_start3A_129 : memref<8448x768xf32, #tpu.memory_space<hbm>>) target(%arg8 : memref<64x768xf32, #tpu.memory_space<vmem>>) offsets(%dma_start3A_126 : memref<64xi32, #tpu.memory_space<vmem>>) semaphore(%arg11 : memref<!tpu.dma_semaphore, #tpu.memory_space<semaphore_mem>>)
    %dma_wait3A_130 = arith.constant 0 : i32
    %dma_wait3A_131 = arith.constant 0 : i32
    %dma_wait3A_132 = tpu.memref_slice %arg7[%dma_wait3A_130, %dma_wait3A_131] : memref<6x64xi32, #tpu.memory_space<vmem>> -> memref<1x64xi32, #tpu.memory_space<vmem>>
    %dma_wait3A_133 = tpu.memref_squeeze %dma_wait3A_132 : memref<1x64xi32, #tpu.memory_space<vmem>> -> memref<64xi32, #tpu.memory_space<vmem>>
    %dma_wait3A_134 = arith.constant 0 : i32
    %dma_wait3A_135 = arith.constant 0 : i32
    %dma_wait3A_136 = tpu.memref_slice %arg2[%dma_wait3A_134, %dma_wait3A_135] : memref<8448x768xf32, #tpu.memory_space<hbm>> -> memref<8448x768xf32, #tpu.memory_space<hbm>>
    tpu.wait_indirect_dma semaphore(%arg11 : memref<!tpu.dma_semaphore, #tpu.memory_space<semaphore_mem>>) src(%dma_wait3A_136 : memref<8448x768xf32, #tpu.memory_space<hbm>>) dst(%arg8 : memref<64x768xf32, #tpu.memory_space<vmem>>)
    %dma_start3A_137 = arith.constant 1 : i32
    %dma_start3A_138 = arith.constant 0 : i32
    %dma_start3A_139 = tpu.memref_slice %arg7[%dma_start3A_137, %dma_start3A_138] : memref<6x64xi32, #tpu.memory_space<vmem>> -> memref<1x64xi32, #tpu.memory_space<vmem>>
    %dma_start3A_140 = tpu.memref_squeeze %dma_start3A_139 : memref<1x64xi32, #tpu.memory_space<vmem>> -> memref<64xi32, #tpu.memory_space<vmem>>
    %dma_start3A_141 = arith.constant 0 : i32
    %dma_start3A_142 = arith.constant 0 : i32
    %dma_start3A_143 = tpu.memref_slice %arg2[%dma_start3A_141, %dma_start3A_142] : memref<8448x768xf32, #tpu.memory_space<hbm>> -> memref<8448x768xf32, #tpu.memory_space<hbm>>
    tpu.enqueue_indirect_dma source(%dma_start3A_143 : memref<8448x768xf32, #tpu.memory_space<hbm>>) target(%arg9 : memref<64x768xf32, #tpu.memory_space<vmem>>) offsets(%dma_start3A_140 : memref<64xi32, #tpu.memory_space<vmem>>) semaphore(%arg12 : memref<!tpu.dma_semaphore, #tpu.memory_space<semaphore_mem>>)
    %add3A_144 = arith.constant 0 : i32
    %add3A_145 = arith.addi %add3A_144, %add3A_4 : i32
    %dma_start3A_146 = arith.constant 0 : i32
    %dma_start3A_147 = tpu.memref_slice %arg6[%add3A_145, %dma_start3A_146] : memref<12288x768xf32, #tpu.memory_space<hbm>> -> memref<64x768xf32, #tpu.memory_space<hbm>>
    %dma_start3A_148 = arith.constant 0 : i32
    %dma_start3A_149 = tpu.memref_slice %arg6[%add3A_145, %dma_start3A_148] : memref<12288x768xf32, #tpu.memory_space<hbm>> -> memref<64x768xf32, #tpu.memory_space<hbm>>
    tpu.enqueue_dma source(%arg8 : memref<64x768xf32, #tpu.memory_space<vmem>>) target(%dma_start3A_149 : memref<64x768xf32, #tpu.memory_space<hbm>>) target_semaphore(%arg13 : memref<!tpu.dma_semaphore, #tpu.memory_space<semaphore_mem>>)
    %dma_wait3A_150 = arith.constant 1 : i32
    %dma_wait3A_151 = arith.constant 0 : i32
    %dma_wait3A_152 = tpu.memref_slice %arg7[%dma_wait3A_150, %dma_wait3A_151] : memref<6x64xi32, #tpu.memory_space<vmem>> -> memref<1x64xi32, #tpu.memory_space<vmem>>
    %dma_wait3A_153 = tpu.memref_squeeze %dma_wait3A_152 : memref<1x64xi32, #tpu.memory_space<vmem>> -> memref<64xi32, #tpu.memory_space<vmem>>
    %dma_wait3A_154 = arith.constant 0 : i32
    %dma_wait3A_155 = arith.constant 0 : i32
    %dma_wait3A_156 = tpu.memref_slice %arg2[%dma_wait3A_154, %dma_wait3A_155] : memref<8448x768xf32, #tpu.memory_space<hbm>> -> memref<8448x768xf32, #tpu.memory_space<hbm>>
    tpu.wait_indirect_dma semaphore(%arg12 : memref<!tpu.dma_semaphore, #tpu.memory_space<semaphore_mem>>) src(%dma_wait3A_156 : memref<8448x768xf32, #tpu.memory_space<hbm>>) dst(%arg9 : memref<64x768xf32, #tpu.memory_space<vmem>>)
    %dma_start3A_157 = arith.constant 2 : i32
    %dma_start3A_158 = arith.constant 0 : i32
    %dma_start3A_159 = tpu.memref_slice %arg7[%dma_start3A_157, %dma_start3A_158] : memref<6x64xi32, #tpu.memory_space<vmem>> -> memref<1x64xi32, #tpu.memory_space<vmem>>
    %dma_start3A_160 = tpu.memref_squeeze %dma_start3A_159 : memref<1x64xi32, #tpu.memory_space<vmem>> -> memref<64xi32, #tpu.memory_space<vmem>>
    %dma_start3A_161 = arith.constant 0 : i32
    %dma_start3A_162 = arith.constant 0 : i32
    %dma_start3A_163 = tpu.memref_slice %arg3[%dma_start3A_161, %dma_start3A_162] : memref<8448x768xf32, #tpu.memory_space<hbm>> -> memref<8448x768xf32, #tpu.memory_space<hbm>>
    tpu.enqueue_indirect_dma source(%dma_start3A_163 : memref<8448x768xf32, #tpu.memory_space<hbm>>) target(%arg8 : memref<64x768xf32, #tpu.memory_space<vmem>>) offsets(%dma_start3A_160 : memref<64xi32, #tpu.memory_space<vmem>>) semaphore(%arg11 : memref<!tpu.dma_semaphore, #tpu.memory_space<semaphore_mem>>)
    %add3A_164 = arith.constant 2048 : i32
    %add3A_165 = arith.addi %add3A_164, %add3A_4 : i32
    %dma_start3A_166 = arith.constant 0 : i32
    %dma_start3A_167 = tpu.memref_slice %arg6[%add3A_165, %dma_start3A_166] : memref<12288x768xf32, #tpu.memory_space<hbm>> -> memref<64x768xf32, #tpu.memory_space<hbm>>
    %dma_start3A_168 = arith.constant 0 : i32
    %dma_start3A_169 = tpu.memref_slice %arg6[%add3A_165, %dma_start3A_168] : memref<12288x768xf32, #tpu.memory_space<hbm>> -> memref<64x768xf32, #tpu.memory_space<hbm>>
    tpu.enqueue_dma source(%arg9 : memref<64x768xf32, #tpu.memory_space<vmem>>) target(%dma_start3A_169 : memref<64x768xf32, #tpu.memory_space<hbm>>) target_semaphore(%arg14 : memref<!tpu.dma_semaphore, #tpu.memory_space<semaphore_mem>>)
    %dma_wait3A_170 = arith.constant 0 : i32
    %dma_wait3A_171 = tpu.memref_slice %arg6[%add3A_145, %dma_wait3A_170] : memref<12288x768xf32, #tpu.memory_space<hbm>> -> memref<64x768xf32, #tpu.memory_space<hbm>>
    %dma_wait3A_172 = arith.constant 0 : i32
    %dma_wait3A_173 = tpu.memref_slice %arg6[%add3A_145, %dma_wait3A_172] : memref<12288x768xf32, #tpu.memory_space<hbm>> -> memref<64x768xf32, #tpu.memory_space<hbm>>
    tpu.wait_dma2 semaphore(%arg13 : memref<!tpu.dma_semaphore, #tpu.memory_space<semaphore_mem>>) src(%arg8 : memref<64x768xf32, #tpu.memory_space<vmem>>) dst(%dma_wait3A_173 : memref<64x768xf32, #tpu.memory_space<hbm>>)
    %dma_wait3A_174 = arith.constant 2 : i32
    %dma_wait3A_175 = arith.constant 0 : i32
    %dma_wait3A_176 = tpu.memref_slice %arg7[%dma_wait3A_174, %dma_wait3A_175] : memref<6x64xi32, #tpu.memory_space<vmem>> -> memref<1x64xi32, #tpu.memory_space<vmem>>
    %dma_wait3A_177 = tpu.memref_squeeze %dma_wait3A_176 : memref<1x64xi32, #tpu.memory_space<vmem>> -> memref<64xi32, #tpu.memory_space<vmem>>
    %dma_wait3A_178 = arith.constant 0 : i32
    %dma_wait3A_179 = arith.constant 0 : i32
    %dma_wait3A_180 = tpu.memref_slice %arg3[%dma_wait3A_178, %dma_wait3A_179] : memref<8448x768xf32, #tpu.memory_space<hbm>> -> memref<8448x768xf32, #tpu.memory_space<hbm>>
    tpu.wait_indirect_dma semaphore(%arg11 : memref<!tpu.dma_semaphore, #tpu.memory_space<semaphore_mem>>) src(%dma_wait3A_180 : memref<8448x768xf32, #tpu.memory_space<hbm>>) dst(%arg8 : memref<64x768xf32, #tpu.memory_space<vmem>>)
    %dma_start3A_181 = arith.constant 3 : i32
    %dma_start3A_182 = arith.constant 0 : i32
    %dma_start3A_183 = tpu.memref_slice %arg7[%dma_start3A_181, %dma_start3A_182] : memref<6x64xi32, #tpu.memory_space<vmem>> -> memref<1x64xi32, #tpu.memory_space<vmem>>
    %dma_start3A_184 = tpu.memref_squeeze %dma_start3A_183 : memref<1x64xi32, #tpu.memory_space<vmem>> -> memref<64xi32, #tpu.memory_space<vmem>>
    %dma_start3A_185 = arith.constant 0 : i32
    %dma_start3A_186 = arith.constant 0 : i32
    %dma_start3A_187 = tpu.memref_slice %arg3[%dma_start3A_185, %dma_start3A_186] : memref<8448x768xf32, #tpu.memory_space<hbm>> -> memref<8448x768xf32, #tpu.memory_space<hbm>>
    tpu.enqueue_indirect_dma source(%dma_start3A_187 : memref<8448x768xf32, #tpu.memory_space<hbm>>) target(%arg9 : memref<64x768xf32, #tpu.memory_space<vmem>>) offsets(%dma_start3A_184 : memref<64xi32, #tpu.memory_space<vmem>>) semaphore(%arg12 : memref<!tpu.dma_semaphore, #tpu.memory_space<semaphore_mem>>)
    %add3A_188 = arith.constant 4096 : i32
    %add3A_189 = arith.addi %add3A_188, %add3A_4 : i32
    %dma_start3A_190 = arith.constant 0 : i32
    %dma_start3A_191 = tpu.memref_slice %arg6[%add3A_189, %dma_start3A_190] : memref<12288x768xf32, #tpu.memory_space<hbm>> -> memref<64x768xf32, #tpu.memory_space<hbm>>
    %dma_start3A_192 = arith.constant 0 : i32
    %dma_start3A_193 = tpu.memref_slice %arg6[%add3A_189, %dma_start3A_192] : memref<12288x768xf32, #tpu.memory_space<hbm>> -> memref<64x768xf32, #tpu.memory_space<hbm>>
    tpu.enqueue_dma source(%arg8 : memref<64x768xf32, #tpu.memory_space<vmem>>) target(%dma_start3A_193 : memref<64x768xf32, #tpu.memory_space<hbm>>) target_semaphore(%arg13 : memref<!tpu.dma_semaphore, #tpu.memory_space<semaphore_mem>>)
    %dma_wait3A_194 = arith.constant 0 : i32
    %dma_wait3A_195 = tpu.memref_slice %arg6[%add3A_165, %dma_wait3A_194] : memref<12288x768xf32, #tpu.memory_space<hbm>> -> memref<64x768xf32, #tpu.memory_space<hbm>>
    %dma_wait3A_196 = arith.constant 0 : i32
    %dma_wait3A_197 = tpu.memref_slice %arg6[%add3A_165, %dma_wait3A_196] : memref<12288x768xf32, #tpu.memory_space<hbm>> -> memref<64x768xf32, #tpu.memory_space<hbm>>
    tpu.wait_dma2 semaphore(%arg14 : memref<!tpu.dma_semaphore, #tpu.memory_space<semaphore_mem>>) src(%arg9 : memref<64x768xf32, #tpu.memory_space<vmem>>) dst(%dma_wait3A_197 : memref<64x768xf32, #tpu.memory_space<hbm>>)
    %dma_wait3A_198 = arith.constant 3 : i32
    %dma_wait3A_199 = arith.constant 0 : i32
    %dma_wait3A_200 = tpu.memref_slice %arg7[%dma_wait3A_198, %dma_wait3A_199] : memref<6x64xi32, #tpu.memory_space<vmem>> -> memref<1x64xi32, #tpu.memory_space<vmem>>
    %dma_wait3A_201 = tpu.memref_squeeze %dma_wait3A_200 : memref<1x64xi32, #tpu.memory_space<vmem>> -> memref<64xi32, #tpu.memory_space<vmem>>
    %dma_wait3A_202 = arith.constant 0 : i32
    %dma_wait3A_203 = arith.constant 0 : i32
    %dma_wait3A_204 = tpu.memref_slice %arg3[%dma_wait3A_202, %dma_wait3A_203] : memref<8448x768xf32, #tpu.memory_space<hbm>> -> memref<8448x768xf32, #tpu.memory_space<hbm>>
    tpu.wait_indirect_dma semaphore(%arg12 : memref<!tpu.dma_semaphore, #tpu.memory_space<semaphore_mem>>) src(%dma_wait3A_204 : memref<8448x768xf32, #tpu.memory_space<hbm>>) dst(%arg9 : memref<64x768xf32, #tpu.memory_space<vmem>>)
    %dma_start3A_205 = arith.constant 4 : i32
    %dma_start3A_206 = arith.constant 0 : i32
    %dma_start3A_207 = tpu.memref_slice %arg7[%dma_start3A_205, %dma_start3A_206] : memref<6x64xi32, #tpu.memory_space<vmem>> -> memref<1x64xi32, #tpu.memory_space<vmem>>
    %dma_start3A_208 = tpu.memref_squeeze %dma_start3A_207 : memref<1x64xi32, #tpu.memory_space<vmem>> -> memref<64xi32, #tpu.memory_space<vmem>>
    %dma_start3A_209 = arith.constant 0 : i32
    %dma_start3A_210 = arith.constant 0 : i32
    %dma_start3A_211 = tpu.memref_slice %arg4[%dma_start3A_209, %dma_start3A_210] : memref<8448x768xf32, #tpu.memory_space<hbm>> -> memref<8448x768xf32, #tpu.memory_space<hbm>>
    tpu.enqueue_indirect_dma source(%dma_start3A_211 : memref<8448x768xf32, #tpu.memory_space<hbm>>) target(%arg8 : memref<64x768xf32, #tpu.memory_space<vmem>>) offsets(%dma_start3A_208 : memref<64xi32, #tpu.memory_space<vmem>>) semaphore(%arg11 : memref<!tpu.dma_semaphore, #tpu.memory_space<semaphore_mem>>)
    %add3A_212 = arith.constant 6144 : i32
    %add3A_213 = arith.addi %add3A_212, %add3A_4 : i32
    %dma_start3A_214 = arith.constant 0 : i32
    %dma_start3A_215 = tpu.memref_slice %arg6[%add3A_213, %dma_start3A_214] : memref<12288x768xf32, #tpu.memory_space<hbm>> -> memref<64x768xf32, #tpu.memory_space<hbm>>
    %dma_start3A_216 = arith.constant 0 : i32
    %dma_start3A_217 = tpu.memref_slice %arg6[%add3A_213, %dma_start3A_216] : memref<12288x768xf32, #tpu.memory_space<hbm>> -> memref<64x768xf32, #tpu.memory_space<hbm>>
    tpu.enqueue_dma source(%arg9 : memref<64x768xf32, #tpu.memory_space<vmem>>) target(%dma_start3A_217 : memref<64x768xf32, #tpu.memory_space<hbm>>) target_semaphore(%arg14 : memref<!tpu.dma_semaphore, #tpu.memory_space<semaphore_mem>>)
    %dma_wait3A_218 = arith.constant 0 : i32
    %dma_wait3A_219 = tpu.memref_slice %arg6[%add3A_189, %dma_wait3A_218] : memref<12288x768xf32, #tpu.memory_space<hbm>> -> memref<64x768xf32, #tpu.memory_space<hbm>>
    %dma_wait3A_220 = arith.constant 0 : i32
    %dma_wait3A_221 = tpu.memref_slice %arg6[%add3A_189, %dma_wait3A_220] : memref<12288x768xf32, #tpu.memory_space<hbm>> -> memref<64x768xf32, #tpu.memory_space<hbm>>
    tpu.wait_dma2 semaphore(%arg13 : memref<!tpu.dma_semaphore, #tpu.memory_space<semaphore_mem>>) src(%arg8 : memref<64x768xf32, #tpu.memory_space<vmem>>) dst(%dma_wait3A_221 : memref<64x768xf32, #tpu.memory_space<hbm>>)
    %dma_wait3A_222 = arith.constant 4 : i32
    %dma_wait3A_223 = arith.constant 0 : i32
    %dma_wait3A_224 = tpu.memref_slice %arg7[%dma_wait3A_222, %dma_wait3A_223] : memref<6x64xi32, #tpu.memory_space<vmem>> -> memref<1x64xi32, #tpu.memory_space<vmem>>
    %dma_wait3A_225 = tpu.memref_squeeze %dma_wait3A_224 : memref<1x64xi32, #tpu.memory_space<vmem>> -> memref<64xi32, #tpu.memory_space<vmem>>
    %dma_wait3A_226 = arith.constant 0 : i32
    %dma_wait3A_227 = arith.constant 0 : i32
    %dma_wait3A_228 = tpu.memref_slice %arg4[%dma_wait3A_226, %dma_wait3A_227] : memref<8448x768xf32, #tpu.memory_space<hbm>> -> memref<8448x768xf32, #tpu.memory_space<hbm>>
    tpu.wait_indirect_dma semaphore(%arg11 : memref<!tpu.dma_semaphore, #tpu.memory_space<semaphore_mem>>) src(%dma_wait3A_228 : memref<8448x768xf32, #tpu.memory_space<hbm>>) dst(%arg8 : memref<64x768xf32, #tpu.memory_space<vmem>>)
    %dma_start3A_229 = arith.constant 5 : i32
    %dma_start3A_230 = arith.constant 0 : i32
    %dma_start3A_231 = tpu.memref_slice %arg7[%dma_start3A_229, %dma_start3A_230] : memref<6x64xi32, #tpu.memory_space<vmem>> -> memref<1x64xi32, #tpu.memory_space<vmem>>
    %dma_start3A_232 = tpu.memref_squeeze %dma_start3A_231 : memref<1x64xi32, #tpu.memory_space<vmem>> -> memref<64xi32, #tpu.memory_space<vmem>>
    %dma_start3A_233 = arith.constant 0 : i32
    %dma_start3A_234 = arith.constant 0 : i32
    %dma_start3A_235 = tpu.memref_slice %arg4[%dma_start3A_233, %dma_start3A_234] : memref<8448x768xf32, #tpu.memory_space<hbm>> -> memref<8448x768xf32, #tpu.memory_space<hbm>>
    tpu.enqueue_indirect_dma source(%dma_start3A_235 : memref<8448x768xf32, #tpu.memory_space<hbm>>) target(%arg9 : memref<64x768xf32, #tpu.memory_space<vmem>>) offsets(%dma_start3A_232 : memref<64xi32, #tpu.memory_space<vmem>>) semaphore(%arg12 : memref<!tpu.dma_semaphore, #tpu.memory_space<semaphore_mem>>)
    %add3A_236 = arith.constant 8192 : i32
    %add3A_237 = arith.addi %add3A_236, %add3A_4 : i32
    %dma_start3A_238 = arith.constant 0 : i32
    %dma_start3A_239 = tpu.memref_slice %arg6[%add3A_237, %dma_start3A_238] : memref<12288x768xf32, #tpu.memory_space<hbm>> -> memref<64x768xf32, #tpu.memory_space<hbm>>
    %dma_start3A_240 = arith.constant 0 : i32
    %dma_start3A_241 = tpu.memref_slice %arg6[%add3A_237, %dma_start3A_240] : memref<12288x768xf32, #tpu.memory_space<hbm>> -> memref<64x768xf32, #tpu.memory_space<hbm>>
    tpu.enqueue_dma source(%arg8 : memref<64x768xf32, #tpu.memory_space<vmem>>) target(%dma_start3A_241 : memref<64x768xf32, #tpu.memory_space<hbm>>) target_semaphore(%arg13 : memref<!tpu.dma_semaphore, #tpu.memory_space<semaphore_mem>>)
    %dma_wait3A_242 = arith.constant 0 : i32
    %dma_wait3A_243 = tpu.memref_slice %arg6[%add3A_213, %dma_wait3A_242] : memref<12288x768xf32, #tpu.memory_space<hbm>> -> memref<64x768xf32, #tpu.memory_space<hbm>>
    %dma_wait3A_244 = arith.constant 0 : i32
    %dma_wait3A_245 = tpu.memref_slice %arg6[%add3A_213, %dma_wait3A_244] : memref<12288x768xf32, #tpu.memory_space<hbm>> -> memref<64x768xf32, #tpu.memory_space<hbm>>
    tpu.wait_dma2 semaphore(%arg14 : memref<!tpu.dma_semaphore, #tpu.memory_space<semaphore_mem>>) src(%arg9 : memref<64x768xf32, #tpu.memory_space<vmem>>) dst(%dma_wait3A_245 : memref<64x768xf32, #tpu.memory_space<hbm>>)
    %dma_wait3A_246 = arith.constant 5 : i32
    %dma_wait3A_247 = arith.constant 0 : i32
    %dma_wait3A_248 = tpu.memref_slice %arg7[%dma_wait3A_246, %dma_wait3A_247] : memref<6x64xi32, #tpu.memory_space<vmem>> -> memref<1x64xi32, #tpu.memory_space<vmem>>
    %dma_wait3A_249 = tpu.memref_squeeze %dma_wait3A_248 : memref<1x64xi32, #tpu.memory_space<vmem>> -> memref<64xi32, #tpu.memory_space<vmem>>
    %dma_wait3A_250 = arith.constant 0 : i32
    %dma_wait3A_251 = arith.constant 0 : i32
    %dma_wait3A_252 = tpu.memref_slice %arg4[%dma_wait3A_250, %dma_wait3A_251] : memref<8448x768xf32, #tpu.memory_space<hbm>> -> memref<8448x768xf32, #tpu.memory_space<hbm>>
    tpu.wait_indirect_dma semaphore(%arg12 : memref<!tpu.dma_semaphore, #tpu.memory_space<semaphore_mem>>) src(%dma_wait3A_252 : memref<8448x768xf32, #tpu.memory_space<hbm>>) dst(%arg9 : memref<64x768xf32, #tpu.memory_space<vmem>>)
    %add3A_253 = arith.constant 10240 : i32
    %add3A_254 = arith.addi %add3A_253, %add3A_4 : i32
    %dma_start3A_255 = arith.constant 0 : i32
    %dma_start3A_256 = tpu.memref_slice %arg6[%add3A_254, %dma_start3A_255] : memref<12288x768xf32, #tpu.memory_space<hbm>> -> memref<64x768xf32, #tpu.memory_space<hbm>>
    %dma_start3A_257 = arith.constant 0 : i32
    %dma_start3A_258 = tpu.memref_slice %arg6[%add3A_254, %dma_start3A_257] : memref<12288x768xf32, #tpu.memory_space<hbm>> -> memref<64x768xf32, #tpu.memory_space<hbm>>
    tpu.enqueue_dma source(%arg9 : memref<64x768xf32, #tpu.memory_space<vmem>>) target(%dma_start3A_258 : memref<64x768xf32, #tpu.memory_space<hbm>>) target_semaphore(%arg14 : memref<!tpu.dma_semaphore, #tpu.memory_space<semaphore_mem>>)
    %dma_wait3A_259 = arith.constant 0 : i32
    %dma_wait3A_260 = tpu.memref_slice %arg6[%add3A_237, %dma_wait3A_259] : memref<12288x768xf32, #tpu.memory_space<hbm>> -> memref<64x768xf32, #tpu.memory_space<hbm>>
    %dma_wait3A_261 = arith.constant 0 : i32
    %dma_wait3A_262 = tpu.memref_slice %arg6[%add3A_237, %dma_wait3A_261] : memref<12288x768xf32, #tpu.memory_space<hbm>> -> memref<64x768xf32, #tpu.memory_space<hbm>>
    tpu.wait_dma2 semaphore(%arg13 : memref<!tpu.dma_semaphore, #tpu.memory_space<semaphore_mem>>) src(%arg8 : memref<64x768xf32, #tpu.memory_space<vmem>>) dst(%dma_wait3A_262 : memref<64x768xf32, #tpu.memory_space<hbm>>)
    %dma_wait3A_263 = arith.constant 0 : i32
    %dma_wait3A_264 = tpu.memref_slice %arg6[%add3A_254, %dma_wait3A_263] : memref<12288x768xf32, #tpu.memory_space<hbm>> -> memref<64x768xf32, #tpu.memory_space<hbm>>
    %dma_wait3A_265 = arith.constant 0 : i32
    %dma_wait3A_266 = tpu.memref_slice %arg6[%add3A_254, %dma_wait3A_265] : memref<12288x768xf32, #tpu.memory_space<hbm>> -> memref<64x768xf32, #tpu.memory_space<hbm>>
    tpu.wait_dma2 semaphore(%arg14 : memref<!tpu.dma_semaphore, #tpu.memory_space<semaphore_mem>>) src(%arg9 : memref<64x768xf32, #tpu.memory_space<vmem>>) dst(%dma_wait3A_266 : memref<64x768xf32, #tpu.memory_space<hbm>>)
    return
  }
}

module attributes {stable_mosaic.version = 14 : i64} {
  func.func @_gate_route_body(%arg0: i32, %arg1: memref<2048x768xf32, #tpu.memory_space<vmem>>, %arg2: memref<1x768x256xf32, #tpu.memory_space<vmem>>, %arg3: memref<1x1x256xf32, #tpu.memory_space<vmem>>, %arg4: memref<1x256x8xf32, #tpu.memory_space<vmem>>, %arg5: memref<3x1xf32, #tpu.memory_space<smem>>, %arg6: memref<2048x1xi32, #tpu.memory_space<vmem>>, %arg7: memref<1x1xf32, #tpu.memory_space<smem>>, %arg8: memref<1x4096x1xi32, #tpu.memory_space<vmem>>, %arg9: memref<1x4096x16xf32, #tpu.memory_space<vmem>>, %arg10: memref<1x1x8xi32, #tpu.memory_space<vmem>>, %arg11: memref<4096x8xf32, #tpu.memory_space<vmem>>, %arg12: memref<4096x1xi32, #tpu.memory_space<vmem>>, %arg13: memref<4096x1xf32, #tpu.memory_space<vmem>>) attributes {dimension_semantics = [#tpu.dimension_semantics<arbitrary>], iteration_bounds = array<i64: 3>, scalar_prefetch = 0 : i64, scratch_operands = 3 : i64, tpu.core_type = #tpu.core_type<tc>, window_params = [{pipeline_mode = #tpu.pipeline_mode<synchronous>, transform_indices = @transform_0, window_bounds = array<i64: 2048, 768>}, {transform_indices = @transform_1, window_bounds = array<i64: 1, 768, 256>}, {transform_indices = @transform_2, window_bounds = array<i64: 1, 1, 256>}, {transform_indices = @transform_3, window_bounds = array<i64: 1, 256, 8>}, {transform_indices = @transform_4, window_bounds = array<i64: 3, 1>}, {pipeline_mode = #tpu.pipeline_mode<synchronous>, transform_indices = @transform_5, window_bounds = array<i64: 2048, 1>}, {transform_indices = @transform_6, window_bounds = array<i64: 1, 1>}, {transform_indices = @transform_7, window_bounds = array<i64: 1, 4096, 1>}, {transform_indices = @transform_8, window_bounds = array<i64: 1, 4096, 16>}, {transform_indices = @transform_9, window_bounds = array<i64: 1, 1, 8>}]} {
    %get3A = arith.constant 0 : index
    %get3A_0 = arith.constant 0 : index
    %get3A_1 = vector.load %arg1[%get3A, %get3A_0] : memref<2048x768xf32, #tpu.memory_space<vmem>>, vector<2048x768xf32>
    %convert_element_type3A = arith.truncf %get3A_1 : vector<2048x768xf32> to vector<2048x768xbf16>
    %get3A_2 = arith.constant 0 : index
    %get3A_3 = arith.constant 0 : index
    %get3A_4 = arith.constant 0 : index
    %get3A_5 = vector.load %arg2[%get3A_2, %get3A_3, %get3A_4] : memref<1x768x256xf32, #tpu.memory_space<vmem>>, vector<1x768x256xf32>
    %get3A_6 = vector.shape_cast %get3A_5 : vector<1x768x256xf32> to vector<768x256xf32>
    %convert_element_type3A_7 = arith.truncf %get3A_6 : vector<768x256xf32> to vector<768x256xbf16>
    %dot_general3A = arith.constant dense<0.000000e+00> : vector<2048x256xf32>
    %dot_general3A_8 = tpu.matmul %convert_element_type3A, %convert_element_type3A_7, %dot_general3A {dimension_numbers = #tpu.dot_dimension_numbers<[1], [0], [0], [1], [0, 0, 1, 1], [], []>, transpose_lhs_hint = false} : vector<2048x768xbf16>, vector<768x256xbf16>, vector<2048x256xf32> -> vector<2048x256xf32>
    %get3A_9 = arith.constant 0 : index
    %get3A_10 = arith.constant 0 : index
    %get3A_11 = arith.constant 0 : index
    %get3A_12 = vector.load %arg3[%get3A_9, %get3A_10, %get3A_11] : memref<1x1x256xf32, #tpu.memory_space<vmem>>, vector<1x1x256xf32>
    %get3A_13 = vector.shape_cast %get3A_12 : vector<1x1x256xf32> to vector<1x256xf32>
    %add3A = vector.broadcast %get3A_13 : vector<1x256xf32> to vector<2048x256xf32>
    %add3A_14 = arith.addf %dot_general3A_8, %add3A : vector<2048x256xf32>
    %mul3A = arith.mulf %add3A_14, %add3A_14 : vector<2048x256xf32>
    %reduce_sum3A = arith.constant dense<0.000000e+00> : vector<2048xf32>
    %reduce_sum3A_15 = vector.multi_reduction <add>, %mul3A, %reduce_sum3A [1] : vector<2048x256xf32> to vector<2048xf32>
    %broadcast_in_dim3A = vector.shape_cast %reduce_sum3A_15 : vector<2048xf32> to vector<2048x1xf32>
    %sqrt3A = math.sqrt %broadcast_in_dim3A : vector<2048x1xf32>
    %add3A_16 = arith.constant 9.99999996E-13 : f32
    %add3A_17 = vector.broadcast %add3A_16 : f32 to vector<2048x1xf32>
    %add3A_18 = arith.addf %sqrt3A, %add3A_17 : vector<2048x1xf32>
    %div3A = vector.broadcast %add3A_18 : vector<2048x1xf32> to vector<2048x256xf32>
    %div3A_19 = arith.divf %add3A_14, %div3A : vector<2048x256xf32>
    %get3A_20 = arith.constant 0 : index
    %get3A_21 = arith.constant 0 : index
    %get3A_22 = arith.constant 0 : index
    %get3A_23 = vector.load %arg4[%get3A_20, %get3A_21, %get3A_22] : memref<1x256x8xf32, #tpu.memory_space<vmem>>, vector<1x256x8xf32>
    %get3A_24 = vector.shape_cast %get3A_23 : vector<1x256x8xf32> to vector<256x8xf32>
    %mul3A_25 = arith.mulf %get3A_24, %get3A_24 : vector<256x8xf32>
    %reduce_sum3A_26 = arith.constant dense<0.000000e+00> : vector<8xf32>
    %reduce_sum3A_27 = vector.multi_reduction <add>, %mul3A_25, %reduce_sum3A_26 [0] : vector<256x8xf32> to vector<8xf32>
    %broadcast_in_dim3A_28 = vector.shape_cast %reduce_sum3A_27 : vector<8xf32> to vector<1x8xf32>
    %sqrt3A_29 = math.sqrt %broadcast_in_dim3A_28 : vector<1x8xf32>
    %add3A_30 = arith.constant 9.99999996E-13 : f32
    %add3A_31 = vector.broadcast %add3A_30 : f32 to vector<1x8xf32>
    %add3A_32 = arith.addf %sqrt3A_29, %add3A_31 : vector<1x8xf32>
    %div3A_33 = vector.broadcast %add3A_32 : vector<1x8xf32> to vector<256x8xf32>
    %div3A_34 = arith.divf %get3A_24, %div3A_33 : vector<256x8xf32>
    %get3A_35 = arith.index_cast %arg0 : i32 to index
    %get3A_36 = arith.constant 0 : index
    %get3A_37 = memref.load %arg5[%get3A_35, %get3A_36] : memref<3x1xf32, #tpu.memory_space<smem>>
    %log3A = arith.constant 1.000000e+02 : f32
    %log3A_38 = math.log %log3A : f32
    %min3A = arith.minimumf %get3A_37, %log3A_38 : f32
    %exp3A = math.exp %min3A : f32
    %convert_element_type3A_39 = arith.truncf %div3A_19 : vector<2048x256xf32> to vector<2048x256xbf16>
    %convert_element_type3A_40 = arith.truncf %div3A_34 : vector<256x8xf32> to vector<256x8xbf16>
    %dot_general3A_41 = arith.constant dense<0.000000e+00> : vector<2048x8xf32>
    %dot_general3A_42 = tpu.matmul %convert_element_type3A_39, %convert_element_type3A_40, %dot_general3A_41 {dimension_numbers = #tpu.dot_dimension_numbers<[1], [0], [0], [1], [0, 0, 1, 1], [], []>, transpose_lhs_hint = false} : vector<2048x256xbf16>, vector<256x8xbf16>, vector<2048x8xf32> -> vector<2048x8xf32>
    %mul3A_43 = vector.broadcast %exp3A : f32 to vector<2048x8xf32>
    %mul3A_44 = arith.mulf %dot_general3A_42, %mul3A_43 : vector<2048x8xf32>
    %reduce_max3A = arith.constant dense<0xFF800000> : vector<2048xf32>
    %reduce_max3A_45 = vector.multi_reduction <maximumf>, %mul3A_44, %reduce_max3A [1] : vector<2048x8xf32> to vector<2048xf32>
    %broadcast_in_dim3A_46 = vector.shape_cast %reduce_max3A_45 : vector<2048xf32> to vector<2048x1xf32>
    %sub3A = vector.broadcast %broadcast_in_dim3A_46 : vector<2048x1xf32> to vector<2048x8xf32>
    %sub3A_47 = arith.subf %mul3A_44, %sub3A : vector<2048x8xf32>
    %exp3A_48 = math.exp %sub3A_47 : vector<2048x8xf32>
    %reduce_sum3A_49 = arith.constant dense<0.000000e+00> : vector<2048xf32>
    %reduce_sum3A_50 = vector.multi_reduction <add>, %exp3A_48, %reduce_sum3A_49 [1] : vector<2048x8xf32> to vector<2048xf32>
    %broadcast_in_dim3A_51 = vector.shape_cast %reduce_sum3A_50 : vector<2048xf32> to vector<2048x1xf32>
    %div3A_52 = vector.broadcast %broadcast_in_dim3A_51 : vector<2048x1xf32> to vector<2048x8xf32>
    %div3A_53 = arith.divf %exp3A_48, %div3A_52 : vector<2048x8xf32>
    %iota3A = tpu.iota {dimensions = array<i32: 1>} : vector<2048x8xi32>
    %reduce_max3A_54 = arith.constant dense<0xFF800000> : vector<2048xf32>
    %reduce_max3A_55 = vector.multi_reduction <maximumf>, %div3A_53, %reduce_max3A_54 [1] : vector<2048x8xf32> to vector<2048xf32>
    %broadcast_in_dim3A_56 = vector.shape_cast %reduce_max3A_55 : vector<2048xf32> to vector<2048x1xf32>
    %eq3A = vector.broadcast %broadcast_in_dim3A_56 : vector<2048x1xf32> to vector<2048x8xf32>
    %eq3A_57 = arith.cmpf oeq, %div3A_53, %eq3A : vector<2048x8xf32>
    %jit3A = arith.constant 8 : i32
    %broadcast_in_dim3A_58 = vector.broadcast %jit3A : i32 to vector<2048x8xi32>
    %select_n3A = arith.select %eq3A_57, %iota3A, %broadcast_in_dim3A_58 : vector<2048x8xi1>, vector<2048x8xi32>
    %reduce_min3A = arith.constant dense<2147483647> : vector<2048xi32>
    %reduce_min3A_59 = vector.multi_reduction <minsi>, %select_n3A, %reduce_min3A [1] : vector<2048x8xi32> to vector<2048xi32>
    %broadcast_in_dim3A_60 = vector.shape_cast %reduce_min3A_59 : vector<2048xi32> to vector<2048x1xi32>
    %eq3A_61 = vector.broadcast %broadcast_in_dim3A_60 : vector<2048x1xi32> to vector<2048x8xi32>
    %eq3A_62 = arith.cmpi eq, %iota3A, %eq3A_61 : vector<2048x8xi32>
    %jit3A_63 = arith.constant 0xFF800000 : f32
    %broadcast_in_dim3A_64 = vector.broadcast %jit3A_63 : f32 to vector<2048x8xf32>
    %select_n3A_65 = arith.select %eq3A_62, %broadcast_in_dim3A_64, %div3A_53 : vector<2048x8xi1>, vector<2048x8xf32>
    %reduce_max3A_66 = arith.constant dense<0xFF800000> : vector<2048xf32>
    %reduce_max3A_67 = vector.multi_reduction <maximumf>, %select_n3A_65, %reduce_max3A_66 [1] : vector<2048x8xf32> to vector<2048xf32>
    %broadcast_in_dim3A_68 = vector.shape_cast %reduce_max3A_67 : vector<2048xf32> to vector<2048x1xf32>
    %eq3A_69 = vector.broadcast %broadcast_in_dim3A_68 : vector<2048x1xf32> to vector<2048x8xf32>
    %eq3A_70 = arith.cmpf oeq, %select_n3A_65, %eq3A_69 : vector<2048x8xf32>
    %jit3A_71 = arith.constant 8 : i32
    %broadcast_in_dim3A_72 = vector.broadcast %jit3A_71 : i32 to vector<2048x8xi32>
    %select_n3A_73 = arith.select %eq3A_70, %iota3A, %broadcast_in_dim3A_72 : vector<2048x8xi1>, vector<2048x8xi32>
    %reduce_min3A_74 = arith.constant dense<2147483647> : vector<2048xi32>
    %reduce_min3A_75 = vector.multi_reduction <minsi>, %select_n3A_73, %reduce_min3A_74 [1] : vector<2048x8xi32> to vector<2048xi32>
    %broadcast_in_dim3A_76 = vector.shape_cast %reduce_min3A_75 : vector<2048xi32> to vector<2048x1xi32>
    %add3A_77 = arith.addf %broadcast_in_dim3A_56, %broadcast_in_dim3A_68 : vector<2048x1xf32>
    %add3A_78 = arith.constant 9.99999996E-13 : f32
    %add3A_79 = vector.broadcast %add3A_78 : f32 to vector<2048x1xf32>
    %add3A_80 = arith.addf %add3A_77, %add3A_79 : vector<2048x1xf32>
    %div3A_81 = arith.divf %broadcast_in_dim3A_56, %add3A_80 : vector<2048x1xf32>
    %div3A_82 = arith.divf %broadcast_in_dim3A_68, %add3A_80 : vector<2048x1xf32>
    %get3A_83 = arith.constant 0 : index
    %get3A_84 = arith.constant 0 : index
    %get3A_85 = vector.load %arg6[%get3A_83, %get3A_84] : memref<2048x1xi32, #tpu.memory_space<vmem>>, vector<2048x1xi32>
    %get3A_86 = arith.constant 0 : index
    %get3A_87 = arith.constant 0 : index
    %get3A_88 = memref.load %arg7[%get3A_86, %get3A_87] : memref<1x1xf32, #tpu.memory_space<smem>>
    %eq3A_89 = arith.constant 0 : i32
    %eq3A_90 = arith.cmpi eq, %arg0, %eq3A_89 : i32
    %broadcast_in_dim3A_91 = arith.constant 1.000000e+00 : f32
    %broadcast_in_dim3A_92 = vector.broadcast %broadcast_in_dim3A_91 : f32 to vector<2048x1xf32>
    %sub3A_93 = arith.constant 1 : i32
    %sub3A_94 = arith.subi %arg0, %sub3A_93 : i32
    %eq3A_95 = vector.broadcast %sub3A_94 : i32 to vector<2048x1xi32>
    %eq3A_96 = arith.cmpi eq, %get3A_85, %eq3A_95 : vector<2048x1xi32>
    %convert_element_type3A_97 = arith.extui %eq3A_96 : vector<2048x1xi1> to vector<2048x1xi32>
    %convert_element_type3A_98 = arith.sitofp %convert_element_type3A_97 : vector<2048x1xi32> to vector<2048x1xf32>
    %mul3A_99 = vector.broadcast %get3A_88 : f32 to vector<2048x1xf32>
    %mul3A_100 = arith.mulf %mul3A_99, %convert_element_type3A_98 : vector<2048x1xf32>
    %select_n3A_101 = arith.select %eq3A_90, %broadcast_in_dim3A_92, %mul3A_100 : vector<2048x1xf32>
    %mul3A_102 = arith.mulf %div3A_81, %select_n3A_101 : vector<2048x1xf32>
    %mul3A_103 = arith.mulf %div3A_82, %select_n3A_101 : vector<2048x1xf32>
    %concatenate3A = tpu.concatenate %mul3A_102, %mul3A_103 in 0 : vector<2048x1xf32>, vector<2048x1xf32> -> vector<4096x1xf32>
    %swap3A = arith.constant 0 : index
    %swap3A_104 = arith.constant 0 : index
    %swap3A_105 = vector.load %arg13[%swap3A, %swap3A_104] : memref<4096x1xf32, #tpu.memory_space<vmem>>, vector<4096x1xf32>
    tpu.vector_store %arg13[%swap3A, %swap3A_104], %concatenate3A {strides = array<i32>} : memref<4096x1xf32, #tpu.memory_space<vmem>>, vector<4096x1xf32>,
    %concatenate3A_106 = tpu.concatenate %broadcast_in_dim3A_60, %broadcast_in_dim3A_76 in 0 : vector<2048x1xi32>, vector<2048x1xi32> -> vector<4096x1xi32>
    %swap3A_107 = arith.constant 0 : index
    %swap3A_108 = arith.constant 0 : index
    %swap3A_109 = vector.load %arg12[%swap3A_107, %swap3A_108] : memref<4096x1xi32, #tpu.memory_space<vmem>>, vector<4096x1xi32>
    tpu.vector_store %arg12[%swap3A_107, %swap3A_108], %concatenate3A_106 {strides = array<i32>} : memref<4096x1xi32, #tpu.memory_space<vmem>>, vector<4096x1xi32>,
    %iota3A_110 = tpu.iota {dimensions = array<i32: 1>} : vector<4096x8xi32>
    %eq3A_111 = vector.broadcast %concatenate3A_106 : vector<4096x1xi32> to vector<4096x8xi32>
    %eq3A_112 = arith.cmpi eq, %eq3A_111, %iota3A_110 : vector<4096x8xi32>
    %convert_element_type3A_113 = arith.extui %eq3A_112 : vector<4096x8xi1> to vector<4096x8xi32>
    %convert_element_type3A_114 = arith.sitofp %convert_element_type3A_113 : vector<4096x8xi32> to vector<4096x8xf32>
    %swap3A_115 = arith.constant 0 : index
    %swap3A_116 = arith.constant 0 : index
    %swap3A_117 = vector.load %arg11[%swap3A_115, %swap3A_116] : memref<4096x8xf32, #tpu.memory_space<vmem>>, vector<4096x8xf32>
    tpu.vector_store %arg11[%swap3A_115, %swap3A_116], %convert_element_type3A_114 {strides = array<i32>} : memref<4096x8xf32, #tpu.memory_space<vmem>>, vector<4096x8xf32>,
    %iota3A_118 = tpu.iota {dimensions = array<i32: 0>} : vector<512x512xi32>
    %iota3A_119 = tpu.iota {dimensions = array<i32: 1>} : vector<512x512xi32>
    %le3A = arith.cmpi sle, %iota3A_119, %iota3A_118 : vector<512x512xi32>
    %convert_element_type3A_120 = arith.extui %le3A : vector<512x512xi1> to vector<512x512xi32>
    %convert_element_type3A_121 = arith.sitofp %convert_element_type3A_120 : vector<512x512xi32> to vector<512x512xf32>
    %broadcast_in_dim3A_122 = arith.constant 0.000000e+00 : f32
    %broadcast_in_dim3A_123 = vector.broadcast %broadcast_in_dim3A_122 : f32 to vector<1x8xf32>
    %scan3A = arith.constant 0 : i32
    %scan3A_124 = arith.constant 8 : i32
    %scan3A_125 = arith.addi %scan3A, %scan3A_124 : i32
    %scan3A_126 = arith.constant 1 : i32
    %scan3A_127:2 = scf.for %scan3A_136 = %scan3A to %scan3A_125 step %scan3A_126 iter_args(%scan3A_137 = %broadcast_in_dim3A_123, %scan3A_138 = %broadcast_in_dim3A_123) -> (vector<1x8xf32>, vector<1x8xf32>)  : i32 {
      %mul3A_139 = arith.constant 512 : i32
      %mul3A_140 = arith.muli %scan3A_136, %mul3A_139 : i32
      %get3A_141 = arith.index_cast %mul3A_140 : i32 to index
      %get3A_142 = arith.constant 0 : index
      %get3A_143 = vector.load %arg11[%get3A_141, %get3A_142] : memref<4096x8xf32, #tpu.memory_space<vmem>>, vector<512x8xf32>
      %mul3A_144 = arith.constant 512 : i32
      %mul3A_145 = arith.muli %scan3A_136, %mul3A_144 : i32
      %get3A_146 = arith.index_cast %mul3A_145 : i32 to index
      %get3A_147 = arith.constant 0 : index
      %get3A_148 = vector.load %arg12[%get3A_146, %get3A_147] : memref<4096x1xi32, #tpu.memory_space<vmem>>, vector<512x1xi32>
      %mul3A_149 = arith.constant 512 : i32
      %mul3A_150 = arith.muli %scan3A_136, %mul3A_149 : i32
      %get3A_151 = arith.index_cast %mul3A_150 : i32 to index
      %get3A_152 = arith.constant 0 : index
      %get3A_153 = vector.load %arg13[%get3A_151, %get3A_152] : memref<4096x1xf32, #tpu.memory_space<vmem>>, vector<512x1xf32>
      %dot_general3A_154 = arith.constant dense<0.000000e+00> : vector<512x8xf32>
      %dot_general3A_155 = tpu.matmul %convert_element_type3A_121, %get3A_143, %dot_general3A_154 {dimension_numbers = #tpu.dot_dimension_numbers<[1], [0], [0], [1], [0, 0, 1, 1], [], []>, precision = #tpu.contract_precision<fp32>, transpose_lhs_hint = false} : vector<512x512xf32>, vector<512x8xf32>, vector<512x8xf32> -> vector<512x8xf32>
      %add3A_156 = vector.broadcast %scan3A_137 : vector<1x8xf32> to vector<512x8xf32>
      %add3A_157 = arith.addf %dot_general3A_155, %add3A_156 : vector<512x8xf32>
      %sub3A_158 = arith.constant 1.000000e+00 : f32
      %sub3A_159 = vector.broadcast %sub3A_158 : f32 to vector<512x8xf32>
      %sub3A_160 = arith.subf %add3A_157, %sub3A_159 : vector<512x8xf32>
      %mul3A_161 = arith.mulf %sub3A_160, %get3A_143 : vector<512x8xf32>
      %reduce_sum3A_162 = arith.constant dense<0.000000e+00> : vector<512xf32>
      %reduce_sum3A_163 = vector.multi_reduction <add>, %mul3A_161, %reduce_sum3A_162 [1] : vector<512x8xf32> to vector<512xf32>
      %broadcast_in_dim3A_164 = vector.shape_cast %reduce_sum3A_163 : vector<512xf32> to vector<512x1xf32>
      %lt3A = arith.constant 1.024000e+03 : f32
      %lt3A_165 = vector.broadcast %lt3A : f32 to vector<512x1xf32>
      %lt3A_166 = arith.cmpf olt, %broadcast_in_dim3A_164, %lt3A_165 : vector<512x1xf32>
      %ne3A = arith.constant 0.000000e+00 : f32
      %ne3A_167 = vector.broadcast %ne3A : f32 to vector<512x1xf32>
      %ne3A_168 = arith.cmpf one, %get3A_153, %ne3A_167 : vector<512x1xf32>
      %and3A = arith.andi %lt3A_166, %ne3A_168 : vector<512x1xi1>
      %convert_element_type3A_169 = arith.extui %and3A : vector<512x1xi1> to vector<512x1xi32>
      %convert_element_type3A_170 = arith.sitofp %convert_element_type3A_169 : vector<512x1xi32> to vector<512x1xf32>
      %mul3A_171 = vector.broadcast %convert_element_type3A_170 : vector<512x1xf32> to vector<512x8xf32>
      %mul3A_172 = arith.mulf %get3A_143, %mul3A_171 : vector<512x8xf32>
      %dot_general3A_173 = arith.constant dense<0.000000e+00> : vector<512x8xf32>
      %dot_general3A_174 = tpu.matmul %convert_element_type3A_121, %mul3A_172, %dot_general3A_173 {dimension_numbers = #tpu.dot_dimension_numbers<[1], [0], [0], [1], [0, 0, 1, 1], [], []>, precision = #tpu.contract_precision<fp32>, transpose_lhs_hint = false} : vector<512x512xf32>, vector<512x8xf32>, vector<512x8xf32> -> vector<512x8xf32>
      %add3A_175 = vector.broadcast %scan3A_138 : vector<1x8xf32> to vector<512x8xf32>
      %add3A_176 = arith.addf %dot_general3A_174, %add3A_175 : vector<512x8xf32>
      %sub3A_177 = arith.constant 1.000000e+00 : f32
      %sub3A_178 = vector.broadcast %sub3A_177 : f32 to vector<512x8xf32>
      %sub3A_179 = arith.subf %add3A_176, %sub3A_178 : vector<512x8xf32>
      %mul3A_180 = arith.mulf %sub3A_179, %get3A_143 : vector<512x8xf32>
      %reduce_sum3A_181 = arith.constant dense<0.000000e+00> : vector<512xf32>
      %reduce_sum3A_182 = vector.multi_reduction <add>, %mul3A_180, %reduce_sum3A_181 [1] : vector<512x8xf32> to vector<512xf32>
      %broadcast_in_dim3A_183 = vector.shape_cast %reduce_sum3A_182 : vector<512xf32> to vector<512x1xf32>
      %convert_element_type3A_184 = arith.fptosi %broadcast_in_dim3A_183 : vector<512x1xf32> to vector<512x1xi32>
      %mul3A_185 = arith.constant 1024 : i32
      %mul3A_186 = vector.broadcast %mul3A_185 : i32 to vector<512x1xi32>
      %mul3A_187 = arith.muli %get3A_148, %mul3A_186 : vector<512x1xi32>
      %add3A_188 = arith.addi %mul3A_187, %convert_element_type3A_184 : vector<512x1xi32>
      %jit3A_189 = arith.constant 8192 : i32
      %broadcast_in_dim3A_190 = vector.broadcast %jit3A_189 : i32 to vector<512x1xi32>
      %select_n3A_191 = arith.select %and3A, %add3A_188, %broadcast_in_dim3A_190 : vector<512x1xi1>, vector<512x1xi32>
      %mul3A_192 = arith.constant 512 : i32
      %mul3A_193 = arith.muli %scan3A_136, %mul3A_192 : i32
      %swap3A_194 = arith.constant 0 : index
      %swap3A_195 = arith.index_cast %mul3A_193 : i32 to index
      %swap3A_196 = arith.constant 0 : index
      %swap3A_197 = vector.load %arg8[%swap3A_194, %swap3A_195, %swap3A_196] : memref<1x4096x1xi32, #tpu.memory_space<vmem>>, vector<1x512x1xi32>
      %swap3A_198 = vector.shape_cast %swap3A_197 : vector<1x512x1xi32> to vector<512x1xi32>
      %swap3A_199 = vector.shape_cast %select_n3A_191 : vector<512x1xi32> to vector<1x512x1xi32>
      tpu.vector_store %arg8[%swap3A_194, %swap3A_195, %swap3A_196], %swap3A_199 {strides = array<i32>} : memref<1x4096x1xi32, #tpu.memory_space<vmem>>, vector<1x512x1xi32>,
      %jit3A_200 = arith.constant 0.000000e+00 : f32
      %broadcast_in_dim3A_201 = vector.broadcast %jit3A_200 : f32 to vector<512x1xf32>
      %select_n3A_202 = arith.select %and3A, %get3A_153, %broadcast_in_dim3A_201 : vector<512x1xi1>, vector<512x1xf32>
      %broadcast_in_dim3A_203 = vector.shape_cast %select_n3A_202 : vector<512x1xf32> to vector<512x1xf32>
      %broadcast_in_dim3A_204 = vector.broadcast %broadcast_in_dim3A_203 : vector<512x1xf32> to vector<512x16xf32>
      %mul3A_205 = arith.constant 512 : i32
      %mul3A_206 = arith.muli %scan3A_136, %mul3A_205 : i32
      %swap3A_207 = arith.constant 0 : index
      %swap3A_208 = arith.index_cast %mul3A_206 : i32 to index
      %swap3A_209 = arith.constant 0 : index
      %swap3A_210 = vector.load %arg9[%swap3A_207, %swap3A_208, %swap3A_209] : memref<1x4096x16xf32, #tpu.memory_space<vmem>>, vector<1x512x16xf32>
      %swap3A_211 = vector.shape_cast %swap3A_210 : vector<1x512x16xf32> to vector<512x16xf32>
      %swap3A_212 = vector.shape_cast %broadcast_in_dim3A_204 : vector<512x16xf32> to vector<1x512x16xf32>
      tpu.vector_store %arg9[%swap3A_207, %swap3A_208, %swap3A_209], %swap3A_212 {strides = array<i32>} : memref<1x4096x16xf32, #tpu.memory_space<vmem>>, vector<1x512x16xf32>,
      %reduce_sum3A_213 = arith.constant dense<0.000000e+00> : vector<8xf32>
      %reduce_sum3A_214 = vector.multi_reduction <add>, %get3A_143, %reduce_sum3A_213 [0] : vector<512x8xf32> to vector<8xf32>
      %broadcast_in_dim3A_215 = vector.shape_cast %reduce_sum3A_214 : vector<8xf32> to vector<1x8xf32>
      %add3A_216 = arith.addf %scan3A_137, %broadcast_in_dim3A_215 : vector<1x8xf32>
      %reduce_sum3A_217 = arith.constant dense<0.000000e+00> : vector<8xf32>
      %reduce_sum3A_218 = vector.multi_reduction <add>, %mul3A_172, %reduce_sum3A_217 [0] : vector<512x8xf32> to vector<8xf32>
      %broadcast_in_dim3A_219 = vector.shape_cast %reduce_sum3A_218 : vector<8xf32> to vector<1x8xf32>
      %add3A_220 = arith.addf %scan3A_138, %broadcast_in_dim3A_219 : vector<1x8xf32>
      scf.yield %add3A_216, %add3A_220 : vector<1x8xf32>, vector<1x8xf32>
    }
    %scan3A_128 = arith.constant 8 : i32
    %convert_element_type3A_129 = arith.fptosi %scan3A_127#1 : vector<1x8xf32> to vector<1x8xi32>
    %swap3A_130 = arith.constant 0 : index
    %swap3A_131 = arith.constant 0 : index
    %swap3A_132 = arith.constant 0 : index
    %swap3A_133 = vector.load %arg10[%swap3A_130, %swap3A_131, %swap3A_132] : memref<1x1x8xi32, #tpu.memory_space<vmem>>, vector<1x1x8xi32>
    %swap3A_134 = vector.shape_cast %swap3A_133 : vector<1x1x8xi32> to vector<1x8xi32>
    %swap3A_135 = vector.shape_cast %convert_element_type3A_129 : vector<1x8xi32> to vector<1x1x8xi32>
    tpu.vector_store %arg10[%swap3A_130, %swap3A_131, %swap3A_132], %swap3A_135 {strides = array<i32>} : memref<1x1x8xi32, #tpu.memory_space<vmem>>, vector<1x1x8xi32>,
    return
  }
  func.func @transform_0(%arg0: i32) -> (i32, i32) {
    %c0_i32 = arith.constant 0 : i32
    %c0_i32_0 = arith.constant 0 : i32
    %c0_i32_1 = arith.constant 0 : i32
    return %c0_i32, %c0_i32_0 : i32, i32
  }
  func.func @transform_1(%arg0: i32) -> (i32, i32, i32) {
    %c0_i32 = arith.constant 0 : i32
    %c0_i32_0 = arith.constant 0 : i32
    %c0_i32_1 = arith.constant 0 : i32
    return %arg0, %c0_i32, %c0_i32_0 : i32, i32, i32
  }
  func.func @transform_2(%arg0: i32) -> (i32, i32, i32) {
    %c0_i32 = arith.constant 0 : i32
    %c0_i32_0 = arith.constant 0 : i32
    %c0_i32_1 = arith.constant 0 : i32
    return %arg0, %c0_i32, %c0_i32_0 : i32, i32, i32
  }
  func.func @transform_3(%arg0: i32) -> (i32, i32, i32) {
    %c0_i32 = arith.constant 0 : i32
    %c0_i32_0 = arith.constant 0 : i32
    %c0_i32_1 = arith.constant 0 : i32
    return %arg0, %c0_i32, %c0_i32_0 : i32, i32, i32
  }
  func.func @transform_4(%arg0: i32) -> (i32, i32) {
    %c0_i32 = arith.constant 0 : i32
    %c0_i32_0 = arith.constant 0 : i32
    %c0_i32_1 = arith.constant 0 : i32
    return %c0_i32, %c0_i32_0 : i32, i32
  }
  func.func @transform_5(%arg0: i32) -> (i32, i32) {
    %c0_i32 = arith.constant 0 : i32
    %c0_i32_0 = arith.constant 0 : i32
    %c0_i32_1 = arith.constant 0 : i32
    return %c0_i32, %c0_i32_0 : i32, i32
  }
  func.func @transform_6(%arg0: i32) -> (i32, i32) {
    %c0_i32 = arith.constant 0 : i32
    %c0_i32_0 = arith.constant 0 : i32
    %c0_i32_1 = arith.constant 0 : i32
    return %c0_i32, %c0_i32_0 : i32, i32
  }
  func.func @transform_7(%arg0: i32) -> (i32, i32, i32) {
    %c0_i32 = arith.constant 0 : i32
    %c0_i32_0 = arith.constant 0 : i32
    %c0_i32_1 = arith.constant 0 : i32
    return %arg0, %c0_i32, %c0_i32_0 : i32, i32, i32
  }
  func.func @transform_8(%arg0: i32) -> (i32, i32, i32) {
    %c0_i32 = arith.constant 0 : i32
    %c0_i32_0 = arith.constant 0 : i32
    %c0_i32_1 = arith.constant 0 : i32
    return %arg0, %c0_i32, %c0_i32_0 : i32, i32, i32
  }
  func.func @transform_9(%arg0: i32) -> (i32, i32, i32) {
    %c0_i32 = arith.constant 0 : i32
    %c0_i32_0 = arith.constant 0 : i32
    %c0_i32_1 = arith.constant 0 : i32
    return %arg0, %c0_i32, %c0_i32_0 : i32, i32, i32
  }
}

module attributes {stable_mosaic.version = 14 : i64} {
  func.func @_ffn_body(%arg0: i32, %arg1: i32, %arg2: memref<9xi32, #tpu.memory_space<smem>>, %arg3: memref<256x768xf32, #tpu.memory_space<vmem>>, %arg4: memref<1x768x1536xf32, #tpu.memory_space<vmem>>, %arg5: memref<1x1x1536xf32, #tpu.memory_space<vmem>>, %arg6: memref<1x1536x768xf32, #tpu.memory_space<vmem>>, %arg7: memref<1x1x768xf32, #tpu.memory_space<vmem>>, %arg8: memref<256x768xf32, #tpu.memory_space<vmem>>, %arg9: memref<768x1536xbf16, #tpu.memory_space<vmem>>, %arg10: memref<1536x768xbf16, #tpu.memory_space<vmem>>) attributes {dimension_semantics = [#tpu.dimension_semantics<arbitrary>, #tpu.dimension_semantics<arbitrary>], iteration_bounds = array<i64: 9, 4>, scalar_prefetch = 1 : i64, scratch_operands = 2 : i64, tpu.core_type = #tpu.core_type<tc>, window_params = [{transform_indices = @transform_0, window_bounds = array<i64: 256, 768>}, {transform_indices = @transform_1, window_bounds = array<i64: 1, 768, 1536>}, {transform_indices = @transform_2, window_bounds = array<i64: 1, 1, 1536>}, {transform_indices = @transform_3, window_bounds = array<i64: 1, 1536, 768>}, {transform_indices = @transform_4, window_bounds = array<i64: 1, 1, 768>}, {transform_indices = @transform_5, window_bounds = array<i64: 256, 768>}]} {
    %eq3A = arith.constant 0 : i32
    %eq3A_0 = arith.cmpi eq, %arg1, %eq3A : i32
    %lt3A = arith.constant 8 : i32
    %lt3A_1 = arith.cmpi slt, %arg0, %lt3A : i32
    %and3A = arith.andi %eq3A_0, %lt3A_1 : i1
    %convert_element_type3A = arith.extui %and3A : i1 to i32
    %cond3A = arith.constant 0 : i32
    %cond3A_2 = arith.cmpi ne, %convert_element_type3A, %cond3A : i32
    scf.if %cond3A_2 {
      %get3A_20 = arith.constant 0 : index
      %get3A_21 = arith.constant 0 : index
      %get3A_22 = arith.constant 0 : index
      %get3A_23 = vector.load %arg4[%get3A_20, %get3A_21, %get3A_22] : memref<1x768x1536xf32, #tpu.memory_space<vmem>>, vector<1x768x1536xf32>
      %get3A_24 = vector.shape_cast %get3A_23 : vector<1x768x1536xf32> to vector<768x1536xf32>
      %convert_element_type3A_25 = arith.truncf %get3A_24 : vector<768x1536xf32> to vector<768x1536xbf16>
      %swap3A = arith.constant 0 : index
      %swap3A_26 = arith.constant 0 : index
      %swap3A_27 = vector.load %arg9[%swap3A, %swap3A_26] : memref<768x1536xbf16, #tpu.memory_space<vmem>>, vector<768x1536xbf16>
      tpu.vector_store %arg9[%swap3A, %swap3A_26], %convert_element_type3A_25 {strides = array<i32>} : memref<768x1536xbf16, #tpu.memory_space<vmem>>, vector<768x1536xbf16>,
      %get3A_28 = arith.constant 0 : index
      %get3A_29 = arith.constant 0 : index
      %get3A_30 = arith.constant 0 : index
      %get3A_31 = vector.load %arg6[%get3A_28, %get3A_29, %get3A_30] : memref<1x1536x768xf32, #tpu.memory_space<vmem>>, vector<1x1536x768xf32>
      %get3A_32 = vector.shape_cast %get3A_31 : vector<1x1536x768xf32> to vector<1536x768xf32>
      %convert_element_type3A_33 = arith.truncf %get3A_32 : vector<1536x768xf32> to vector<1536x768xbf16>
      %swap3A_34 = arith.constant 0 : index
      %swap3A_35 = arith.constant 0 : index
      %swap3A_36 = vector.load %arg10[%swap3A_34, %swap3A_35] : memref<1536x768xbf16, #tpu.memory_space<vmem>>, vector<1536x768xbf16>
      tpu.vector_store %arg10[%swap3A_34, %swap3A_35], %convert_element_type3A_33 {strides = array<i32>} : memref<1536x768xbf16, #tpu.memory_space<vmem>>, vector<1536x768xbf16>,
    } else {
    }
    %mul3A = arith.constant 256 : i32
    %mul3A_3 = arith.muli %arg1, %mul3A : i32
    %get3A = arith.index_cast %arg0 : i32 to index
    %get3A_4 = memref.load %arg2[%get3A] : memref<9xi32, #tpu.memory_space<smem>>
    %lt3A_5 = arith.cmpi slt, %mul3A_3, %get3A_4 : i32
    %lt3A_6 = arith.constant 8 : i32
    %lt3A_7 = arith.cmpi slt, %arg0, %lt3A_6 : i32
    %and3A_8 = arith.andi %lt3A_5, %lt3A_7 : i1
    %convert_element_type3A_9 = arith.extui %and3A_8 : i1 to i32
    %cond3A_10 = arith.constant 0 : i32
    %cond3A_11 = arith.cmpi ne, %convert_element_type3A_9, %cond3A_10 : i32
    scf.if %cond3A_11 {
      %get3A_20 = arith.constant 0 : index
      %get3A_21 = arith.constant 0 : index
      %get3A_22 = vector.load %arg3[%get3A_20, %get3A_21] : memref<256x768xf32, #tpu.memory_space<vmem>>, vector<256x768xf32>
      %convert_element_type3A_23 = arith.truncf %get3A_22 : vector<256x768xf32> to vector<256x768xbf16>
      %get3A_24 = arith.constant 0 : index
      %get3A_25 = arith.constant 0 : index
      %get3A_26 = vector.load %arg9[%get3A_24, %get3A_25] : memref<768x1536xbf16, #tpu.memory_space<vmem>>, vector<768x1536xbf16>
      %dot_general3A = arith.constant dense<0.000000e+00> : vector<256x1536xf32>
      %dot_general3A_27 = tpu.matmul %convert_element_type3A_23, %get3A_26, %dot_general3A {dimension_numbers = #tpu.dot_dimension_numbers<[1], [0], [0], [1], [0, 0, 1, 1], [], []>, transpose_lhs_hint = false} : vector<256x768xbf16>, vector<768x1536xbf16>, vector<256x1536xf32> -> vector<256x1536xf32>
      %get3A_28 = arith.constant 0 : index
      %get3A_29 = arith.constant 0 : index
      %get3A_30 = arith.constant 0 : index
      %get3A_31 = vector.load %arg5[%get3A_28, %get3A_29, %get3A_30] : memref<1x1x1536xf32, #tpu.memory_space<vmem>>, vector<1x1x1536xf32>
      %get3A_32 = vector.shape_cast %get3A_31 : vector<1x1x1536xf32> to vector<1x1536xf32>
      %add3A = vector.broadcast %get3A_32 : vector<1x1536xf32> to vector<256x1536xf32>
      %add3A_33 = arith.addf %dot_general3A_27, %add3A : vector<256x1536xf32>
      %max3A = arith.constant 0.000000e+00 : f32
      %max3A_34 = vector.broadcast %max3A : f32 to vector<256x1536xf32>
      %max3A_35 = arith.maximumf %add3A_33, %max3A_34 : vector<256x1536xf32>
      %convert_element_type3A_36 = arith.truncf %max3A_35 : vector<256x1536xf32> to vector<256x1536xbf16>
      %get3A_37 = arith.constant 0 : index
      %get3A_38 = arith.constant 0 : index
      %get3A_39 = vector.load %arg10[%get3A_37, %get3A_38] : memref<1536x768xbf16, #tpu.memory_space<vmem>>, vector<1536x768xbf16>
      %dot_general3A_40 = arith.constant dense<0.000000e+00> : vector<256x768xf32>
      %dot_general3A_41 = tpu.matmul %convert_element_type3A_36, %get3A_39, %dot_general3A_40 {dimension_numbers = #tpu.dot_dimension_numbers<[1], [0], [0], [1], [0, 0, 1, 1], [], []>, transpose_lhs_hint = false} : vector<256x1536xbf16>, vector<1536x768xbf16>, vector<256x768xf32> -> vector<256x768xf32>
      %get3A_42 = arith.constant 0 : index
      %get3A_43 = arith.constant 0 : index
      %get3A_44 = arith.constant 0 : index
      %get3A_45 = vector.load %arg7[%get3A_42, %get3A_43, %get3A_44] : memref<1x1x768xf32, #tpu.memory_space<vmem>>, vector<1x1x768xf32>
      %get3A_46 = vector.shape_cast %get3A_45 : vector<1x1x768xf32> to vector<1x768xf32>
      %add3A_47 = vector.broadcast %get3A_46 : vector<1x768xf32> to vector<256x768xf32>
      %add3A_48 = arith.addf %dot_general3A_41, %add3A_47 : vector<256x768xf32>
      %swap3A = arith.constant 0 : index
      %swap3A_49 = arith.constant 0 : index
      %swap3A_50 = vector.load %arg8[%swap3A, %swap3A_49] : memref<256x768xf32, #tpu.memory_space<vmem>>, vector<256x768xf32>
      tpu.vector_store %arg8[%swap3A, %swap3A_49], %add3A_48 {strides = array<i32>} : memref<256x768xf32, #tpu.memory_space<vmem>>, vector<256x768xf32>,
    } else {
    }
    %eq3A_12 = arith.constant 0 : i32
    %eq3A_13 = arith.cmpi eq, %arg1, %eq3A_12 : i32
    %eq3A_14 = arith.constant 8 : i32
    %eq3A_15 = arith.cmpi eq, %arg0, %eq3A_14 : i32
    %and3A_16 = arith.andi %eq3A_13, %eq3A_15 : i1
    %convert_element_type3A_17 = arith.extui %and3A_16 : i1 to i32
    %cond3A_18 = arith.constant 0 : i32
    %cond3A_19 = arith.cmpi ne, %convert_element_type3A_17, %cond3A_18 : i32
    scf.if %cond3A_19 {
      %broadcast_in_dim3A = arith.constant 0.000000e+00 : f32
      %broadcast_in_dim3A_20 = vector.broadcast %broadcast_in_dim3A : f32 to vector<256x768xf32>
      %swap3A = arith.constant 0 : index
      %swap3A_21 = arith.constant 0 : index
      %swap3A_22 = vector.load %arg8[%swap3A, %swap3A_21] : memref<256x768xf32, #tpu.memory_space<vmem>>, vector<256x768xf32>
      tpu.vector_store %arg8[%swap3A, %swap3A_21], %broadcast_in_dim3A_20 {strides = array<i32>} : memref<256x768xf32, #tpu.memory_space<vmem>>, vector<256x768xf32>,
    } else {
    }
    return
  }
  func.func @transform_0(%arg0: i32, %arg1: i32, %arg2: memref<9xi32, #tpu.memory_space<smem>>) -> (i32, i32) {
    %get3A = arith.index_cast %arg0 : i32 to index
    %get3A_0 = memref.load %arg2[%get3A] : memref<9xi32, #tpu.memory_space<smem>>
    %add3A = arith.constant 255 : i32
    %add3A_1 = arith.addi %get3A_0, %add3A : i32
    %jit3A = arith.constant 256 : i32
    %div3A = arith.divsi %add3A_1, %jit3A : i32
    %sign3A = arith.constant 0 : i32
    %sign3A_2 = arith.cmpi sgt, %add3A_1, %sign3A : i32
    %sign3A_3 = arith.extui %sign3A_2 : i1 to i32
    %sign3A_4 = arith.constant 0 : i32
    %sign3A_5 = arith.cmpi slt, %add3A_1, %sign3A_4 : i32
    %sign3A_6 = arith.extui %sign3A_5 : i1 to i32
    %sign3A_7 = arith.subi %sign3A_3, %sign3A_6 : i32
    %sign3A_8 = arith.constant 0 : i32
    %sign3A_9 = arith.cmpi sgt, %jit3A, %sign3A_8 : i32
    %sign3A_10 = arith.extui %sign3A_9 : i1 to i32
    %sign3A_11 = arith.constant 0 : i32
    %sign3A_12 = arith.cmpi slt, %jit3A, %sign3A_11 : i32
    %sign3A_13 = arith.extui %sign3A_12 : i1 to i32
    %sign3A_14 = arith.subi %sign3A_10, %sign3A_13 : i32
    %ne3A = arith.cmpi ne, %sign3A_7, %sign3A_14 : i32
    %rem3A = arith.remsi %add3A_1, %jit3A : i32
    %ne3A_15 = arith.constant 0 : i32
    %ne3A_16 = arith.cmpi ne, %rem3A, %ne3A_15 : i32
    %and3A = arith.andi %ne3A, %ne3A_16 : i1
    %sub3A = arith.constant 1 : i32
    %sub3A_17 = arith.subi %div3A, %sub3A : i32
    %select_n3A = arith.select %and3A, %sub3A_17, %div3A : i32
    %sub3A_18 = arith.constant 1 : i32
    %sub3A_19 = arith.subi %select_n3A, %sub3A_18 : i32
    %max3A = arith.constant 0 : i32
    %max3A_20 = arith.maxsi %sub3A_19, %max3A : i32
    %mul3A = arith.constant 4 : i32
    %mul3A_21 = arith.muli %arg0, %mul3A : i32
    %min3A = arith.minsi %arg1, %max3A_20 : i32
    %add3A_22 = arith.addi %mul3A_21, %min3A : i32
    %c0_i32 = arith.constant 0 : i32
    %c0_i32_23 = arith.constant 0 : i32
    return %add3A_22, %c0_i32 : i32, i32
  }
  func.func @transform_1(%arg0: i32, %arg1: i32, %arg2: memref<9xi32, #tpu.memory_space<smem>>) -> (i32, i32, i32) {
    %min3A = arith.constant 7 : i32
    %min3A_0 = arith.minsi %arg0, %min3A : i32
    %c0_i32 = arith.constant 0 : i32
    %c0_i32_1 = arith.constant 0 : i32
    %c0_i32_2 = arith.constant 0 : i32
    return %min3A_0, %c0_i32, %c0_i32_1 : i32, i32, i32
  }
  func.func @transform_2(%arg0: i32, %arg1: i32, %arg2: memref<9xi32, #tpu.memory_space<smem>>) -> (i32, i32, i32) {
    %min3A = arith.constant 7 : i32
    %min3A_0 = arith.minsi %arg0, %min3A : i32
    %c0_i32 = arith.constant 0 : i32
    %c0_i32_1 = arith.constant 0 : i32
    %c0_i32_2 = arith.constant 0 : i32
    return %min3A_0, %c0_i32, %c0_i32_1 : i32, i32, i32
  }
  func.func @transform_3(%arg0: i32, %arg1: i32, %arg2: memref<9xi32, #tpu.memory_space<smem>>) -> (i32, i32, i32) {
    %min3A = arith.constant 7 : i32
    %min3A_0 = arith.minsi %arg0, %min3A : i32
    %c0_i32 = arith.constant 0 : i32
    %c0_i32_1 = arith.constant 0 : i32
    %c0_i32_2 = arith.constant 0 : i32
    return %min3A_0, %c0_i32, %c0_i32_1 : i32, i32, i32
  }
  func.func @transform_4(%arg0: i32, %arg1: i32, %arg2: memref<9xi32, #tpu.memory_space<smem>>) -> (i32, i32, i32) {
    %min3A = arith.constant 7 : i32
    %min3A_0 = arith.minsi %arg0, %min3A : i32
    %c0_i32 = arith.constant 0 : i32
    %c0_i32_1 = arith.constant 0 : i32
    %c0_i32_2 = arith.constant 0 : i32
    return %min3A_0, %c0_i32, %c0_i32_1 : i32, i32, i32
  }
  func.func @transform_5(%arg0: i32, %arg1: i32, %arg2: memref<9xi32, #tpu.memory_space<smem>>) -> (i32, i32) {
    %get3A = arith.index_cast %arg0 : i32 to index
    %get3A_0 = memref.load %arg2[%get3A] : memref<9xi32, #tpu.memory_space<smem>>
    %add3A = arith.constant 255 : i32
    %add3A_1 = arith.addi %get3A_0, %add3A : i32
    %jit3A = arith.constant 256 : i32
    %div3A = arith.divsi %add3A_1, %jit3A : i32
    %sign3A = arith.constant 0 : i32
    %sign3A_2 = arith.cmpi sgt, %add3A_1, %sign3A : i32
    %sign3A_3 = arith.extui %sign3A_2 : i1 to i32
    %sign3A_4 = arith.constant 0 : i32
    %sign3A_5 = arith.cmpi slt, %add3A_1, %sign3A_4 : i32
    %sign3A_6 = arith.extui %sign3A_5 : i1 to i32
    %sign3A_7 = arith.subi %sign3A_3, %sign3A_6 : i32
    %sign3A_8 = arith.constant 0 : i32
    %sign3A_9 = arith.cmpi sgt, %jit3A, %sign3A_8 : i32
    %sign3A_10 = arith.extui %sign3A_9 : i1 to i32
    %sign3A_11 = arith.constant 0 : i32
    %sign3A_12 = arith.cmpi slt, %jit3A, %sign3A_11 : i32
    %sign3A_13 = arith.extui %sign3A_12 : i1 to i32
    %sign3A_14 = arith.subi %sign3A_10, %sign3A_13 : i32
    %ne3A = arith.cmpi ne, %sign3A_7, %sign3A_14 : i32
    %rem3A = arith.remsi %add3A_1, %jit3A : i32
    %ne3A_15 = arith.constant 0 : i32
    %ne3A_16 = arith.cmpi ne, %rem3A, %ne3A_15 : i32
    %and3A = arith.andi %ne3A, %ne3A_16 : i1
    %sub3A = arith.constant 1 : i32
    %sub3A_17 = arith.subi %div3A, %sub3A : i32
    %select_n3A = arith.select %and3A, %sub3A_17, %div3A : i32
    %sub3A_18 = arith.constant 1 : i32
    %sub3A_19 = arith.subi %select_n3A, %sub3A_18 : i32
    %max3A = arith.constant 0 : i32
    %max3A_20 = arith.maxsi %sub3A_19, %max3A : i32
    %mul3A = arith.constant 4 : i32
    %mul3A_21 = arith.muli %arg0, %mul3A : i32
    %min3A = arith.minsi %arg1, %max3A_20 : i32
    %add3A_22 = arith.addi %mul3A_21, %min3A : i32
    %c0_i32 = arith.constant 0 : i32
    %c0_i32_23 = arith.constant 0 : i32
    return %add3A_22, %c0_i32 : i32, i32
  }
}

module attributes {stable_mosaic.version = 14 : i64} {
  func.func @_wsum_body(%arg0: i32, %arg1: memref<6x256x768xf32, #tpu.memory_space<vmem>>, %arg2: memref<6x256x16xf32, #tpu.memory_space<vmem>>, %arg3: memref<256x768xf32, #tpu.memory_space<vmem>>) attributes {dimension_semantics = [#tpu.dimension_semantics<arbitrary>], iteration_bounds = array<i64: 8>, scalar_prefetch = 0 : i64, scratch_operands = 0 : i64, tpu.core_type = #tpu.core_type<tc>, window_params = [{transform_indices = @transform_0, window_bounds = array<i64: 6, 256, 768>}, {transform_indices = @transform_1, window_bounds = array<i64: 6, 256, 16>}, {transform_indices = @transform_2, window_bounds = array<i64: 256, 768>}]} {
    %get3A = arith.constant 0 : index
    %get3A_0 = arith.constant 0 : index
    %get3A_1 = arith.constant 0 : index
    %get3A_2 = vector.load %arg2[%get3A, %get3A_0, %get3A_1] : memref<6x256x16xf32, #tpu.memory_space<vmem>>, vector<1x256x1xf32>
    %get3A_3 = vector.shape_cast %get3A_2 : vector<1x256x1xf32> to vector<256x1xf32>
    %get3A_4 = arith.constant 0 : index
    %get3A_5 = arith.constant 0 : index
    %get3A_6 = arith.constant 0 : index
    %get3A_7 = vector.load %arg1[%get3A_4, %get3A_5, %get3A_6] : memref<6x256x768xf32, #tpu.memory_space<vmem>>, vector<1x256x768xf32>
    %get3A_8 = vector.shape_cast %get3A_7 : vector<1x256x768xf32> to vector<256x768xf32>
    %mul3A = vector.broadcast %get3A_3 : vector<256x1xf32> to vector<256x768xf32>
    %mul3A_9 = arith.mulf %mul3A, %get3A_8 : vector<256x768xf32>
    %get3A_10 = arith.constant 1 : index
    %get3A_11 = arith.constant 0 : index
    %get3A_12 = arith.constant 0 : index
    %get3A_13 = vector.load %arg2[%get3A_10, %get3A_11, %get3A_12] : memref<6x256x16xf32, #tpu.memory_space<vmem>>, vector<1x256x1xf32>
    %get3A_14 = vector.shape_cast %get3A_13 : vector<1x256x1xf32> to vector<256x1xf32>
    %get3A_15 = arith.constant 1 : index
    %get3A_16 = arith.constant 0 : index
    %get3A_17 = arith.constant 0 : index
    %get3A_18 = vector.load %arg1[%get3A_15, %get3A_16, %get3A_17] : memref<6x256x768xf32, #tpu.memory_space<vmem>>, vector<1x256x768xf32>
    %get3A_19 = vector.shape_cast %get3A_18 : vector<1x256x768xf32> to vector<256x768xf32>
    %mul3A_20 = vector.broadcast %get3A_14 : vector<256x1xf32> to vector<256x768xf32>
    %mul3A_21 = arith.mulf %mul3A_20, %get3A_19 : vector<256x768xf32>
    %add3A = arith.addf %mul3A_9, %mul3A_21 : vector<256x768xf32>
    %get3A_22 = arith.constant 2 : index
    %get3A_23 = arith.constant 0 : index
    %get3A_24 = arith.constant 0 : index
    %get3A_25 = vector.load %arg2[%get3A_22, %get3A_23, %get3A_24] : memref<6x256x16xf32, #tpu.memory_space<vmem>>, vector<1x256x1xf32>
    %get3A_26 = vector.shape_cast %get3A_25 : vector<1x256x1xf32> to vector<256x1xf32>
    %get3A_27 = arith.constant 2 : index
    %get3A_28 = arith.constant 0 : index
    %get3A_29 = arith.constant 0 : index
    %get3A_30 = vector.load %arg1[%get3A_27, %get3A_28, %get3A_29] : memref<6x256x768xf32, #tpu.memory_space<vmem>>, vector<1x256x768xf32>
    %get3A_31 = vector.shape_cast %get3A_30 : vector<1x256x768xf32> to vector<256x768xf32>
    %mul3A_32 = vector.broadcast %get3A_26 : vector<256x1xf32> to vector<256x768xf32>
    %mul3A_33 = arith.mulf %mul3A_32, %get3A_31 : vector<256x768xf32>
    %add3A_34 = arith.addf %add3A, %mul3A_33 : vector<256x768xf32>
    %get3A_35 = arith.constant 3 : index
    %get3A_36 = arith.constant 0 : index
    %get3A_37 = arith.constant 0 : index
    %get3A_38 = vector.load %arg2[%get3A_35, %get3A_36, %get3A_37] : memref<6x256x16xf32, #tpu.memory_space<vmem>>, vector<1x256x1xf32>
    %get3A_39 = vector.shape_cast %get3A_38 : vector<1x256x1xf32> to vector<256x1xf32>
    %get3A_40 = arith.constant 3 : index
    %get3A_41 = arith.constant 0 : index
    %get3A_42 = arith.constant 0 : index
    %get3A_43 = vector.load %arg1[%get3A_40, %get3A_41, %get3A_42] : memref<6x256x768xf32, #tpu.memory_space<vmem>>, vector<1x256x768xf32>
    %get3A_44 = vector.shape_cast %get3A_43 : vector<1x256x768xf32> to vector<256x768xf32>
    %mul3A_45 = vector.broadcast %get3A_39 : vector<256x1xf32> to vector<256x768xf32>
    %mul3A_46 = arith.mulf %mul3A_45, %get3A_44 : vector<256x768xf32>
    %add3A_47 = arith.addf %add3A_34, %mul3A_46 : vector<256x768xf32>
    %get3A_48 = arith.constant 4 : index
    %get3A_49 = arith.constant 0 : index
    %get3A_50 = arith.constant 0 : index
    %get3A_51 = vector.load %arg2[%get3A_48, %get3A_49, %get3A_50] : memref<6x256x16xf32, #tpu.memory_space<vmem>>, vector<1x256x1xf32>
    %get3A_52 = vector.shape_cast %get3A_51 : vector<1x256x1xf32> to vector<256x1xf32>
    %get3A_53 = arith.constant 4 : index
    %get3A_54 = arith.constant 0 : index
    %get3A_55 = arith.constant 0 : index
    %get3A_56 = vector.load %arg1[%get3A_53, %get3A_54, %get3A_55] : memref<6x256x768xf32, #tpu.memory_space<vmem>>, vector<1x256x768xf32>
    %get3A_57 = vector.shape_cast %get3A_56 : vector<1x256x768xf32> to vector<256x768xf32>
    %mul3A_58 = vector.broadcast %get3A_52 : vector<256x1xf32> to vector<256x768xf32>
    %mul3A_59 = arith.mulf %mul3A_58, %get3A_57 : vector<256x768xf32>
    %add3A_60 = arith.addf %add3A_47, %mul3A_59 : vector<256x768xf32>
    %get3A_61 = arith.constant 5 : index
    %get3A_62 = arith.constant 0 : index
    %get3A_63 = arith.constant 0 : index
    %get3A_64 = vector.load %arg2[%get3A_61, %get3A_62, %get3A_63] : memref<6x256x16xf32, #tpu.memory_space<vmem>>, vector<1x256x1xf32>
    %get3A_65 = vector.shape_cast %get3A_64 : vector<1x256x1xf32> to vector<256x1xf32>
    %get3A_66 = arith.constant 5 : index
    %get3A_67 = arith.constant 0 : index
    %get3A_68 = arith.constant 0 : index
    %get3A_69 = vector.load %arg1[%get3A_66, %get3A_67, %get3A_68] : memref<6x256x768xf32, #tpu.memory_space<vmem>>, vector<1x256x768xf32>
    %get3A_70 = vector.shape_cast %get3A_69 : vector<1x256x768xf32> to vector<256x768xf32>
    %mul3A_71 = vector.broadcast %get3A_65 : vector<256x1xf32> to vector<256x768xf32>
    %mul3A_72 = arith.mulf %mul3A_71, %get3A_70 : vector<256x768xf32>
    %add3A_73 = arith.addf %add3A_60, %mul3A_72 : vector<256x768xf32>
    %swap3A = arith.constant 0 : index
    %swap3A_74 = arith.constant 0 : index
    %swap3A_75 = vector.load %arg3[%swap3A, %swap3A_74] : memref<256x768xf32, #tpu.memory_space<vmem>>, vector<256x768xf32>
    tpu.vector_store %arg3[%swap3A, %swap3A_74], %add3A_73 {strides = array<i32>} : memref<256x768xf32, #tpu.memory_space<vmem>>, vector<256x768xf32>,
    return
  }
  func.func @transform_0(%arg0: i32) -> (i32, i32, i32) {
    %c0_i32 = arith.constant 0 : i32
    %c0_i32_0 = arith.constant 0 : i32
    %c0_i32_1 = arith.constant 0 : i32
    return %c0_i32, %arg0, %c0_i32_0 : i32, i32, i32
  }
  func.func @transform_1(%arg0: i32) -> (i32, i32, i32) {
    %c0_i32 = arith.constant 0 : i32
    %c0_i32_0 = arith.constant 0 : i32
    %c0_i32_1 = arith.constant 0 : i32
    return %c0_i32, %arg0, %c0_i32_0 : i32, i32, i32
  }
  func.func @transform_2(%arg0: i32) -> (i32, i32) {
    %c0_i32 = arith.constant 0 : i32
    %c0_i32_0 = arith.constant 0 : i32
    return %arg0, %c0_i32 : i32, i32
  }
}

</mosaic_0001>

<sc_bundles>
// kernel: kernel.12.cloned.1.call-start
scs
__scs_entry_jumppad:
0x0: {  	(pc) =	sbr.rel $0x88, $3  }
0x1: {  	(tag) =	ssettag $0x0;
	lr =	simm.s32 $0x1  }
0x2: {  	[smem:$0x3F86] =	sst lr;
	_ =	strace $0xD0000000  }
0x3: {  	_ = 	snop  }
0x4: {  	_ = 	snop  }
0x5: {  	_ = 	snop  }
0x6: {  	_ = 	snop  }
0x7: {  	_ = 	snop  }
__scs_overlays_trampoline_lowered:
0x8: {  	[smem:$0x3F95] =	sst s0  }
0x9: {  	[smem:$0x3F96] =	sst s1  }
0xa: {  	[smem:$0x3F97] =	sst s2  }
0xb: {  	[smem:$0x3F98] =	sst s3  }
0xc: {  	[smem:$0x3F99] =	sst s4  }
0xd: {  	[smem:$0x3F9A] =	sst s5  }
0xe: {  	[smem:$0x3F9B] =	sst s6  }
0xf: {  	[smem:$0x3F9C] =	sst s7  }
0x10: {  	[smem:$0x3F9D] =	sst s8  }
0x11: {  	[smem:$0x3F9E] =	sst s9;
	s0 =	simm.s32 @!p0 $0x0  }
0x12: {  	s1 =	sld [smem:$0x3F84];
	s0 =	simm.s32 @p0 $0x1  }
0x13: {  	[smem:$0x3F9F] =	sst s0;
	s0 =	simm.s32 @!p1 $0x0  }
0x14: {  	s2 =	sld [smem:$0x3F83];
	s0 =	simm.s32 @p1 $0x1  }
0x15: {  	[smem:$0x3FA0] =	sst s0;
	s0 =	simm.s32 @!p2 $0x0  }
0x16: {  	s3 =	sld [smem:$0x3FDB];
	s0 =	simm.s32 @p2 $0x1  }
0x17: {  	s4 =	simm.s32 $0x1BF5;
	[smem:$0x3FA2] =	sst s0  }
0x18: {  	s0 =	sld [smem:$0x3F85];
	_ =	swait.ge [sflag:s4], $0x0  }
0x19: {  	s7 =	sld [smem:$0x3F86]  }
0x1a: {  	s8 =	sadd.s32 $0xFFFFE003, lr  }
0x1b: {  	s9 =	sadd.s32 $0xFFFFFEF7, lr;
	s5 =	simm.s32 $0xFFFFFFFF;
	p2 =	slt.u32 s8, $0xFFFFF086  }
0x1c: {  	p1 =	slt.u32 s9, $0xF7A;
	s5 =	simm.s32 @!p2 $0x0  }
0x1d: {  	s5 =	simm.s32 @p1 $0x1;
	p0 =	seq.s32 s7, s2  }
0x1e: {  	s7 =	smul.u32 @!p0 $0xF7A, s2;
	p2 =	seq.s32 @!p0 s5, $0x0  }
0x1f: {  	s9 =	smul.u32 $0xF7A, s1;
	s8 =	simm.s32 @!p0 $0x1BF5;
	p2 =	por !p2, p0  }
0x20: {  	[sflag:s8] =	ssyncset.s32 @!p0 $0xFFFFF086;
	s6 =	sadd.s32 @!p0 s3, s7;
	s7 =	simm.s32 @!p0 $0x108  }
0x21: {  	s3 =	sadd.s32 s3, s9;
	s6 =	sadd.s32 @!p0 $0x88, s6;
	s7 =	simm.s32 @p2 $0x1082  }
0x22: {  	[simem:s7], [sflag:s8] =	dma.local @!p0 [hbm:s6], $0xF7A  }
0x23: {  	s9 =	sor.u32 $0xD0000000, s2;
	s6 =	simm.s32 $0x108;
	_ =	swait.ge @!p0 [sflag:s8], $0x0  }
0x24: {  	s3 =	sadd.s32 $0x88, s3;
	s6 =	simm.s32 @!p1 $0x1082;
	[sflag:s4] =	ssyncset.s32 $0xFFFFF086  }
0x25: {  	[simem:s6], [sflag:s4] =	dma.local [hbm:s3], $0xF7A  }
0x26: {  	[smem:$0x3F86] =	sst s1;
	(tag) =	ssettag s2;
	_ =	strace s9  }
0x27: {  	s1 =	sld [smem:$0x3F96]  }
0x28: {  	s2 =	sld [smem:$0x3F97]  }
0x29: {  	s4 =	sld [smem:$0x3F99]  }
0x2a: {  	p0 =	seq.s32 s5, $0x0;
	s5 =	sld [smem:$0x3F9A]  }
0x2b: {  	s6 =	sld [smem:$0x3F9B]  }
0x2c: {  	s7 =	sld [smem:$0x3F9C]  }
0x2d: {  	s3 =	simm.s32 $0x108;
	s8 =	sld [smem:$0x3F9D]  }
0x2e: {  	s3 =	simm.s32 @!p0 $0x1082;
	s9 =	sld [smem:$0x3F9E]  }
0x2f: {  	lr =	sadd.s32 s0, s3;
	s0 =	sld [smem:$0x3F95]  }
0x30: {  	s3 =	sld [smem:$0x3F98]  }
0x31: {  	[smem:$0x3FA1] =	sst s10  }
0x32: {  	s10 =	sld [smem:$0x3F9F];
	_ =	sdelay $0x3  }
0x33: {  	p0 =	seq.s32 s10, $0x1;
	s10 =	sld [smem:$0x3FA1];
	_ =	sdelay $0x3  }
0x34: {  	[smem:$0x3FA1] =	sst s10  }
0x35: {  	s10 =	sld [smem:$0x3FA0];
	_ =	sdelay $0x3  }
0x36: {  	p1 =	seq.s32 s10, $0x1;
	s10 =	sld [smem:$0x3FA1];
	_ =	sdelay $0x3  }
0x37: {  	[smem:$0x3FA1] =	sst s10  }
0x38: {  	s10 =	sld [smem:$0x3FA2]  }
0x39: {  	_ = 	snop;
	(pc) =	sbr.ind lr, $3  }
0x3a: {  	_ = 	snop  }
0x3b: {  	_ = 	snop  }
0x3c: {  	p2 =	seq.s32 s10, $0x1;
	s10 =	sld [smem:$0x3FA1]  }
0x3d: {  	_ =	shalt  }
0x3e: {  	_ =	shalt  }
0x3f: {  	_ =	shalt  }
0x40: {  	_ =	shalt  }
0x41: {  	_ =	shalt  }
0x42: {  	_ =	shalt  }
0x43: {  	_ =	shalt  }
0x44: {  	_ =	shalt  }
0x45: {  	_ =	shalt  }
0x46: {  	_ =	shalt  }
0x47: {  	_ =	shalt  }
0x48: {  	_ =	shalt  }
0x49: {  	_ =	shalt  }
0x4a: {  	_ =	shalt  }
0x4b: {  	_ =	shalt  }
0x4c: {  	_ =	shalt  }
0x4d: {  	_ =	shalt  }
0x4e: {  	_ =	shalt  }
0x4f: {  	_ =	shalt  }
0x50: {  	_ =	shalt  }
0x51: {  	_ =	shalt  }
0x52: {  	_ =	shalt  }
0x53: {  	_ =	shalt  }
0x54: {  	_ =	shalt  }
0x55: {  	_ =	shalt  }
0x56: {  	_ =	shalt  }
0x57: {  	_ =	shalt  }
0x58: {  	_ =	shalt  }
0x59: {  	_ =	shalt  }
0x5a: {  	_ =	shalt  }
0x5b: {  	_ =	shalt  }
0x5c: {  	_ =	shalt  }
0x5d: {  	_ =	shalt  }
0x5e: {  	_ =	shalt  }
0x5f: {  	_ =	shalt  }
0x60: {  	_ =	shalt  }
0x61: {  	_ =	shalt  }
0x62: {  	_ =	shalt  }
0x63: {  	_ =	shalt  }
0x64: {  	_ =	shalt  }
0x65: {  	_ =	shalt  }
0x66: {  	_ =	shalt  }
0x67: {  	_ =	shalt  }
0x68: {  	_ =	shalt  }
0x69: {  	_ =	shalt  }
0x6a: {  	_ =	shalt  }
0x6b: {  	_ =	shalt  }
0x6c: {  	_ =	shalt  }
0x6d: {  	_ =	shalt  }
0x6e: {  	_ =	shalt  }
0x6f: {  	_ =	shalt  }
0x70: {  	_ =	shalt  }
0x71: {  	_ =	shalt  }
0x72: {  	_ =	shalt  }
0x73: {  	_ =	shalt  }
0x74: {  	_ =	shalt  }
0x75: {  	_ =	shalt  }
0x76: {  	_ =	shalt  }
0x77: {  	_ =	shalt  }
0x78: {  	_ =	shalt  }
0x79: {  	_ =	shalt  }
0x7a: {  	_ =	shalt  }
0x7b: {  	_ =	shalt  }
0x7c: {  	_ =	shalt  }
0x7d: {  	_ =	shalt  }
0x7e: {  	_ =	shalt  }
0x7f: {  	_ =	shalt  }
0x80: {  	_ =	shalt  }
0x81: {  	_ =	shalt  }
0x82: {  	_ =	shalt  }
0x83: {  	_ =	shalt  }
0x84: {  	_ =	shalt  }
0x85: {  	_ =	shalt  }
0x86: {  	_ =	shalt  }
0x87: {  	_ =	shalt  }
.Lfunc_end0:
.L_simem_size_0:
called_computation.1_lowered:
.L_overlay_start_0:
0x88: {  	s2 =	sld [smem:$0x3FD9]  }
0x89: {  	s3 =	sld [smem:$0x3FFE];
	_ =	sdelay $0x1  }
0x8a: {  	s1 =	srdreg.scid  }
0x8b: {  	s0 =	sand.u32 $0x1, s1  }
0x8c: {  	s16 =	sshll.u32 s0, $0xA;
	s2 =	sadd.s32 s3, s2  }
0x8d: {  	s2 =	sadd.s32 s2, s16  }
0x8e: {  	[smem:$0x3FAD] =	sst s2  }
0x8f: {  	_ = 	snop  }
0x90: {  	(tm) =	ssettm $0x1  }
0x91: {  	s17 =	sld [smem:$0x3FFB];
	_ =	sdelay $0x3  }
0x92: {  	_ =	strace s17  }
0x93: {  	s2 =	sld [smem:$0x3FFC];
	_ =	sdelay $0x3  }
0x94: {  	_ =	strace s2  }
0x95: {  	s2 =	sld [smem:$0x3FFD];
	_ =	sdelay $0x3  }
0x96: {  	_ =	strace s2  }
0x97: {  	_ =	strace $0x8FFFFFFF  }
0x98: {  	s18 =	sld [smem:$0x3FDB];
	_ =	sdelay $0x1  }
0x99: {  	s19 =	simm.s32 $_scs_section_size  }
0x9a: {  	s4 =	simm.s32 $_size__tile_overlayer_lowered;
	s5 =	simm.s32 $_tile_overlayer_lowered  }
0x9b: {  	s22 =	simm.s32 $0x1BFF;
	s21 =	sshll.u32 s5, $0x1;
	s2 =	sadd.s32 s19, s18  }
0x9c: {  	s6 =	simm.s32 $0x0;
	s20 =	sshll.u32 s4, $0x1;
	s4 =	sadd.s32 s21, s2  }
0x9d: {  	[timem:s6], [sflag:s22] =	dma.local [hbm:s4], s20  }
0x9e: {  	_ =	swait.ge [sflag:s22], s20  }
0x9f: {  	s3 =	ssub.s32 $0x0, s20;
	[sflag:s22] =	ssyncset.done $0x0  }
0xa0: {  	[sflag:s22] =	ssyncadd.s32 s3;
	_ =	sdelay $0x1  }
0xa1: {  	s23 =	simm.s32 $0x1B8B  }
0xa2: {  	_ =	swait.ge [sflag:s23], $0x1  }
0xa3: {  	[sflag:s23] =	ssyncset.done $0x0  }
0xa4: {  	s25 =	simm.s32 $0x1B8E;
	s24 =	sld [smem:$0x3FFE];
	[sflag:s23] =	ssyncadd.s32 $0xFFFFFFFF  }
0xa5: {  	s26 =	simm.s32 $execute0_lowered;
	[smem:$0x3FD2] =	sst s25  }
0xa6: {  	s4 =	sshll.u32 s26, $0x1;
	_ =	strace $0x80000049;
	[dreg:$0x1] =	wrdreg $0xFFFFFFFF  }
0xa7: {  	s28 =	simm.s32 $_size_execute0_lowered;
	s2 =	sadd.s32 s2, s4;
	[dreg:$0x0] =	wrdreg $0x0  }
0xa8: {  	s4 =	sshll.u32 s28, $0x1;
	[dreg:$0x2] =	wrdreg s2  }
0xa9: {  	[dreg:$0x3] =	wrdreg s4  }
0xaa: {  	[dreg:$0x4] =	wrdreg $0xC0  }
0xab: {  	_ =	task [dreg:s6], $0x5FFFF  }
0xac: {  	[dreg:$0x1] =	wrdreg $0xFFFFFFFF  }
0xad: {  	[dreg:$0x0] =	wrdreg $0x60  }
0xae: {  	[dreg:$0x2] =	wrdreg s24  }
0xaf: {  	[dreg:$0x3] =	wrdreg $0x9  }
0xb0: {  	_ =	task.clear_ibuf [dreg:s6], $0x4FFFF;
	_ =	strace $0x90000049  }
0xb1: {  	s29 =	simm.s32 $0x9;
	_ =	strace $0x8000004B  }
0xb2: {  	_ =	swait.ge [sflag:s29], $0x1  }
0xb3: {  	[sflag:s29] =	ssyncadd.s32 $0xFFFFFFFF  }
0xb4: {  	_ =	strace $0x9000004B  }
0xb5: {  	_ =	sfence  }
0xb6: {  	s30 =	sld [smem:$0x0];
	_ =	sdelay $0x2  }
0xb7: {  	s31 =	sshll.u32 s1, $0xD;
	s1 =	sshrl.u32 s1, $0x2  }
0xb8: {  	s3 =	sand.u32 $0x4000, s31;
	s1 =	sadd.s32 s1, s30  }
0xb9: {  	s0 =	sor.u32 s3, s0;
	s1 =	sshll.u32 s1, $0x11  }
0xba: {  	s0 =	sor.u32 s1, s0  }
0xbb: {  	s0 =	sadd.s32 $0x8F2B, s0  }
0xbc: {  	[sflag:s0] =	ssyncadd.remote.s32 $0x1  }
0xbd: {  	_ =	sfence.sel $0xFFFF  }
0xbe: {  	[dreg:$0x0] =	wrdreg $0xFFFFFFFF;
	(pc) =	sbr.abs _section_cstart, $3  }
0xbf: {  	[dreg:$0x1] =	wrdreg $0xFFFFFFFF  }
0xc0: {  	_ =	task.clear_ibuf [dreg:s6], $0x2FFFF;
	_ =	strace $0x9FFFFFFF  }
0xc1: {  	(tm) =	ssettm $0x7FFFFFFF  }
tec
execute0_lowered:
.L_overlay_start_1:
0x0: {  	(tag) =	ssettag $0x1  }
0x1: {  	s0 =	rddreg [dreg:$0x0];
	s1 =	simm.s32 $0x0  }
0x2: {  	s2 =	srdreg.scid;
	s6 =	stileid.u32;
	s30 =	simm.s32 $0x3  }
0x3: {  	s31 =	simm.s32 $0x4;
	s28 =	simm.s32 $0x5C00;
	s29 =	simm.s32 $0x6400  }
0x4: {  	[smem:$0x7FF] =	sst s1;
	s3 =	sadd.s32 $0x254E00, s0;
	s4 =	sadd.s32 $0x2E00, s0  }
0x5: {  	s2 =	sand.u32 $0x1, s2;
	s5 =	sadd.s32 $0xC8E00, s0;
	s6 =	sshll.u32 s6, $0x4  }
0x6: {  	s8 =	sadd.s32 $0x2800, s0;
	s9 =	sadd.s32 $0x31AE00, s0;
	s7 =	sshll.u32 s2, $0x3  }
0x7: {  	_ =	strace $0x8000004A;
	s2 =	ssub.s32 $0x2, s2;
	s6 =	sor.u32 s7, s6  }
0x8: {  	s13 =	sshrl.u32 s2, $0x1;
	s7 =	sadd.s32 s8, s6;
	s10 =	sor.u32 $0x100, s6  }
0x9: {  	s11 =	sor.u32 $0x200, s6;
	s12 =	sor.u32 $0x300, s6;
	s2 =	ssub.s32 s2, s13  }
0xa: {  	s25 =	sor.u32 $0x400, s6;
	s14 =	sor.u32 $0x500, s6;
	s6 =	smul.u32 $0x300, s6  }
0xb: {  	s13 =	simm.s32 $0x1;
	s22 =	sadd.s32 s8, s10;
	s10 =	smul.u32 $0x300, s10  }
0xc: {  	[dreg:$0x2] =	wrdreg s7;
	s23 =	sadd.s32 s8, s11;
	s15 =	smul.u32 $0x300, s11  }
0xd: {  	s24 =	sadd.s32 s8, s12;
	s17 =	smul.u32 $0x300, s12;
	[dreg:$0x3] =	wrdreg s22  }
0xe: {  	s26 =	sadd.s32 s8, s25;
	s7 =	smul.u32 $0x300, s25;
	[dreg:$0x4] =	wrdreg s23  }
0xf: {  	s8 =	sadd.s32 s8, s14;
	s20 =	smul.u32 $0x300, s14;
	[dreg:$0x5] =	wrdreg s24  }
0x10: {  	s11 =	sadd.s32 $0xC9000, s0;
	s25 =	simm.s32 $0x200;
	[dreg:$0x6] =	wrdreg s26  }
0x11: {  	s12 =	smax.u32 s2, $0x1;
	s14 =	simm.s32 $0x2;
	[dreg:$0x7] =	wrdreg s8  }
0x12: {  	s6 =	sadd.s32 s9, s6;
	s8 =	sadd.s32 $0x2F00, s0;
	[dreg:$0x11] =	wrdreg s25  }
0x13: {  	s22 =	simm.s32 $0x80;
	s23 =	simm.s32 $0x100;
	[dreg:$0x8] =	wrdreg s6  }
0x14: {  	s24 =	simm.s32 $0x180;
	s26 =	simm.s32 $0x280;
	[dreg:$0xe] =	wrdreg s22  }
0x15: {  	s25 =	simm.s32 $0x4C00;
	s16 =	sadd.s32 s9, s10;
	[dreg:$0xf] =	wrdreg s23  }
0x16: {  	s18 =	sadd.s32 s9, s15;
	s19 =	sadd.s32 s9, s17;
	[dreg:$0x10] =	wrdreg s24  }
0x17: {  	s6 =	sadd.s32 $0x254F00, s0;
	s21 =	sadd.s32 s9, s7;
	[dreg:$0x12] =	wrdreg s26  }
0x18: {  	s7 =	sadd.s32 $0x255000, s0;
	s9 =	sadd.s32 s9, s20;
	[dreg:$0x9] =	wrdreg s16  }
0x19: {  	s10 =	sadd.s32 $0xC8F00, s0;
	s22 =	simm.s32 $0x3400;
	[dreg:$0xa] =	wrdreg s18  }
0x1a: {  	s23 =	simm.s32 $0x3C00;
	s24 =	simm.s32 $0x4400;
	[dreg:$0xb] =	wrdreg s19  }
0x1b: {  	v2 =	vlaneseq.u32;
	s26 =	simm.s32 $0x5400;
	s20 =	simm.s32 $0xC400;
	[dreg:$0xc] =	wrdreg s21  }
0x1c: {  	vm0 =	vmmov $0xffff;
	v1 =	vshrl.u32 v2, $0x3;
	[dreg:$0xd] =	wrdreg s9;
	s9 =	sadd.s32 $0x3000, s0;
	s0 =	simm.s32 $0x5  }
0x1d: {  	v0 =	vand.u32 $0x7, v2;
	v2 =	vor.u32 $0x8, v2;
	v1 =	vmul.u32 $0x8, v1;
	s21 =	simm.s32 $0x400;
	s18 =	simm.s32 $0x2400;
	s19 =	simm.s32 $0x2C00  }
.LBB2_1:
0x1e: {  	s2 =	rddreg [dreg:$0x2]  }
0x1f: {  	s15 =	rddreg [dreg:$0x3]  }
0x20: {  	s16 =	rddreg [dreg:$0xe]  }
0x21: {  	s17 =	rddreg [dreg:$0x10]  }
0x22: {  	[tilespmem:s1], [sflag:$0x1] =	stream.linear.gather [hbm4b:s2+s1], $0x40, $0x38;
	[tilespmem:$0x18400] =	vst v63  }
0x23: {  	s2 =	rddreg [dreg:$0x4]  }
0x24: {  	[tilespmem:s16], [sflag:$0x1] =	stream.linear.gather [hbm4b:s15+s1], $0x40, $0x38;
	[tilespmem:$0x18400] =	vst v63  }
0x25: {  	s15 =	rddreg [dreg:$0xf]  }
0x26: {  	s16 =	rddreg [dreg:$0x5]  }
0x27: {  	[tilespmem:s15], [sflag:$0x1] =	stream.linear.gather [hbm4b:s2+s1], $0x40, $0x38;
	[tilespmem:$0x18400] =	vst v63  }
0x28: {  	s2 =	rddreg [dreg:$0x6]  }
0x29: {  	s15 =	rddreg [dreg:$0x11]  }
0x2a: {  	[tilespmem:s17], [sflag:$0x1] =	stream.linear.gather [hbm4b:s16+s1], $0x40, $0x38;
	[tilespmem:$0x18400] =	vst v63  }
0x2b: {  	s16 =	rddreg [dreg:$0x7]  }
0x2c: {  	[tilespmem:s15], [sflag:$0x1] =	stream.linear.gather [hbm4b:s2+s1], $0x40, $0x38;
	[tilespmem:$0x18400] =	vst v63  }
0x2d: {  	s17 =	rddreg [dreg:$0x12]  }
0x2e: {  	[tilespmem:s17], [sflag:$0x1] =	stream.linear.gather [hbm4b:s16+s1], $0x40, $0x38;
	[tilespmem:$0x18400] =	vst v63  }
0x2f: {  	_ =	swait.ge [sflag:s13], $0x40  }
0x30: {  	[sflag:s13] =	ssyncset.done $0x0  }
0x31: {  	[sflag:s13] =	ssyncadd.s32 $0xFFFFFFC0  }
0x32: {  	_ =	swait.ge [sflag:s13], $0x40  }
0x33: {  	[sflag:s13] =	ssyncset.done $0x0  }
0x34: {  	[sflag:s13] =	ssyncadd.s32 $0xFFFFFFC0  }
0x35: {  	_ =	swait.ge [sflag:s13], $0x40  }
0x36: {  	[sflag:s13] =	ssyncset.done $0x0  }
0x37: {  	[sflag:s13] =	ssyncadd.s32 $0xFFFFFFC0  }
0x38: {  	_ =	swait.ge [sflag:s13], $0x40  }
0x39: {  	[sflag:s13] =	ssyncset.done $0x0  }
0x3a: {  	[sflag:s13] =	ssyncadd.s32 $0xFFFFFFC0  }
0x3b: {  	_ =	swait.ge [sflag:s13], $0x40  }
0x3c: {  	[sflag:s13] =	ssyncset.done $0x0  }
0x3d: {  	[sflag:s13] =	ssyncadd.s32 $0xFFFFFFC0  }
0x3e: {  	_ =	swait.ge [sflag:s13], $0x40  }
0x3f: {  	[sflag:s13] =	ssyncset.done $0x0  }
0x40: {  	[sflag:s13] =	ssyncadd.s32 $0xFFFFFFC0  }
0x41: {  	v3 =	vld [tilespmem:$0x0];
	_ =	sdelay $0x4  }
0x42: {  	v4 =	vshrl.u32 v3, $0x3  }
0x43: {  	v4 =	vmul.u32 $0x30, v4  }
0x44: {  	v3 =	vand.u32 $0x7, v3  }
0x45: {  	v3 =	vor.u32 v3, v4  }
0x46: {  	v4 =	vperm.xlane v3, v0;
	_ =	sdelay $0x1  }
0x47: {  	v4 =	vadd.s32 v1, v4;
	_ =	sdelay $0x3  }
0x48: {  	v3 =	vperm.xlane v3, v2  }
0x49: {  	[tilespmem:s21], [sflag:$0x2] =	stream.indirect_vreg.gather [hbm4b:s3+s1], $0x80, v4, vm0, $0xb8;
	[tilespmem:$0x18400] =	vst v63  }
0x4a: {  	s17 =	simm.s32 $0xC00;
	v3 =	vadd.s32 v1, v3  }
0x4b: {  	[tilespmem:s17], [sflag:$0x2] =	stream.indirect_vreg.gather [hbm4b:s6+s1], $0x80, v4, vm0, $0xb8;
	[tilespmem:$0x18400] =	vst v63  }
0x4c: {  	s15 =	simm.s32 $0x1400  }
0x4d: {  	[tilespmem:s15], [sflag:$0x2] =	stream.indirect_vreg.gather [hbm4b:s7+s1], $0x80, v4, vm0, $0xb8;
	[tilespmem:$0x18400] =	vst v63  }
0x4e: {  	s17 =	simm.s32 $0x1C00  }
0x4f: {  	[tilespmem:s17], [sflag:$0x2] =	stream.indirect_vreg.gather [hbm4b:s3+s1], $0x80, v3, vm0, $0xb8;
	[tilespmem:$0x18400] =	vst v63  }
0x50: {  	_ = 	snop  }
0x51: {  	[tilespmem:s18], [sflag:$0x2] =	stream.indirect_vreg.gather [hbm4b:s6+s1], $0x80, v3, vm0, $0xb8;
	[tilespmem:$0x18400] =	vst v63  }
0x52: {  	_ = 	snop  }
0x53: {  	[tilespmem:s19], [sflag:$0x2] =	stream.indirect_vreg.gather [hbm4b:s7+s1], $0x80, v3, vm0, $0xb8;
	[tilespmem:$0x18400] =	vst v63  }
0x54: {  	v3 =	vld [tilespmem:$0x10];
	_ =	sdelay $0x4  }
0x55: {  	v41 =	vshrl.u32 v3, $0x3  }
0x56: {  	v4 =	vmul.u32 $0x30, v41  }
0x57: {  	v3 =	vand.u32 $0x7, v3  }
0x58: {  	v3 =	vor.u32 v3, v4  }
0x59: {  	v4 =	vperm.xlane v3, v0;
	_ =	sdelay $0x1  }
0x5a: {  	v4 =	vadd.s32 v1, v4;
	_ =	sdelay $0x3  }
0x5b: {  	v3 =	vperm.xlane v3, v2  }
0x5c: {  	[tilespmem:s22], [sflag:$0x2] =	stream.indirect_vreg.gather [hbm4b:s3+s1], $0x80, v4, vm0, $0xb8;
	[tilespmem:$0x18400] =	vst v63  }
0x5d: {  	v3 =	vadd.s32 v1, v3  }
0x5e: {  	[tilespmem:s23], [sflag:$0x2] =	stream.indirect_vreg.gather [hbm4b:s6+s1], $0x80, v4, vm0, $0xb8;
	[tilespmem:$0x18400] =	vst v63  }
0x5f: {  	_ = 	snop  }
0x60: {  	[tilespmem:s24], [sflag:$0x2] =	stream.indirect_vreg.gather [hbm4b:s7+s1], $0x80, v4, vm0, $0xb8;
	[tilespmem:$0x18400] =	vst v63  }
0x61: {  	_ = 	snop  }
0x62: {  	[tilespmem:s25], [sflag:$0x2] =	stream.indirect_vreg.gather [hbm4b:s3+s1], $0x80, v3, vm0, $0xb8;
	[tilespmem:$0x18400] =	vst v63  }
0x63: {  	_ = 	snop  }
0x64: {  	[tilespmem:s26], [sflag:$0x2] =	stream.indirect_vreg.gather [hbm4b:s6+s1], $0x80, v3, vm0, $0xb8;
	[tilespmem:$0x18400] =	vst v63  }
0x65: {  	_ = 	snop  }
0x66: {  	[tilespmem:s28], [sflag:$0x2] =	stream.indirect_vreg.gather [hbm4b:s7+s1], $0x80, v3, vm0, $0xb8;
	[tilespmem:$0x18400] =	vst v63  }
0x67: {  	v3 =	vld [tilespmem:$0x20];
	_ =	sdelay $0x4  }
0x68: {  	v42 =	vshrl.u32 v3, $0x3  }
0x69: {  	v4 =	vmul.u32 $0x30, v42  }
0x6a: {  	v3 =	vand.u32 $0x7, v3  }
0x6b: {  	v3 =	vor.u32 v3, v4  }
0x6c: {  	v4 =	vperm.xlane v3, v0;
	_ =	sdelay $0x1  }
0x6d: {  	v4 =	vadd.s32 v1, v4;
	_ =	sdelay $0x3  }
0x6e: {  	v3 =	vperm.xlane v3, v2  }
0x6f: {  	[tilespmem:s29], [sflag:$0x2] =	stream.indirect_vreg.gather [hbm4b:s3+s1], $0x80, v4, vm0, $0xb8;
	[tilespmem:$0x18400] =	vst v63  }
0x70: {  	s16 =	simm.s32 $0x6C00;
	v3 =	vadd.s32 v1, v3  }
0x71: {  	[tilespmem:s16], [sflag:$0x2] =	stream.indirect_vreg.gather [hbm4b:s6+s1], $0x80, v4, vm0, $0xb8;
	[tilespmem:$0x18400] =	vst v63  }
0x72: {  	s15 =	simm.s32 $0x7400  }
0x73: {  	[tilespmem:s15], [sflag:$0x2] =	stream.indirect_vreg.gather [hbm4b:s7+s1], $0x80, v4, vm0, $0xb8;
	[tilespmem:$0x18400] =	vst v63  }
0x74: {  	s16 =	simm.s32 $0x7C00  }
0x75: {  	[tilespmem:s16], [sflag:$0x2] =	stream.indirect_vreg.gather [hbm4b:s3+s1], $0x80, v3, vm0, $0xb8;
	[tilespmem:$0x18400] =	vst v63  }
0x76: {  	s15 =	simm.s32 $0x8400  }
0x77: {  	[tilespmem:s15], [sflag:$0x2] =	stream.indirect_vreg.gather [hbm4b:s6+s1], $0x80, v3, vm0, $0xb8;
	[tilespmem:$0x18400] =	vst v63  }
0x78: {  	s16 =	simm.s32 $0x8C00  }
0x79: {  	[tilespmem:s16], [sflag:$0x2] =	stream.indirect_vreg.gather [hbm4b:s7+s1], $0x80, v3, vm0, $0xb8;
	[tilespmem:$0x18400] =	vst v63  }
0x7a: {  	v3 =	vld [tilespmem:$0x30];
	_ =	sdelay $0x4  }
0x7b: {  	v43 =	vshrl.u32 v3, $0x3  }
0x7c: {  	v4 =	vmul.u32 $0x30, v43  }
0x7d: {  	v3 =	vand.u32 $0x7, v3  }
0x7e: {  	v3 =	vor.u32 v3, v4  }
0x7f: {  	v4 =	vperm.xlane v3, v0;
	_ =	sdelay $0x1  }
0x80: {  	v4 =	vadd.s32 v1, v4;
	_ =	sdelay $0x3  }
0x81: {  	s15 =	simm.s32 $0x9400;
	v3 =	vperm.xlane v3, v2  }
0x82: {  	[tilespmem:s15], [sflag:$0x2] =	stream.indirect_vreg.gather [hbm4b:s3+s1], $0x80, v4, vm0, $0xb8;
	[tilespmem:$0x18400] =	vst v63  }
0x83: {  	v3 =	vadd.s32 v1, v3;
	s15 =	simm.s32 $0x9C00  }
0x84: {  	[tilespmem:s15], [sflag:$0x2] =	stream.indirect_vreg.gather [hbm4b:s6+s1], $0x80, v4, vm0, $0xb8;
	[tilespmem:$0x18400] =	vst v63  }
0x85: {  	s15 =	simm.s32 $0xA400  }
0x86: {  	[tilespmem:s15], [sflag:$0x2] =	stream.indirect_vreg.gather [hbm4b:s7+s1], $0x80, v4, vm0, $0xb8;
	[tilespmem:$0x18400] =	vst v63  }
0x87: {  	s15 =	simm.s32 $0xAC00  }
0x88: {  	[tilespmem:s15], [sflag:$0x2] =	stream.indirect_vreg.gather [hbm4b:s3+s1], $0x80, v3, vm0, $0xb8;
	[tilespmem:$0x18400] =	vst v63  }
0x89: {  	s15 =	simm.s32 $0xB400  }
0x8a: {  	[tilespmem:s15], [sflag:$0x2] =	stream.indirect_vreg.gather [hbm4b:s6+s1], $0x80, v3, vm0, $0xb8;
	[tilespmem:$0x18400] =	vst v63  }
0x8b: {  	s15 =	simm.s32 $0xBC00  }
0x8c: {  	[tilespmem:s15], [sflag:$0x2] =	stream.indirect_vreg.gather [hbm4b:s7+s1], $0x80, v3, vm0, $0xb8;
	[tilespmem:$0x18400] =	vst v63  }
0x8d: {  	_ =	swait.ge [sflag:s14], $0xC000  }
0x8e: {  	[sflag:s14] =	ssyncset.done $0x0  }
0x8f: {  	[sflag:s14] =	ssyncadd.s32 $0xFFFF4000  }
0x90: {  	v3 =	vld [tilespmem:$0x80];
	_ =	sdelay $0x4  }
0x91: {  	v44 =	vshrl.u32 v3, $0x3  }
0x92: {  	v4 =	vmul.u32 $0x30, v44  }
0x93: {  	v3 =	vand.u32 $0x7, v3  }
0x94: {  	v3 =	vor.u32 v3, v4  }
0x95: {  	v4 =	vperm.xlane v3, v0;
	_ =	sdelay $0x1  }
0x96: {  	v4 =	vadd.s32 v1, v4;
	_ =	sdelay $0x3  }
0x97: {  	v3 =	vperm.xlane v3, v2  }
0x98: {  	[tilespmem:s20], [sflag:$0x3] =	stream.indirect_vreg.gather [hbm4b:s3+s1], $0x80, v4, vm0, $0xb8;
	[tilespmem:$0x18400] =	vst v63  }
0x99: {  	s15 =	simm.s32 $0xCC00;
	v3 =	vadd.s32 v1, v3  }
0x9a: {  	[tilespmem:s15], [sflag:$0x3] =	stream.indirect_vreg.gather [hbm4b:s6+s1], $0x80, v4, vm0, $0xb8;
	[tilespmem:$0x18400] =	vst v63  }
0x9b: {  	s15 =	simm.s32 $0xD400  }
0x9c: {  	[tilespmem:s15], [sflag:$0x3] =	stream.indirect_vreg.gather [hbm4b:s7+s1], $0x80, v4, vm0, $0xb8;
	[tilespmem:$0x18400] =	vst v63  }
0x9d: {  	s15 =	simm.s32 $0xDC00  }
0x9e: {  	[tilespmem:s15], [sflag:$0x3] =	stream.indirect_vreg.gather [hbm4b:s3+s1], $0x80, v3, vm0, $0xb8;
	[tilespmem:$0x18400] =	vst v63  }
0x9f: {  	s15 =	simm.s32 $0xE400  }
0xa0: {  	[tilespmem:s15], [sflag:$0x3] =	stream.indirect_vreg.gather [hbm4b:s6+s1], $0x80, v3, vm0, $0xb8;
	[tilespmem:$0x18400] =	vst v63  }
0xa1: {  	s15 =	simm.s32 $0xEC00  }
0xa2: {  	[tilespmem:s15], [sflag:$0x3] =	stream.indirect_vreg.gather [hbm4b:s7+s1], $0x80, v3, vm0, $0xb8;
	[tilespmem:$0x18400] =	vst v63  }
0xa3: {  	v3 =	vld [tilespmem:$0x90];
	_ =	sdelay $0x4  }
0xa4: {  	v45 =	vshrl.u32 v3, $0x3  }
0xa5: {  	v4 =	vmul.u32 $0x30, v45  }
0xa6: {  	v3 =	vand.u32 $0x7, v3  }
0xa7: {  	v3 =	vor.u32 v3, v4  }
0xa8: {  	v4 =	vperm.xlane v3, v0;
	_ =	sdelay $0x1  }
0xa9: {  	v4 =	vadd.s32 v1, v4;
	_ =	sdelay $0x3  }
0xaa: {  	s15 =	simm.s32 $0xF400;
	v3 =	vperm.xlane v3, v2  }
0xab: {  	[tilespmem:s15], [sflag:$0x3] =	stream.indirect_vreg.gather [hbm4b:s3+s1], $0x80, v4, vm0, $0xb8;
	[tilespmem:$0x18400] =	vst v63  }
0xac: {  	v3 =	vadd.s32 v1, v3;
	s15 =	simm.s32 $0xFC00  }
0xad: {  	[tilespmem:s15], [sflag:$0x3] =	stream.indirect_vreg.gather [hbm4b:s6+s1], $0x80, v4, vm0, $0xb8;
	[tilespmem:$0x18400] =	vst v63  }
0xae: {  	s15 =	simm.s32 $0x10400  }
0xaf: {  	[tilespmem:s15], [sflag:$0x3] =	stream.indirect_vreg.gather [hbm4b:s7+s1], $0x80, v4, vm0, $0xb8;
	[tilespmem:$0x18400] =	vst v63  }
0xb0: {  	s15 =	simm.s32 $0x10C00  }
0xb1: {  	[tilespmem:s15], [sflag:$0x3] =	stream.indirect_vreg.gather [hbm4b:s3+s1], $0x80, v3, vm0, $0xb8;
	[tilespmem:$0x18400] =	vst v63  }
0xb2: {  	s15 =	simm.s32 $0x11400  }
0xb3: {  	[tilespmem:s15], [sflag:$0x3] =	stream.indirect_vreg.gather [hbm4b:s6+s1], $0x80, v3, vm0, $0xb8;
	[tilespmem:$0x18400] =	vst v63  }
0xb4: {  	s15 =	simm.s32 $0x11C00  }
0xb5: {  	[tilespmem:s15], [sflag:$0x3] =	stream.indirect_vreg.gather [hbm4b:s7+s1], $0x80, v3, vm0, $0xb8;
	[tilespmem:$0x18400] =	vst v63  }
0xb6: {  	v3 =	vld [tilespmem:$0xA0];
	_ =	sdelay $0x4  }
0xb7: {  	v46 =	vshrl.u32 v3, $0x3  }
0xb8: {  	v4 =	vmul.u32 $0x30, v46  }
0xb9: {  	v3 =	vand.u32 $0x7, v3  }
0xba: {  	v3 =	vor.u32 v3, v4  }
0xbb: {  	v4 =	vperm.xlane v3, v0;
	_ =	sdelay $0x1  }
0xbc: {  	v4 =	vadd.s32 v1, v4;
	_ =	sdelay $0x3  }
0xbd: {  	s15 =	simm.s32 $0x12400;
	v3 =	vperm.xlane v3, v2  }
0xbe: {  	[tilespmem:s15], [sflag:$0x3] =	stream.indirect_vreg.gather [hbm4b:s3+s1], $0x80, v4, vm0, $0xb8;
	[tilespmem:$0x18400] =	vst v63  }
0xbf: {  	v3 =	vadd.s32 v1, v3;
	s15 =	simm.s32 $0x12C00  }
0xc0: {  	[tilespmem:s15], [sflag:$0x3] =	stream.indirect_vreg.gather [hbm4b:s6+s1], $0x80, v4, vm0, $0xb8;
	[tilespmem:$0x18400] =	vst v63  }
0xc1: {  	s15 =	simm.s32 $0x13400  }
0xc2: {  	[tilespmem:s15], [sflag:$0x3] =	stream.indirect_vreg.gather [hbm4b:s7+s1], $0x80, v4, vm0, $0xb8;
	[tilespmem:$0x18400] =	vst v63  }
0xc3: {  	s15 =	simm.s32 $0x13C00  }
0xc4: {  	[tilespmem:s15], [sflag:$0x3] =	stream.indirect_vreg.gather [hbm4b:s3+s1], $0x80, v3, vm0, $0xb8;
	[tilespmem:$0x18400] =	vst v63  }
0xc5: {  	s15 =	simm.s32 $0x14400  }
0xc6: {  	[tilespmem:s15], [sflag:$0x3] =	stream.indirect_vreg.gather [hbm4b:s6+s1], $0x80, v3, vm0, $0xb8;
	[tilespmem:$0x18400] =	vst v63  }
0xc7: {  	s15 =	simm.s32 $0x14C00  }
0xc8: {  	[tilespmem:s15], [sflag:$0x3] =	stream.indirect_vreg.gather [hbm4b:s7+s1], $0x80, v3, vm0, $0xb8;
	[tilespmem:$0x18400] =	vst v63  }
0xc9: {  	v3 =	vld [tilespmem:$0xB0];
	_ =	sdelay $0x4  }
0xca: {  	v47 =	vshrl.u32 v3, $0x3  }
0xcb: {  	v4 =	vmul.u32 $0x30, v47  }
0xcc: {  	v3 =	vand.u32 $0x7, v3  }
0xcd: {  	v3 =	vor.u32 v3, v4  }
0xce: {  	v4 =	vperm.xlane v3, v0;
	_ =	sdelay $0x1  }
0xcf: {  	v4 =	vadd.s32 v1, v4;
	_ =	sdelay $0x3  }
0xd0: {  	s15 =	simm.s32 $0x15400;
	v3 =	vperm.xlane v3, v2  }
0xd1: {  	[tilespmem:s15], [sflag:$0x3] =	stream.indirect_vreg.gather [hbm4b:s3+s1], $0x80, v4, vm0, $0xb8;
	[tilespmem:$0x18400] =	vst v63  }
0xd2: {  	v3 =	vadd.s32 v1, v3;
	s15 =	simm.s32 $0x15C00  }
0xd3: {  	[tilespmem:s15], [sflag:$0x3] =	stream.indirect_vreg.gather [hbm4b:s6+s1], $0x80, v4, vm0, $0xb8;
	[tilespmem:$0x18400] =	vst v63  }
0xd4: {  	s15 =	simm.s32 $0x16400  }
0xd5: {  	[tilespmem:s15], [sflag:$0x3] =	stream.indirect_vreg.gather [hbm4b:s7+s1], $0x80, v4, vm0, $0xb8;
	[tilespmem:$0x18400] =	vst v63  }
0xd6: {  	s15 =	simm.s32 $0x16C00  }
0xd7: {  	[tilespmem:s15], [sflag:$0x3] =	stream.indirect_vreg.gather [hbm4b:s3+s1], $0x80, v3, vm0, $0xb8;
	[tilespmem:$0x18400] =	vst v63  }
0xd8: {  	s15 =	simm.s32 $0x17400  }
0xd9: {  	[tilespmem:s15], [sflag:$0x3] =	stream.indirect_vreg.gather [hbm4b:s6+s1], $0x80, v3, vm0, $0xb8;
	[tilespmem:$0x18400] =	vst v63  }
0xda: {  	s15 =	simm.s32 $0x17C00  }
0xdb: {  	[tilespmem:s15], [sflag:$0x3] =	stream.indirect_vreg.gather [hbm4b:s7+s1], $0x80, v3, vm0, $0xb8;
	[tilespmem:$0x18400] =	vst v63  }
0xdc: {  	s2 =	rddreg [dreg:$0x8]  }
0xdd: {  	[hbm4b:s2+s1] =	stream.linear.scatter [tilespmem:s21], [sflag:$0x4], $0xC000, $0x38;
	[tilespmem:$0x18400] =	vst v63  }
0xde: {  	_ =	swait.ge [sflag:s30], $0xC000  }
0xdf: {  	[sflag:s30] =	ssyncset.done $0x0  }
0xe0: {  	[sflag:s30] =	ssyncadd.s32 $0xFFFF4000  }
0xe1: {  	v3 =	vld [tilespmem:$0x100];
	_ =	sdelay $0x4  }
0xe2: {  	v48 =	vshrl.u32 v3, $0x3  }
0xe3: {  	v4 =	vmul.u32 $0x30, v48  }
0xe4: {  	v3 =	vand.u32 $0x7, v3  }
0xe5: {  	v3 =	vor.u32 v3, v4  }
0xe6: {  	v4 =	vperm.xlane v3, v0;
	_ =	sdelay $0x1  }
0xe7: {  	v4 =	vadd.s32 v1, v4;
	_ =	sdelay $0x3  }
0xe8: {  	v3 =	vperm.xlane v3, v2  }
0xe9: {  	[tilespmem:s21], [sflag:$0x2] =	stream.indirect_vreg.gather [hbm4b:s4+s1], $0x80, v4, vm0, $0xb8;
	[tilespmem:$0x18400] =	vst v63  }
0xea: {  	s15 =	simm.s32 $0xC00;
	v3 =	vadd.s32 v1, v3  }
0xeb: {  	[tilespmem:s15], [sflag:$0x2] =	stream.indirect_vreg.gather [hbm4b:s8+s1], $0x80, v4, vm0, $0xb8;
	[tilespmem:$0x18400] =	vst v63  }
0xec: {  	s15 =	simm.s32 $0x1400  }
0xed: {  	[tilespmem:s15], [sflag:$0x2] =	stream.indirect_vreg.gather [hbm4b:s9+s1], $0x80, v4, vm0, $0xb8;
	[tilespmem:$0x18400] =	vst v63  }
0xee: {  	_ = 	snop  }
0xef: {  	[tilespmem:s17], [sflag:$0x2] =	stream.indirect_vreg.gather [hbm4b:s4+s1], $0x80, v3, vm0, $0xb8;
	[tilespmem:$0x18400] =	vst v63  }
0xf0: {  	_ = 	snop  }
0xf1: {  	[tilespmem:s18], [sflag:$0x2] =	stream.indirect_vreg.gather [hbm4b:s8+s1], $0x80, v3, vm0, $0xb8;
	[tilespmem:$0x18400] =	vst v63  }
0xf2: {  	_ = 	snop  }
0xf3: {  	[tilespmem:s19], [sflag:$0x2] =	stream.indirect_vreg.gather [hbm4b:s9+s1], $0x80, v3, vm0, $0xb8;
	[tilespmem:$0x18400] =	vst v63  }
0xf4: {  	v3 =	vld [tilespmem:$0x110];
	_ =	sdelay $0x4  }
0xf5: {  	v49 =	vshrl.u32 v3, $0x3  }
0xf6: {  	v4 =	vmul.u32 $0x30, v49  }
0xf7: {  	v3 =	vand.u32 $0x7, v3  }
0xf8: {  	v3 =	vor.u32 v3, v4  }
0xf9: {  	v4 =	vperm.xlane v3, v0;
	_ =	sdelay $0x1  }
0xfa: {  	v4 =	vadd.s32 v1, v4;
	_ =	sdelay $0x3  }
0xfb: {  	v3 =	vperm.xlane v3, v2  }
0xfc: {  	[tilespmem:s22], [sflag:$0x2] =	stream.indirect_vreg.gather [hbm4b:s4+s1], $0x80, v4, vm0, $0xb8;
	[tilespmem:$0x18400] =	vst v63  }
0xfd: {  	v3 =	vadd.s32 v1, v3  }
0xfe: {  	[tilespmem:s23], [sflag:$0x2] =	stream.indirect_vreg.gather [hbm4b:s8+s1], $0x80, v4, vm0, $0xb8;
	[tilespmem:$0x18400] =	vst v63  }
0xff: {  	_ = 	snop  }
0x100: {  	[tilespmem:s24], [sflag:$0x2] =	stream.indirect_vreg.gather [hbm4b:s9+s1], $0x80, v4, vm0, $0xb8;
	[tilespmem:$0x18400] =	vst v63  }
0x101: {  	_ = 	snop  }
0x102: {  	[tilespmem:s25], [sflag:$0x2] =	stream.indirect_vreg.gather [hbm4b:s4+s1], $0x80, v3, vm0, $0xb8;
	[tilespmem:$0x18400] =	vst v63  }
0x103: {  	_ = 	snop  }
0x104: {  	[tilespmem:s26], [sflag:$0x2] =	stream.indirect_vreg.gather [hbm4b:s8+s1], $0x80, v3, vm0, $0xb8;
	[tilespmem:$0x18400] =	vst v63  }
0x105: {  	_ = 	snop  }
0x106: {  	[tilespmem:s28], [sflag:$0x2] =	stream.indirect_vreg.gather [hbm4b:s9+s1], $0x80, v3, vm0, $0xb8;
	[tilespmem:$0x18400] =	vst v63  }
0x107: {  	v3 =	vld [tilespmem:$0x120];
	_ =	sdelay $0x4  }
0x108: {  	v50 =	vshrl.u32 v3, $0x3  }
0x109: {  	v4 =	vmul.u32 $0x30, v50  }
0x10a: {  	v3 =	vand.u32 $0x7, v3  }
0x10b: {  	v3 =	vor.u32 v3, v4  }
0x10c: {  	v4 =	vperm.xlane v3, v0;
	_ =	sdelay $0x1  }
0x10d: {  	v4 =	vadd.s32 v1, v4;
	_ =	sdelay $0x3  }
0x10e: {  	v3 =	vperm.xlane v3, v2  }
0x10f: {  	[tilespmem:s29], [sflag:$0x2] =	stream.indirect_vreg.gather [hbm4b:s4+s1], $0x80, v4, vm0, $0xb8;
	[tilespmem:$0x18400] =	vst v63  }
0x110: {  	s15 =	simm.s32 $0x6C00;
	v3 =	vadd.s32 v1, v3  }
0x111: {  	[tilespmem:s15], [sflag:$0x2] =	stream.indirect_vreg.gather [hbm4b:s8+s1], $0x80, v4, vm0, $0xb8;
	[tilespmem:$0x18400] =	vst v63  }
0x112: {  	s15 =	simm.s32 $0x7400  }
0x113: {  	[tilespmem:s15], [sflag:$0x2] =	stream.indirect_vreg.gather [hbm4b:s9+s1], $0x80, v4, vm0, $0xb8;
	[tilespmem:$0x18400] =	vst v63  }
0x114: {  	s15 =	simm.s32 $0x7C00  }
0x115: {  	[tilespmem:s15], [sflag:$0x2] =	stream.indirect_vreg.gather [hbm4b:s4+s1], $0x80, v3, vm0, $0xb8;
	[tilespmem:$0x18400] =	vst v63  }
0x116: {  	s15 =	simm.s32 $0x8400  }
0x117: {  	[tilespmem:s15], [sflag:$0x2] =	stream.indirect_vreg.gather [hbm4b:s8+s1], $0x80, v3, vm0, $0xb8;
	[tilespmem:$0x18400] =	vst v63  }
0x118: {  	s16 =	simm.s32 $0x8C00  }
0x119: {  	[tilespmem:s16], [sflag:$0x2] =	stream.indirect_vreg.gather [hbm4b:s9+s1], $0x80, v3, vm0, $0xb8;
	[tilespmem:$0x18400] =	vst v63  }
0x11a: {  	v3 =	vld [tilespmem:$0x130];
	_ =	sdelay $0x4  }
0x11b: {  	v51 =	vshrl.u32 v3, $0x3  }
0x11c: {  	v4 =	vmul.u32 $0x30, v51  }
0x11d: {  	v3 =	vand.u32 $0x7, v3  }
0x11e: {  	v3 =	vor.u32 v3, v4  }
0x11f: {  	v4 =	vperm.xlane v3, v0;
	_ =	sdelay $0x1  }
0x120: {  	v4 =	vadd.s32 v1, v4;
	_ =	sdelay $0x3  }
0x121: {  	s15 =	simm.s32 $0x9400;
	v3 =	vperm.xlane v3, v2  }
0x122: {  	[tilespmem:s15], [sflag:$0x2] =	stream.indirect_vreg.gather [hbm4b:s4+s1], $0x80, v4, vm0, $0xb8;
	[tilespmem:$0x18400] =	vst v63  }
0x123: {  	s16 =	simm.s32 $0x9C00;
	v3 =	vadd.s32 v1, v3  }
0x124: {  	[tilespmem:s16], [sflag:$0x2] =	stream.indirect_vreg.gather [hbm4b:s8+s1], $0x80, v4, vm0, $0xb8;
	[tilespmem:$0x18400] =	vst v63  }
0x125: {  	s15 =	simm.s32 $0xA400  }
0x126: {  	[tilespmem:s15], [sflag:$0x2] =	stream.indirect_vreg.gather [hbm4b:s9+s1], $0x80, v4, vm0, $0xb8;
	[tilespmem:$0x18400] =	vst v63  }
0x127: {  	s16 =	simm.s32 $0xAC00  }
0x128: {  	[tilespmem:s16], [sflag:$0x2] =	stream.indirect_vreg.gather [hbm4b:s4+s1], $0x80, v3, vm0, $0xb8;
	[tilespmem:$0x18400] =	vst v63  }
0x129: {  	s15 =	simm.s32 $0xB400  }
0x12a: {  	[tilespmem:s15], [sflag:$0x2] =	stream.indirect_vreg.gather [hbm4b:s8+s1], $0x80, v3, vm0, $0xb8;
	[tilespmem:$0x18400] =	vst v63  }
0x12b: {  	s16 =	simm.s32 $0xBC00  }
0x12c: {  	[tilespmem:s16], [sflag:$0x2] =	stream.indirect_vreg.gather [hbm4b:s9+s1], $0x80, v3, vm0, $0xb8;
	[tilespmem:$0x18400] =	vst v63  }
0x12d: {  	s2 =	rddreg [dreg:$0x9]  }
0x12e: {  	[hbm4b:s2+s1] =	stream.linear.scatter [tilespmem:s20], [sflag:$0x5], $0xC000, $0x38;
	[tilespmem:$0x18400] =	vst v63  }
0x12f: {  	_ =	swait.ge [sflag:s31], $0xC000  }
0x130: {  	[sflag:s31] =	ssyncset.done $0x0  }
0x131: {  	[sflag:s31] =	ssyncadd.s32 $0xFFFF4000  }
0x132: {  	_ =	swait.ge [sflag:s14], $0xC000  }
0x133: {  	[sflag:s14] =	ssyncset.done $0x0  }
0x134: {  	[sflag:s14] =	ssyncadd.s32 $0xFFFF4000  }
0x135: {  	v3 =	vld [tilespmem:$0x180];
	_ =	sdelay $0x4  }
0x136: {  	v52 =	vshrl.u32 v3, $0x3  }
0x137: {  	v4 =	vmul.u32 $0x30, v52  }
0x138: {  	v3 =	vand.u32 $0x7, v3  }
0x139: {  	v3 =	vor.u32 v3, v4  }
0x13a: {  	v4 =	vperm.xlane v3, v0;
	_ =	sdelay $0x1  }
0x13b: {  	v4 =	vadd.s32 v1, v4;
	_ =	sdelay $0x3  }
0x13c: {  	v3 =	vperm.xlane v3, v2  }
0x13d: {  	[tilespmem:s20], [sflag:$0x3] =	stream.indirect_vreg.gather [hbm4b:s4+s1], $0x80, v4, vm0, $0xb8;
	[tilespmem:$0x18400] =	vst v63  }
0x13e: {  	s15 =	simm.s32 $0xCC00;
	v3 =	vadd.s32 v1, v3  }
0x13f: {  	[tilespmem:s15], [sflag:$0x3] =	stream.indirect_vreg.gather [hbm4b:s8+s1], $0x80, v4, vm0, $0xb8;
	[tilespmem:$0x18400] =	vst v63  }
0x140: {  	s16 =	simm.s32 $0xD400  }
0x141: {  	[tilespmem:s16], [sflag:$0x3] =	stream.indirect_vreg.gather [hbm4b:s9+s1], $0x80, v4, vm0, $0xb8;
	[tilespmem:$0x18400] =	vst v63  }
0x142: {  	s16 =	simm.s32 $0xDC00  }
0x143: {  	[tilespmem:s16], [sflag:$0x3] =	stream.indirect_vreg.gather [hbm4b:s4+s1], $0x80, v3, vm0, $0xb8;
	[tilespmem:$0x18400] =	vst v63  }
0x144: {  	s16 =	simm.s32 $0xE400  }
0x145: {  	[tilespmem:s16], [sflag:$0x3] =	stream.indirect_vreg.gather [hbm4b:s8+s1], $0x80, v3, vm0, $0xb8;
	[tilespmem:$0x18400] =	vst v63  }
0x146: {  	s16 =	simm.s32 $0xEC00  }
0x147: {  	[tilespmem:s16], [sflag:$0x3] =	stream.indirect_vreg.gather [hbm4b:s9+s1], $0x80, v3, vm0, $0xb8;
	[tilespmem:$0x18400] =	vst v63  }
0x148: {  	v3 =	vld [tilespmem:$0x190];
	_ =	sdelay $0x4  }
0x149: {  	v53 =	vshrl.u32 v3, $0x3  }
0x14a: {  	v4 =	vmul.u32 $0x30, v53  }
0x14b: {  	v3 =	vand.u32 $0x7, v3  }
0x14c: {  	v3 =	vor.u32 v3, v4  }
0x14d: {  	v4 =	vperm.xlane v3, v0;
	_ =	sdelay $0x1  }
0x14e: {  	v4 =	vadd.s32 v1, v4;
	_ =	sdelay $0x3  }
0x14f: {  	s16 =	simm.s32 $0xF400;
	v3 =	vperm.xlane v3, v2  }
0x150: {  	[tilespmem:s16], [sflag:$0x3] =	stream.indirect_vreg.gather [hbm4b:s4+s1], $0x80, v4, vm0, $0xb8;
	[tilespmem:$0x18400] =	vst v63  }
0x151: {  	v3 =	vadd.s32 v1, v3;
	s16 =	simm.s32 $0xFC00  }
0x152: {  	[tilespmem:s16], [sflag:$0x3] =	stream.indirect_vreg.gather [hbm4b:s8+s1], $0x80, v4, vm0, $0xb8;
	[tilespmem:$0x18400] =	vst v63  }
0x153: {  	s16 =	simm.s32 $0x10400  }
0x154: {  	[tilespmem:s16], [sflag:$0x3] =	stream.indirect_vreg.gather [hbm4b:s9+s1], $0x80, v4, vm0, $0xb8;
	[tilespmem:$0x18400] =	vst v63  }
0x155: {  	s16 =	simm.s32 $0x10C00  }
0x156: {  	[tilespmem:s16], [sflag:$0x3] =	stream.indirect_vreg.gather [hbm4b:s4+s1], $0x80, v3, vm0, $0xb8;
	[tilespmem:$0x18400] =	vst v63  }
0x157: {  	s16 =	simm.s32 $0x11400  }
0x158: {  	[tilespmem:s16], [sflag:$0x3] =	stream.indirect_vreg.gather [hbm4b:s8+s1], $0x80, v3, vm0, $0xb8;
	[tilespmem:$0x18400] =	vst v63  }
0x159: {  	s16 =	simm.s32 $0x11C00  }
0x15a: {  	[tilespmem:s16], [sflag:$0x3] =	stream.indirect_vreg.gather [hbm4b:s9+s1], $0x80, v3, vm0, $0xb8;
	[tilespmem:$0x18400] =	vst v63  }
0x15b: {  	v3 =	vld [tilespmem:$0x1A0];
	_ =	sdelay $0x4  }
0x15c: {  	v54 =	vshrl.u32 v3, $0x3  }
0x15d: {  	v4 =	vmul.u32 $0x30, v54  }
0x15e: {  	v3 =	vand.u32 $0x7, v3  }
0x15f: {  	v3 =	vor.u32 v3, v4  }
0x160: {  	v4 =	vperm.xlane v3, v0;
	_ =	sdelay $0x1  }
0x161: {  	v4 =	vadd.s32 v1, v4;
	_ =	sdelay $0x3  }
0x162: {  	s16 =	simm.s32 $0x12400;
	v3 =	vperm.xlane v3, v2  }
0x163: {  	[tilespmem:s16], [sflag:$0x3] =	stream.indirect_vreg.gather [hbm4b:s4+s1], $0x80, v4, vm0, $0xb8;
	[tilespmem:$0x18400] =	vst v63  }
0x164: {  	v3 =	vadd.s32 v1, v3;
	s16 =	simm.s32 $0x12C00  }
0x165: {  	[tilespmem:s16], [sflag:$0x3] =	stream.indirect_vreg.gather [hbm4b:s8+s1], $0x80, v4, vm0, $0xb8;
	[tilespmem:$0x18400] =	vst v63  }
0x166: {  	s16 =	simm.s32 $0x13400  }
0x167: {  	[tilespmem:s16], [sflag:$0x3] =	stream.indirect_vreg.gather [hbm4b:s9+s1], $0x80, v4, vm0, $0xb8;
	[tilespmem:$0x18400] =	vst v63  }
0x168: {  	s16 =	simm.s32 $0x13C00  }
0x169: {  	[tilespmem:s16], [sflag:$0x3] =	stream.indirect_vreg.gather [hbm4b:s4+s1], $0x80, v3, vm0, $0xb8;
	[tilespmem:$0x18400] =	vst v63  }
0x16a: {  	s16 =	simm.s32 $0x14400  }
0x16b: {  	[tilespmem:s16], [sflag:$0x3] =	stream.indirect_vreg.gather [hbm4b:s8+s1], $0x80, v3, vm0, $0xb8;
	[tilespmem:$0x18400] =	vst v63  }
0x16c: {  	s16 =	simm.s32 $0x14C00  }
0x16d: {  	[tilespmem:s16], [sflag:$0x3] =	stream.indirect_vreg.gather [hbm4b:s9+s1], $0x80, v3, vm0, $0xb8;
	[tilespmem:$0x18400] =	vst v63  }
0x16e: {  	v3 =	vld [tilespmem:$0x1B0];
	_ =	sdelay $0x4  }
0x16f: {  	v55 =	vshrl.u32 v3, $0x3  }
0x170: {  	v4 =	vmul.u32 $0x30, v55  }
0x171: {  	v3 =	vand.u32 $0x7, v3  }
0x172: {  	v3 =	vor.u32 v3, v4  }
0x173: {  	v4 =	vperm.xlane v3, v0;
	_ =	sdelay $0x1  }
0x174: {  	v4 =	vadd.s32 v1, v4;
	_ =	sdelay $0x3  }
0x175: {  	s16 =	simm.s32 $0x15400;
	v3 =	vperm.xlane v3, v2  }
0x176: {  	[tilespmem:s16], [sflag:$0x3] =	stream.indirect_vreg.gather [hbm4b:s4+s1], $0x80, v4, vm0, $0xb8;
	[tilespmem:$0x18400] =	vst v63  }
0x177: {  	v3 =	vadd.s32 v1, v3;
	s16 =	simm.s32 $0x15C00  }
0x178: {  	[tilespmem:s16], [sflag:$0x3] =	stream.indirect_vreg.gather [hbm4b:s8+s1], $0x80, v4, vm0, $0xb8;
	[tilespmem:$0x18400] =	vst v63  }
0x179: {  	s16 =	simm.s32 $0x16400  }
0x17a: {  	[tilespmem:s16], [sflag:$0x3] =	stream.indirect_vreg.gather [hbm4b:s9+s1], $0x80, v4, vm0, $0xb8;
	[tilespmem:$0x18400] =	vst v63  }
0x17b: {  	s16 =	simm.s32 $0x16C00  }
0x17c: {  	[tilespmem:s16], [sflag:$0x3] =	stream.indirect_vreg.gather [hbm4b:s4+s1], $0x80, v3, vm0, $0xb8;
	[tilespmem:$0x18400] =	vst v63  }
0x17d: {  	s16 =	simm.s32 $0x17400  }
0x17e: {  	[tilespmem:s16], [sflag:$0x3] =	stream.indirect_vreg.gather [hbm4b:s8+s1], $0x80, v3, vm0, $0xb8;
	[tilespmem:$0x18400] =	vst v63  }
0x17f: {  	s16 =	simm.s32 $0x17C00  }
0x180: {  	[tilespmem:s16], [sflag:$0x3] =	stream.indirect_vreg.gather [hbm4b:s9+s1], $0x80, v3, vm0, $0xb8;
	[tilespmem:$0x18400] =	vst v63  }
0x181: {  	s2 =	rddreg [dreg:$0xa]  }
0x182: {  	[hbm4b:s2+s1] =	stream.linear.scatter [tilespmem:s21], [sflag:$0x4], $0xC000, $0x38;
	[tilespmem:$0x18400] =	vst v63  }
0x183: {  	_ =	swait.ge [sflag:s0], $0xC000  }
0x184: {  	[sflag:s0] =	ssyncset.done $0x0  }
0x185: {  	[sflag:s0] =	ssyncadd.s32 $0xFFFF4000  }
0x186: {  	_ =	swait.ge [sflag:s30], $0xC000  }
0x187: {  	[sflag:s30] =	ssyncset.done $0x0  }
0x188: {  	[sflag:s30] =	ssyncadd.s32 $0xFFFF4000  }
0x189: {  	v3 =	vld [tilespmem:$0x200];
	_ =	sdelay $0x4  }
0x18a: {  	v56 =	vshrl.u32 v3, $0x3  }
0x18b: {  	v4 =	vmul.u32 $0x30, v56  }
0x18c: {  	v3 =	vand.u32 $0x7, v3  }
0x18d: {  	v3 =	vor.u32 v3, v4  }
0x18e: {  	v4 =	vperm.xlane v3, v0;
	_ =	sdelay $0x1  }
0x18f: {  	v4 =	vadd.s32 v1, v4;
	_ =	sdelay $0x3  }
0x190: {  	v3 =	vperm.xlane v3, v2  }
0x191: {  	[tilespmem:s21], [sflag:$0x2] =	stream.indirect_vreg.gather [hbm4b:s5+s1], $0x80, v4, vm0, $0xb8;
	[tilespmem:$0x18400] =	vst v63  }
0x192: {  	s2 =	simm.s32 $0xC00;
	v3 =	vadd.s32 v1, v3  }
0x193: {  	[tilespmem:s2], [sflag:$0x2] =	stream.indirect_vreg.gather [hbm4b:s10+s1], $0x80, v4, vm0, $0xb8;
	[tilespmem:$0x18400] =	vst v63  }
0x194: {  	s2 =	simm.s32 $0x1400  }
0x195: {  	[tilespmem:s2], [sflag:$0x2] =	stream.indirect_vreg.gather [hbm4b:s11+s1], $0x80, v4, vm0, $0xb8;
	[tilespmem:$0x18400] =	vst v63  }
0x196: {  	_ = 	snop  }
0x197: {  	[tilespmem:s17], [sflag:$0x2] =	stream.indirect_vreg.gather [hbm4b:s5+s1], $0x80, v3, vm0, $0xb8;
	[tilespmem:$0x18400] =	vst v63  }
0x198: {  	_ = 	snop  }
0x199: {  	[tilespmem:s18], [sflag:$0x2] =	stream.indirect_vreg.gather [hbm4b:s10+s1], $0x80, v3, vm0, $0xb8;
	[tilespmem:$0x18400] =	vst v63  }
0x19a: {  	_ = 	snop  }
0x19b: {  	[tilespmem:s19], [sflag:$0x2] =	stream.indirect_vreg.gather [hbm4b:s11+s1], $0x80, v3, vm0, $0xb8;
	[tilespmem:$0x18400] =	vst v63  }
0x19c: {  	v3 =	vld [tilespmem:$0x210];
	_ =	sdelay $0x4  }
0x19d: {  	v57 =	vshrl.u32 v3, $0x3  }
0x19e: {  	v4 =	vmul.u32 $0x30, v57  }
0x19f: {  	v3 =	vand.u32 $0x7, v3  }
0x1a0: {  	v3 =	vor.u32 v3, v4  }
0x1a1: {  	v4 =	vperm.xlane v3, v0;
	_ =	sdelay $0x1  }
0x1a2: {  	v4 =	vadd.s32 v1, v4;
	_ =	sdelay $0x3  }
0x1a3: {  	v3 =	vperm.xlane v3, v2  }
0x1a4: {  	[tilespmem:s22], [sflag:$0x2] =	stream.indirect_vreg.gather [hbm4b:s5+s1], $0x80, v4, vm0, $0xb8;
	[tilespmem:$0x18400] =	vst v63  }
0x1a5: {  	v3 =	vadd.s32 v1, v3  }
0x1a6: {  	[tilespmem:s23], [sflag:$0x2] =	stream.indirect_vreg.gather [hbm4b:s10+s1], $0x80, v4, vm0, $0xb8;
	[tilespmem:$0x18400] =	vst v63  }
0x1a7: {  	_ = 	snop  }
0x1a8: {  	[tilespmem:s24], [sflag:$0x2] =	stream.indirect_vreg.gather [hbm4b:s11+s1], $0x80, v4, vm0, $0xb8;
	[tilespmem:$0x18400] =	vst v63  }
0x1a9: {  	_ = 	snop  }
0x1aa: {  	[tilespmem:s25], [sflag:$0x2] =	stream.indirect_vreg.gather [hbm4b:s5+s1], $0x80, v3, vm0, $0xb8;
	[tilespmem:$0x18400] =	vst v63  }
0x1ab: {  	_ = 	snop  }
0x1ac: {  	[tilespmem:s26], [sflag:$0x2] =	stream.indirect_vreg.gather [hbm4b:s10+s1], $0x80, v3, vm0, $0xb8;
	[tilespmem:$0x18400] =	vst v63  }
0x1ad: {  	_ = 	snop  }
0x1ae: {  	[tilespmem:s28], [sflag:$0x2] =	stream.indirect_vreg.gather [hbm4b:s11+s1], $0x80, v3, vm0, $0xb8;
	[tilespmem:$0x18400] =	vst v63  }
0x1af: {  	v3 =	vld [tilespmem:$0x220];
	_ =	sdelay $0x4  }
0x1b0: {  	v58 =	vshrl.u32 v3, $0x3  }
0x1b1: {  	v4 =	vmul.u32 $0x30, v58  }
0x1b2: {  	v3 =	vand.u32 $0x7, v3  }
0x1b3: {  	v3 =	vor.u32 v3, v4  }
0x1b4: {  	v4 =	vperm.xlane v3, v0;
	_ =	sdelay $0x1  }
0x1b5: {  	v4 =	vadd.s32 v1, v4;
	_ =	sdelay $0x3  }
0x1b6: {  	v3 =	vperm.xlane v3, v2  }
0x1b7: {  	[tilespmem:s29], [sflag:$0x2] =	stream.indirect_vreg.gather [hbm4b:s5+s1], $0x80, v4, vm0, $0xb8;
	[tilespmem:$0x18400] =	vst v63  }
0x1b8: {  	s17 =	simm.s32 $0x6C00;
	v3 =	vadd.s32 v1, v3  }
0x1b9: {  	[tilespmem:s17], [sflag:$0x2] =	stream.indirect_vreg.gather [hbm4b:s10+s1], $0x80, v4, vm0, $0xb8;
	[tilespmem:$0x18400] =	vst v63  }
0x1ba: {  	s17 =	simm.s32 $0x7400  }
0x1bb: {  	[tilespmem:s17], [sflag:$0x2] =	stream.indirect_vreg.gather [hbm4b:s11+s1], $0x80, v4, vm0, $0xb8;
	[tilespmem:$0x18400] =	vst v63  }
0x1bc: {  	s17 =	simm.s32 $0x7C00  }
0x1bd: {  	[tilespmem:s17], [sflag:$0x2] =	stream.indirect_vreg.gather [hbm4b:s5+s1], $0x80, v3, vm0, $0xb8;
	[tilespmem:$0x18400] =	vst v63  }
0x1be: {  	s17 =	simm.s32 $0x8400  }
0x1bf: {  	[tilespmem:s17], [sflag:$0x2] =	stream.indirect_vreg.gather [hbm4b:s10+s1], $0x80, v3, vm0, $0xb8;
	[tilespmem:$0x18400] =	vst v63  }
0x1c0: {  	s17 =	simm.s32 $0x8C00  }
0x1c1: {  	[tilespmem:s17], [sflag:$0x2] =	stream.indirect_vreg.gather [hbm4b:s11+s1], $0x80, v3, vm0, $0xb8;
	[tilespmem:$0x18400] =	vst v63  }
0x1c2: {  	v3 =	vld [tilespmem:$0x230];
	_ =	sdelay $0x4  }
0x1c3: {  	v59 =	vshrl.u32 v3, $0x3  }
0x1c4: {  	v4 =	vmul.u32 $0x30, v59  }
0x1c5: {  	v3 =	vand.u32 $0x7, v3  }
0x1c6: {  	v3 =	vor.u32 v3, v4  }
0x1c7: {  	v4 =	vperm.xlane v3, v0;
	_ =	sdelay $0x1  }
0x1c8: {  	v4 =	vadd.s32 v1, v4;
	_ =	sdelay $0x3  }
0x1c9: {  	s17 =	simm.s32 $0x9400;
	v3 =	vperm.xlane v3, v2  }
0x1ca: {  	[tilespmem:s17], [sflag:$0x2] =	stream.indirect_vreg.gather [hbm4b:s5+s1], $0x80, v4, vm0, $0xb8;
	[tilespmem:$0x18400] =	vst v63  }
0x1cb: {  	v3 =	vadd.s32 v1, v3;
	s17 =	simm.s32 $0x9C00  }
0x1cc: {  	[tilespmem:s17], [sflag:$0x2] =	stream.indirect_vreg.gather [hbm4b:s10+s1], $0x80, v4, vm0, $0xb8;
	[tilespmem:$0x18400] =	vst v63  }
0x1cd: {  	s17 =	simm.s32 $0xA400  }
0x1ce: {  	[tilespmem:s17], [sflag:$0x2] =	stream.indirect_vreg.gather [hbm4b:s11+s1], $0x80, v4, vm0, $0xb8;
	[tilespmem:$0x18400] =	vst v63  }
0x1cf: {  	s17 =	simm.s32 $0xAC00  }
0x1d0: {  	[tilespmem:s17], [sflag:$0x2] =	stream.indirect_vreg.gather [hbm4b:s5+s1], $0x80, v3, vm0, $0xb8;
	[tilespmem:$0x18400] =	vst v63  }
0x1d1: {  	s17 =	simm.s32 $0xB400  }
0x1d2: {  	[tilespmem:s17], [sflag:$0x2] =	stream.indirect_vreg.gather [hbm4b:s10+s1], $0x80, v3, vm0, $0xb8;
	[tilespmem:$0x18400] =	vst v63  }
0x1d3: {  	s17 =	simm.s32 $0xBC00  }
0x1d4: {  	[tilespmem:s17], [sflag:$0x2] =	stream.indirect_vreg.gather [hbm4b:s11+s1], $0x80, v3, vm0, $0xb8;
	[tilespmem:$0x18400] =	vst v63  }
0x1d5: {  	s2 =	rddreg [dreg:$0xb]  }
0x1d6: {  	[hbm4b:s2+s1] =	stream.linear.scatter [tilespmem:s20], [sflag:$0x5], $0xC000, $0x38;
	[tilespmem:$0x18400] =	vst v63  }
0x1d7: {  	_ =	swait.ge [sflag:s31], $0xC000  }
0x1d8: {  	[sflag:s31] =	ssyncset.done $0x0  }
0x1d9: {  	[sflag:s31] =	ssyncadd.s32 $0xFFFF4000  }
0x1da: {  	_ =	swait.ge [sflag:s14], $0xC000  }
0x1db: {  	[sflag:s14] =	ssyncset.done $0x0  }
0x1dc: {  	[sflag:s14] =	ssyncadd.s32 $0xFFFF4000  }
0x1dd: {  	v3 =	vld [tilespmem:$0x280];
	_ =	sdelay $0x4  }
0x1de: {  	v60 =	vshrl.u32 v3, $0x3  }
0x1df: {  	v4 =	vmul.u32 $0x30, v60  }
0x1e0: {  	v3 =	vand.u32 $0x7, v3  }
0x1e1: {  	v3 =	vor.u32 v3, v4  }
0x1e2: {  	v4 =	vperm.xlane v3, v0;
	_ =	sdelay $0x1  }
0x1e3: {  	v4 =	vadd.s32 v1, v4;
	_ =	sdelay $0x3  }
0x1e4: {  	v3 =	vperm.xlane v3, v2  }
0x1e5: {  	[tilespmem:s20], [sflag:$0x3] =	stream.indirect_vreg.gather [hbm4b:s5+s1], $0x80, v4, vm0, $0xb8;
	[tilespmem:$0x18400] =	vst v63  }
0x1e6: {  	v3 =	vadd.s32 v1, v3  }
0x1e7: {  	[tilespmem:s15], [sflag:$0x3] =	stream.indirect_vreg.gather [hbm4b:s10+s1], $0x80, v4, vm0, $0xb8;
	[tilespmem:$0x18400] =	vst v63  }
0x1e8: {  	s17 =	simm.s32 $0xD400  }
0x1e9: {  	[tilespmem:s17], [sflag:$0x3] =	stream.indirect_vreg.gather [hbm4b:s11+s1], $0x80, v4, vm0, $0xb8;
	[tilespmem:$0x18400] =	vst v63  }
0x1ea: {  	s15 =	simm.s32 $0xDC00  }
0x1eb: {  	[tilespmem:s15], [sflag:$0x3] =	stream.indirect_vreg.gather [hbm4b:s5+s1], $0x80, v3, vm0, $0xb8;
	[tilespmem:$0x18400] =	vst v63  }
0x1ec: {  	s17 =	simm.s32 $0xE400  }
0x1ed: {  	[tilespmem:s17], [sflag:$0x3] =	stream.indirect_vreg.gather [hbm4b:s10+s1], $0x80, v3, vm0, $0xb8;
	[tilespmem:$0x18400] =	vst v63  }
0x1ee: {  	s15 =	simm.s32 $0xEC00  }
0x1ef: {  	[tilespmem:s15], [sflag:$0x3] =	stream.indirect_vreg.gather [hbm4b:s11+s1], $0x80, v3, vm0, $0xb8;
	[tilespmem:$0x18400] =	vst v63  }
0x1f0: {  	v3 =	vld [tilespmem:$0x290];
	_ =	sdelay $0x4  }
0x1f1: {  	v61 =	vshrl.u32 v3, $0x3  }
0x1f2: {  	v4 =	vmul.u32 $0x30, v61  }
0x1f3: {  	v3 =	vand.u32 $0x7, v3  }
0x1f4: {  	v3 =	vor.u32 v3, v4  }
0x1f5: {  	v4 =	vperm.xlane v3, v0;
	_ =	sdelay $0x1  }
0x1f6: {  	v4 =	vadd.s32 v1, v4;
	_ =	sdelay $0x3  }
0x1f7: {  	s17 =	simm.s32 $0xF400;
	v3 =	vperm.xlane v3, v2  }
0x1f8: {  	[tilespmem:s17], [sflag:$0x3] =	stream.indirect_vreg.gather [hbm4b:s5+s1], $0x80, v4, vm0, $0xb8;
	[tilespmem:$0x18400] =	vst v63  }
0x1f9: {  	s15 =	simm.s32 $0xFC00;
	v3 =	vadd.s32 v1, v3  }
0x1fa: {  	[tilespmem:s15], [sflag:$0x3] =	stream.indirect_vreg.gather [hbm4b:s10+s1], $0x80, v4, vm0, $0xb8;
	[tilespmem:$0x18400] =	vst v63  }
0x1fb: {  	s17 =	simm.s32 $0x10400  }
0x1fc: {  	[tilespmem:s17], [sflag:$0x3] =	stream.indirect_vreg.gather [hbm4b:s11+s1], $0x80, v4, vm0, $0xb8;
	[tilespmem:$0x18400] =	vst v63  }
0x1fd: {  	s15 =	simm.s32 $0x10C00  }
0x1fe: {  	[tilespmem:s15], [sflag:$0x3] =	stream.indirect_vreg.gather [hbm4b:s5+s1], $0x80, v3, vm0, $0xb8;
	[tilespmem:$0x18400] =	vst v63  }
0x1ff: {  	s17 =	simm.s32 $0x11400  }
0x200: {  	[tilespmem:s17], [sflag:$0x3] =	stream.indirect_vreg.gather [hbm4b:s10+s1], $0x80, v3, vm0, $0xb8;
	[tilespmem:$0x18400] =	vst v63  }
0x201: {  	s15 =	simm.s32 $0x11C00  }
0x202: {  	[tilespmem:s15], [sflag:$0x3] =	stream.indirect_vreg.gather [hbm4b:s11+s1], $0x80, v3, vm0, $0xb8;
	[tilespmem:$0x18400] =	vst v63  }
0x203: {  	v3 =	vld [tilespmem:$0x2A0];
	_ =	sdelay $0x4  }
0x204: {  	v62 =	vshrl.u32 v3, $0x3  }
0x205: {  	v4 =	vmul.u32 $0x30, v62  }
0x206: {  	v3 =	vand.u32 $0x7, v3  }
0x207: {  	v3 =	vor.u32 v3, v4  }
0x208: {  	v4 =	vperm.xlane v3, v0;
	_ =	sdelay $0x1  }
0x209: {  	v4 =	vadd.s32 v1, v4;
	_ =	sdelay $0x3  }
0x20a: {  	s17 =	simm.s32 $0x12400;
	v3 =	vperm.xlane v3, v2  }
0x20b: {  	[tilespmem:s17], [sflag:$0x3] =	stream.indirect_vreg.gather [hbm4b:s5+s1], $0x80, v4, vm0, $0xb8;
	[tilespmem:$0x18400] =	vst v63  }
0x20c: {  	s15 =	simm.s32 $0x12C00;
	v3 =	vadd.s32 v1, v3  }
0x20d: {  	[tilespmem:s15], [sflag:$0x3] =	stream.indirect_vreg.gather [hbm4b:s10+s1], $0x80, v4, vm0, $0xb8;
	[tilespmem:$0x18400] =	vst v63  }
0x20e: {  	s17 =	simm.s32 $0x13400  }
0x20f: {  	[tilespmem:s17], [sflag:$0x3] =	stream.indirect_vreg.gather [hbm4b:s11+s1], $0x80, v4, vm0, $0xb8;
	[tilespmem:$0x18400] =	vst v63  }
0x210: {  	s15 =	simm.s32 $0x13C00  }
0x211: {  	[tilespmem:s15], [sflag:$0x3] =	stream.indirect_vreg.gather [hbm4b:s5+s1], $0x80, v3, vm0, $0xb8;
	[tilespmem:$0x18400] =	vst v63  }
0x212: {  	s17 =	simm.s32 $0x14400  }
0x213: {  	[tilespmem:s17], [sflag:$0x3] =	stream.indirect_vreg.gather [hbm4b:s10+s1], $0x80, v3, vm0, $0xb8;
	[tilespmem:$0x18400] =	vst v63  }
0x214: {  	s15 =	simm.s32 $0x14C00  }
0x215: {  	[tilespmem:s15], [sflag:$0x3] =	stream.indirect_vreg.gather [hbm4b:s11+s1], $0x80, v3, vm0, $0xb8;
	[tilespmem:$0x18400] =	vst v63  }
0x216: {  	v3 =	vld [tilespmem:$0x2B0];
	_ =	sdelay $0x4  }
0x217: {  	v63 =	vshrl.u32 v3, $0x3  }
0x218: {  	v4 =	vmul.u32 $0x30, v63  }
0x219: {  	v3 =	vand.u32 $0x7, v3  }
0x21a: {  	v3 =	vor.u32 v3, v4  }
0x21b: {  	v4 =	vperm.xlane v3, v0;
	_ =	sdelay $0x1  }
0x21c: {  	v4 =	vadd.s32 v1, v4;
	_ =	sdelay $0x3  }
0x21d: {  	s17 =	simm.s32 $0x15400;
	v3 =	vperm.xlane v3, v2  }
0x21e: {  	[tilespmem:s17], [sflag:$0x3] =	stream.indirect_vreg.gather [hbm4b:s5+s1], $0x80, v4, vm0, $0xb8;
	[tilespmem:$0x18400] =	vst v63  }
0x21f: {  	s15 =	simm.s32 $0x15C00;
	v3 =	vadd.s32 v1, v3  }
0x220: {  	[tilespmem:s15], [sflag:$0x3] =	stream.indirect_vreg.gather [hbm4b:s10+s1], $0x80, v4, vm0, $0xb8;
	[tilespmem:$0x18400] =	vst v63  }
0x221: {  	s17 =	simm.s32 $0x16400  }
0x222: {  	[tilespmem:s17], [sflag:$0x3] =	stream.indirect_vreg.gather [hbm4b:s11+s1], $0x80, v4, vm0, $0xb8;
	[tilespmem:$0x18400] =	vst v63  }
0x223: {  	s15 =	simm.s32 $0x16C00  }
0x224: {  	[tilespmem:s15], [sflag:$0x3] =	stream.indirect_vreg.gather [hbm4b:s5+s1], $0x80, v3, vm0, $0xb8;
	[tilespmem:$0x18400] =	vst v63  }
0x225: {  	s17 =	simm.s32 $0x17400  }
0x226: {  	[tilespmem:s17], [sflag:$0x3] =	stream.indirect_vreg.gather [hbm4b:s10+s1], $0x80, v3, vm0, $0xb8;
	[tilespmem:$0x18400] =	vst v63  }
0x227: {  	s16 =	simm.s32 $0x17C00  }
0x228: {  	[tilespmem:s16], [sflag:$0x3] =	stream.indirect_vreg.gather [hbm4b:s11+s1], $0x80, v3, vm0, $0xb8;
	[tilespmem:$0x18400] =	vst v63  }
0x229: {  	s15 =	rddreg [dreg:$0xc]  }
0x22a: {  	[hbm4b:s15+s1] =	stream.linear.scatter [tilespmem:s21], [sflag:$0x4], $0xC000, $0x38;
	[tilespmem:$0x18400] =	vst v63  }
0x22b: {  	_ =	swait.ge [sflag:s0], $0xC000  }
0x22c: {  	[sflag:s0] =	ssyncset.done $0x0  }
0x22d: {  	[sflag:s0] =	ssyncadd.s32 $0xFFFF4000  }
0x22e: {  	_ =	swait.ge [sflag:s30], $0xC000  }
0x22f: {  	[sflag:s30] =	ssyncset.done $0x0  }
0x230: {  	s17 =	rddreg [dreg:$0xd];
	[sflag:s30] =	ssyncadd.s32 $0xFFFF4000  }
0x231: {  	[hbm4b:s17+s1] =	stream.linear.scatter [tilespmem:s20], [sflag:$0x5], $0xC000, $0x38;
	[tilespmem:$0x18400] =	vst v63  }
0x232: {  	p0 =	sne.s32 s12, $0x1;
	_ =	swait.ge [sflag:s31], $0xC000  }
.Ltmp0:
0x233: {  	[sflag:s31] =	ssyncset.done $0x0;
	(pc) =	sbr.rel @p0 .LBB2_1-.Ltmp0, $4  }
0x234: {  	[sflag:s31] =	ssyncadd.s32 $0xFFFF4000  }
0x235: {  	_ =	swait.ge [sflag:s0], $0xC000  }
0x236: {  	[sflag:s0] =	ssyncset.done $0x0  }
0x237: {  	s12 =	sadd.s32 $0xFFFFFFFF, s12;
	[sflag:s0] =	ssyncadd.s32 $0xFFFF4000  }
0x238: {  	_ =	sfence.sel $0x180000  }
0x239: {  	[bflag:$0x0] =	sbarrier.arrive $0xFFFF  }
0x23a: {  	_ =	strace $0x9000004A  }
0x23b: {  	s0 =	stileid.u32;
	[bflag:$0x2] =	sbarrier.arrive $0xFFFF  }
0x23c: {  	p0 =	sne.s32 s0, $0x0;
	s0 =	rddreg [dreg:$0x1]  }
0x23d: {  	s0 =	sadd.s32 @!p0 $0x100000, s0  }
0x23e: {  	[sflag:s0] =	ssyncadd.tile.s32 @!p0 $0x1;
	_ =	shalt  }
.Lfunc_end2:
_tile_overlayer_lowered:
.L_overlay_start_2:
0x23f: {  	(tag) =	ssettag $0x2  }
0x240: {  	s0 =	rddreg [dreg:$0x0];
	s2 =	stileid.u32  }
0x241: {  	s1 =	rddreg [dreg:$0x1];
	p0 =	sne.s32 s2, $0x0  }
0x242: {  	s3 =	rddreg [dreg:$0x2];
	[bflag:$0x3] =	sbarrier.arrive $0xFFFF;
	s2 =	simm.s32 @!p0 $0x1C06  }
0x243: {  	[timem:s3], [sflag:s2] =	dma.local @!p0 [hbm:s0], s1  }
0x244: {  	s0 =	simm.s32 @!p0 $0x6  }
0x245: {  	_ =	swait.ge @!p0 [sflag:s0], s1  }
0x246: {  	s1 =	ssub.s32 @!p0 $0x0, s1;
	[sflag:s0] =	ssyncset.done @!p0 $0x0  }
0x247: {  	[sflag:s0] =	ssyncadd.s32 @!p0 s1  }
0x248: {  	[bflag:$0x3] =	sbarrier.arrive $0xFFFF  }
0x249: {  	_ =	shalt  }

// kernel: kernel.9.cloned.1.call-start
scs
__scs_entry_jumppad:
0x0: {  	(pc) =	sbr.rel $0x88, $3  }
0x1: {  	(tag) =	ssettag $0x0;
	lr =	simm.s32 $0x1  }
0x2: {  	[smem:$0x3F86] =	sst lr;
	_ =	strace $0xD0000000  }
0x3: {  	_ = 	snop  }
0x4: {  	_ = 	snop  }
0x5: {  	_ = 	snop  }
0x6: {  	_ = 	snop  }
0x7: {  	_ = 	snop  }
__scs_overlays_trampoline_lowered:
0x8: {  	[smem:$0x3F95] =	sst s0  }
0x9: {  	[smem:$0x3F96] =	sst s1  }
0xa: {  	[smem:$0x3F97] =	sst s2  }
0xb: {  	[smem:$0x3F98] =	sst s3  }
0xc: {  	[smem:$0x3F99] =	sst s4  }
0xd: {  	[smem:$0x3F9A] =	sst s5  }
0xe: {  	[smem:$0x3F9B] =	sst s6  }
0xf: {  	[smem:$0x3F9C] =	sst s7  }
0x10: {  	[smem:$0x3F9D] =	sst s8  }
0x11: {  	[smem:$0x3F9E] =	sst s9;
	s0 =	simm.s32 @!p0 $0x0  }
0x12: {  	s1 =	sld [smem:$0x3F84];
	s0 =	simm.s32 @p0 $0x1  }
0x13: {  	[smem:$0x3F9F] =	sst s0;
	s0 =	simm.s32 @!p1 $0x0  }
0x14: {  	s2 =	sld [smem:$0x3F83];
	s0 =	simm.s32 @p1 $0x1  }
0x15: {  	[smem:$0x3FA0] =	sst s0;
	s0 =	simm.s32 @!p2 $0x0  }
0x16: {  	s3 =	sld [smem:$0x3FDB];
	s0 =	simm.s32 @p2 $0x1  }
0x17: {  	s4 =	simm.s32 $0x1BF5;
	[smem:$0x3FA2] =	sst s0  }
0x18: {  	s0 =	sld [smem:$0x3F85];
	_ =	swait.ge [sflag:s4], $0x0  }
0x19: {  	s7 =	sld [smem:$0x3F86]  }
0x1a: {  	s8 =	sadd.s32 $0xFFFFE003, lr  }
0x1b: {  	s9 =	sadd.s32 $0xFFFFFEF7, lr;
	s5 =	simm.s32 $0xFFFFFFFF;
	p2 =	slt.u32 s8, $0xFFFFF086  }
0x1c: {  	p1 =	slt.u32 s9, $0xF7A;
	s5 =	simm.s32 @!p2 $0x0  }
0x1d: {  	s5 =	simm.s32 @p1 $0x1;
	p0 =	seq.s32 s7, s2  }
0x1e: {  	s7 =	smul.u32 @!p0 $0xF7A, s2;
	p2 =	seq.s32 @!p0 s5, $0x0  }
0x1f: {  	s9 =	smul.u32 $0xF7A, s1;
	s8 =	simm.s32 @!p0 $0x1BF5;
	p2 =	por !p2, p0  }
0x20: {  	[sflag:s8] =	ssyncset.s32 @!p0 $0xFFFFF086;
	s6 =	sadd.s32 @!p0 s3, s7;
	s7 =	simm.s32 @!p0 $0x108  }
0x21: {  	s3 =	sadd.s32 s3, s9;
	s6 =	sadd.s32 @!p0 $0x88, s6;
	s7 =	simm.s32 @p2 $0x1082  }
0x22: {  	[simem:s7], [sflag:s8] =	dma.local @!p0 [hbm:s6], $0xF7A  }
0x23: {  	s9 =	sor.u32 $0xD0000000, s2;
	s6 =	simm.s32 $0x108;
	_ =	swait.ge @!p0 [sflag:s8], $0x0  }
0x24: {  	s3 =	sadd.s32 $0x88, s3;
	s6 =	simm.s32 @!p1 $0x1082;
	[sflag:s4] =	ssyncset.s32 $0xFFFFF086  }
0x25: {  	[simem:s6], [sflag:s4] =	dma.local [hbm:s3], $0xF7A  }
0x26: {  	[smem:$0x3F86] =	sst s1;
	(tag) =	ssettag s2;
	_ =	strace s9  }
0x27: {  	s1 =	sld [smem:$0x3F96]  }
0x28: {  	s2 =	sld [smem:$0x3F97]  }
0x29: {  	s4 =	sld [smem:$0x3F99]  }
0x2a: {  	p0 =	seq.s32 s5, $0x0;
	s5 =	sld [smem:$0x3F9A]  }
0x2b: {  	s6 =	sld [smem:$0x3F9B]  }
0x2c: {  	s7 =	sld [smem:$0x3F9C]  }
0x2d: {  	s3 =	simm.s32 $0x108;
	s8 =	sld [smem:$0x3F9D]  }
0x2e: {  	s3 =	simm.s32 @!p0 $0x1082;
	s9 =	sld [smem:$0x3F9E]  }
0x2f: {  	lr =	sadd.s32 s0, s3;
	s0 =	sld [smem:$0x3F95]  }
0x30: {  	s3 =	sld [smem:$0x3F98]  }
0x31: {  	[smem:$0x3FA1] =	sst s10  }
0x32: {  	s10 =	sld [smem:$0x3F9F];
	_ =	sdelay $0x3  }
0x33: {  	p0 =	seq.s32 s10, $0x1;
	s10 =	sld [smem:$0x3FA1];
	_ =	sdelay $0x3  }
0x34: {  	[smem:$0x3FA1] =	sst s10  }
0x35: {  	s10 =	sld [smem:$0x3FA0];
	_ =	sdelay $0x3  }
0x36: {  	p1 =	seq.s32 s10, $0x1;
	s10 =	sld [smem:$0x3FA1];
	_ =	sdelay $0x3  }
0x37: {  	[smem:$0x3FA1] =	sst s10  }
0x38: {  	s10 =	sld [smem:$0x3FA2]  }
0x39: {  	_ = 	snop;
	(pc) =	sbr.ind lr, $3  }
0x3a: {  	_ = 	snop  }
0x3b: {  	_ = 	snop  }
0x3c: {  	p2 =	seq.s32 s10, $0x1;
	s10 =	sld [smem:$0x3FA1]  }
0x3d: {  	_ =	shalt  }
0x3e: {  	_ =	shalt  }
0x3f: {  	_ =	shalt  }
0x40: {  	_ =	shalt  }
0x41: {  	_ =	shalt  }
0x42: {  	_ =	shalt  }
0x43: {  	_ =	shalt  }
0x44: {  	_ =	shalt  }
0x45: {  	_ =	shalt  }
0x46: {  	_ =	shalt  }
0x47: {  	_ =	shalt  }
0x48: {  	_ =	shalt  }
0x49: {  	_ =	shalt  }
0x4a: {  	_ =	shalt  }
0x4b: {  	_ =	shalt  }
0x4c: {  	_ =	shalt  }
0x4d: {  	_ =	shalt  }
0x4e: {  	_ =	shalt  }
0x4f: {  	_ =	shalt  }
0x50: {  	_ =	shalt  }
0x51: {  	_ =	shalt  }
0x52: {  	_ =	shalt  }
0x53: {  	_ =	shalt  }
0x54: {  	_ =	shalt  }
0x55: {  	_ =	shalt  }
0x56: {  	_ =	shalt  }
0x57: {  	_ =	shalt  }
0x58: {  	_ =	shalt  }
0x59: {  	_ =	shalt  }
0x5a: {  	_ =	shalt  }
0x5b: {  	_ =	shalt  }
0x5c: {  	_ =	shalt  }
0x5d: {  	_ =	shalt  }
0x5e: {  	_ =	shalt  }
0x5f: {  	_ =	shalt  }
0x60: {  	_ =	shalt  }
0x61: {  	_ =	shalt  }
0x62: {  	_ =	shalt  }
0x63: {  	_ =	shalt  }
0x64: {  	_ =	shalt  }
0x65: {  	_ =	shalt  }
0x66: {  	_ =	shalt  }
0x67: {  	_ =	shalt  }
0x68: {  	_ =	shalt  }
0x69: {  	_ =	shalt  }
0x6a: {  	_ =	shalt  }
0x6b: {  	_ =	shalt  }
0x6c: {  	_ =	shalt  }
0x6d: {  	_ =	shalt  }
0x6e: {  	_ =	shalt  }
0x6f: {  	_ =	shalt  }
0x70: {  	_ =	shalt  }
0x71: {  	_ =	shalt  }
0x72: {  	_ =	shalt  }
0x73: {  	_ =	shalt  }
0x74: {  	_ =	shalt  }
0x75: {  	_ =	shalt  }
0x76: {  	_ =	shalt  }
0x77: {  	_ =	shalt  }
0x78: {  	_ =	shalt  }
0x79: {  	_ =	shalt  }
0x7a: {  	_ =	shalt  }
0x7b: {  	_ =	shalt  }
0x7c: {  	_ =	shalt  }
0x7d: {  	_ =	shalt  }
0x7e: {  	_ =	shalt  }
0x7f: {  	_ =	shalt  }
0x80: {  	_ =	shalt  }
0x81: {  	_ =	shalt  }
0x82: {  	_ =	shalt  }
0x83: {  	_ =	shalt  }
0x84: {  	_ =	shalt  }
0x85: {  	_ =	shalt  }
0x86: {  	_ =	shalt  }
0x87: {  	_ =	shalt  }
.Lfunc_end0:
.L_simem_size_0:
called_computation_lowered:
.L_overlay_start_0:
0x88: {  	s2 =	sld [smem:$0x3FD9]  }
0x89: {  	s3 =	sld [smem:$0x3FFE];
	_ =	sdelay $0x1  }
0x8a: {  	s1 =	srdreg.scid  }
0x8b: {  	s0 =	sand.u32 $0x1, s1  }
0x8c: {  	s17 =	sshll.u32 s0, $0xA;
	s2 =	sadd.s32 s3, s2  }
0x8d: {  	s2 =	sadd.s32 s2, s17  }
0x8e: {  	[smem:$0x3FAD] =	sst s2  }
0x8f: {  	_ = 	snop  }
0x90: {  	s2 =	sld [smem:$0x3FC9];
	(tm) =	ssettm $0x1  }
0x91: {  	s18 =	sld [smem:$0x3FFB];
	_ =	sdelay $0x3  }
0x92: {  	_ =	strace s18  }
0x93: {  	s3 =	sld [smem:$0x3FFC];
	_ =	sdelay $0x3  }
0x94: {  	_ =	strace s3  }
0x95: {  	s3 =	sld [smem:$0x3FFD];
	_ =	sdelay $0x3  }
0x96: {  	_ =	strace s3  }
0x97: {  	_ =	strace $0x8FFFFFFF  }
0x98: {  	s19 =	sld [smem:$0x3FDB];
	_ =	sdelay $0x1  }
0x99: {  	s4 =	simm.s32 $_scs_section_size  }
0x9a: {  	s5 =	simm.s32 $_size__tile_overlayer_lowered;
	s6 =	simm.s32 $_tile_overlayer_lowered  }
0x9b: {  	s22 =	simm.s32 $0x1BFF;
	s21 =	sshll.u32 s6, $0x1;
	s3 =	sadd.s32 s4, s19  }
0x9c: {  	s7 =	simm.s32 $0x0;
	s20 =	sshll.u32 s5, $0x1;
	s5 =	sadd.s32 s21, s3  }
0x9d: {  	[timem:s7], [sflag:s22] =	dma.local [hbm:s5], s20  }
0x9e: {  	_ =	swait.ge [sflag:s22], s20  }
0x9f: {  	s4 =	ssub.s32 $0x0, s20;
	[sflag:s22] =	ssyncset.done $0x0  }
0xa0: {  	[sflag:s22] =	ssyncadd.s32 s4;
	_ =	sdelay $0x1  }
0xa1: {  	s23 =	simm.s32 $0x1B8B  }
0xa2: {  	_ =	swait.ge [sflag:s23], $0x1  }
0xa3: {  	[sflag:s23] =	ssyncset.done $0x0  }
0xa4: {  	s25 =	simm.s32 $0x1B8E;
	s24 =	sld [smem:$0x3FFE];
	[sflag:s23] =	ssyncadd.s32 $0xFFFFFFFF  }
0xa5: {  	s26 =	simm.s32 $execute0_lowered;
	[smem:$0x3FD2] =	sst s25  }
0xa6: {  	s5 =	sshll.u32 s26, $0x1;
	_ =	strace $0x80000046;
	[dreg:$0x1] =	wrdreg $0xFFFFFFFF  }
0xa7: {  	s28 =	simm.s32 $_size_execute0_lowered;
	s3 =	sadd.s32 s3, s5;
	[dreg:$0x0] =	wrdreg $0x0  }
0xa8: {  	s5 =	sshll.u32 s28, $0x1;
	[dreg:$0x2] =	wrdreg s3  }
0xa9: {  	[dreg:$0x3] =	wrdreg s5  }
0xaa: {  	[dreg:$0x4] =	wrdreg $0xC0  }
0xab: {  	_ =	task [dreg:s7], $0x5FFFF  }
0xac: {  	[dreg:$0x1] =	wrdreg $0xFFFFFFFF  }
0xad: {  	[dreg:$0x0] =	wrdreg $0x60  }
0xae: {  	[dreg:$0x2] =	wrdreg s2  }
0xaf: {  	[dreg:$0x3] =	wrdreg s24  }
0xb0: {  	[dreg:$0x4] =	wrdreg $0x9  }
0xb1: {  	_ =	task.clear_ibuf [dreg:s7], $0x5FFFF;
	_ =	strace $0x90000046  }
0xb2: {  	s29 =	simm.s32 $0x9;
	_ =	strace $0x80000048  }
0xb3: {  	_ =	swait.ge [sflag:s29], $0x1  }
0xb4: {  	[sflag:s29] =	ssyncadd.s32 $0xFFFFFFFF  }
0xb5: {  	_ =	strace $0x90000048  }
0xb6: {  	_ =	sfence  }
0xb7: {  	s30 =	sld [smem:$0x0];
	_ =	sdelay $0x2  }
0xb8: {  	s31 =	sshll.u32 s1, $0xD;
	s1 =	sshrl.u32 s1, $0x2  }
0xb9: {  	s3 =	sand.u32 $0x4000, s31;
	s1 =	sadd.s32 s1, s30  }
0xba: {  	s0 =	sor.u32 s3, s0;
	s1 =	sshll.u32 s1, $0x11  }
0xbb: {  	s0 =	sor.u32 s1, s0  }
0xbc: {  	s0 =	sadd.s32 $0x8F2B, s0  }
0xbd: {  	[sflag:s0] =	ssyncadd.remote.s32 $0x1  }
0xbe: {  	_ =	sfence.sel $0xFFFF  }
0xbf: {  	[dreg:$0x0] =	wrdreg $0xFFFFFFFF;
	(pc) =	sbr.abs _section_cstart, $3  }
0xc0: {  	[dreg:$0x1] =	wrdreg $0xFFFFFFFF  }
0xc1: {  	_ =	task.clear_ibuf [dreg:s7], $0x2FFFF;
	_ =	strace $0x9FFFFFFF  }
0xc2: {  	(tm) =	ssettm $0x7FFFFFFF  }
0xc3: {  	_ =	shalt  }
tec
execute0_lowered:
.L_overlay_start_1:
0x0: {  	(tag) =	ssettag $0x1  }
0x1: {  	s1 =	rddreg [dreg:$0x0]  }
0x2: {  	s0 =	rddreg [dreg:$0x1];
	s2 =	srdreg.scid  }
0x3: {  	s3 =	simm.s32 $0x0;
	s4 =	stileid.u32;
	s24 =	simm.s32 $0x80  }
0x4: {  	s25 =	simm.s32 $0x100;
	s26 =	simm.s32 $0x180;
	s28 =	simm.s32 $0x200  }
0x5: {  	s29 =	simm.s32 $0x280;
	s30 =	simm.s32 $0x300;
	s31 =	simm.s32 $0x380  }
0x6: {  	s17 =	simm.s32 $0x1;
	s2 =	sand.u32 $0x1, s2;
	[smem:$0x7FF] =	sst s3  }
0x7: {  	s4 =	sshll.u32 s4, $0x5;
	_ =	strace $0x80000047;
	[dreg:$0xa] =	wrdreg s24  }
0x8: {  	s6 =	sadd.s32 $0x2600, s0;
	s7 =	sadd.s32 $0x2800, s0;
	[dreg:$0xb] =	wrdreg s25  }
0x9: {  	s11 =	sadd.s32 $0x3000, s0;
	s12 =	sadd.s32 $0xC8F00, s0;
	[dreg:$0xc] =	wrdreg s26  }
0xa: {  	s13 =	sadd.s32 $0xC9000, s0;
	s14 =	sadd.s32 $0x18EF00, s0;
	[dreg:$0xd] =	wrdreg s28  }
0xb: {  	s15 =	sadd.s32 $0x18F000, s0;
	s5 =	sshll.u32 s2, $0x4;
	[dreg:$0xe] =	wrdreg s29  }
0xc: {  	s2 =	ssub.s32 $0x2, s2;
	[dreg:$0xf] =	wrdreg s30;
	s5 =	sor.u32 s5, s4  }
0xd: {  	[dreg:$0x10] =	wrdreg s31;
	s4 =	sadd.s32 $0x2E00, s0;
	s8 =	sadd.s32 s6, s5  }
0xe: {  	s9 =	sor.u32 $0x8, s5;
	s10 =	sadd.s32 s7, s5;
	[dreg:$0x3] =	wrdreg s8  }
0xf: {  	s22 =	sshrl.u32 s2, $0x1;
	s6 =	sadd.s32 s6, s9;
	[dreg:$0x11] =	wrdreg s10  }
0x10: {  	s2 =	ssub.s32 s2, s22;
	s18 =	sadd.s32 s7, s9;
	[dreg:$0x4] =	wrdreg s6  }
0x11: {  	s19 =	sadd.s32 $0x200, s10;
	s7 =	sadd.s32 $0x18EE00, s0;
	[dreg:$0x5] =	wrdreg s18  }
0x12: {  	s20 =	sadd.s32 $0x208, s10;
	s21 =	sadd.s32 $0x400, s10;
	[dreg:$0x6] =	wrdreg s19  }
0x13: {  	v2 =	vlaneseq.u32;
	s23 =	sadd.s32 $0x408, s10;
	s8 =	sadd.s32 $0x100, s1;
	[dreg:$0x7] =	wrdreg s20  }
0x14: {  	vm0 =	vmmov $0xffff;
	v1 =	vshrl.u32 v2, $0x3;
	s9 =	sadd.s32 $0x200, s1;
	s10 =	sadd.s32 $0x2F00, s0;
	[dreg:$0x8] =	wrdreg s21  }
0x15: {  	v0 =	vand.u32 $0x7, v2;
	v2 =	vor.u32 $0x8, v2;
	v1 =	vmul.u32 $0x8, v1;
	s2 =	smax.u32 s2, $0x1;
	s6 =	sadd.s32 $0xC8E00, s0;
	[dreg:$0x9] =	wrdreg s23  }
.LBB2_1:
0x16: {  	[dreg:$0x12] =	wrdreg s2  }
0x17: {  	s20 =	rddreg [dreg:$0x3]  }
0x18: {  	s21 =	rddreg [dreg:$0x4]  }
0x19: {  	s22 =	rddreg [dreg:$0xa]  }
0x1a: {  	s25 =	rddreg [dreg:$0xb]  }
0x1b: {  	s26 =	rddreg [dreg:$0x5]  }
0x1c: {  	s28 =	rddreg [dreg:$0xc]  }
0x1d: {  	s23 =	rddreg [dreg:$0x11]  }
0x1e: {  	s29 =	rddreg [dreg:$0x6]  }
0x1f: {  	[tilespmem:s3], [sflag:$0x1] =	stream.linear.gather [hbm4b:s20+s3], $0x40, $0x38;
	[tilespmem:$0x18500] =	vst v63  }
0x20: {  	s30 =	rddreg [dreg:$0xd]  }
0x21: {  	[tilespmem:s22], [sflag:$0x1] =	stream.linear.gather [hbm4b:s21+s3], $0x40, $0x38;
	[tilespmem:$0x18500] =	vst v63  }
0x22: {  	s31 =	rddreg [dreg:$0x7]  }
0x23: {  	[tilespmem:s25], [sflag:$0x1] =	stream.linear.gather [hbm4b:s23+s3], $0x40, $0x38;
	[tilespmem:$0x18500] =	vst v63  }
0x24: {  	s0 =	rddreg [dreg:$0xe]  }
0x25: {  	[tilespmem:s28], [sflag:$0x1] =	stream.linear.gather [hbm4b:s26+s3], $0x40, $0x38;
	[tilespmem:$0x18500] =	vst v63  }
0x26: {  	s1 =	rddreg [dreg:$0x8]  }
0x27: {  	[tilespmem:s30], [sflag:$0x1] =	stream.linear.gather [hbm4b:s29+s3], $0x40, $0x38;
	[tilespmem:$0x18500] =	vst v63  }
0x28: {  	s2 =	rddreg [dreg:$0xf]  }
0x29: {  	[tilespmem:s0], [sflag:$0x1] =	stream.linear.gather [hbm4b:s31+s3], $0x40, $0x38;
	[tilespmem:$0x18500] =	vst v63  }
0x2a: {  	s5 =	rddreg [dreg:$0x9]  }
0x2b: {  	[tilespmem:s2], [sflag:$0x1] =	stream.linear.gather [hbm4b:s1+s3], $0x40, $0x38;
	[tilespmem:$0x18500] =	vst v63  }
0x2c: {  	s16 =	rddreg [dreg:$0x10]  }
0x2d: {  	[tilespmem:s16], [sflag:$0x1] =	stream.linear.gather [hbm4b:s5+s3], $0x40, $0x38;
	[tilespmem:$0x18500] =	vst v63  }
0x2e: {  	_ =	swait.ge [sflag:s17], $0x40  }
0x2f: {  	[sflag:s17] =	ssyncset.done $0x0  }
0x30: {  	[sflag:s17] =	ssyncadd.s32 $0xFFFFFFC0  }
0x31: {  	_ =	swait.ge [sflag:s17], $0x40  }
0x32: {  	[sflag:s17] =	ssyncset.done $0x0  }
0x33: {  	[sflag:s17] =	ssyncadd.s32 $0xFFFFFFC0  }
0x34: {  	_ =	swait.ge [sflag:s17], $0x40  }
0x35: {  	[sflag:s17] =	ssyncset.done $0x0  }
0x36: {  	[sflag:s17] =	ssyncadd.s32 $0xFFFFFFC0  }
0x37: {  	_ =	swait.ge [sflag:s17], $0x40  }
0x38: {  	[sflag:s17] =	ssyncset.done $0x0  }
0x39: {  	[sflag:s17] =	ssyncadd.s32 $0xFFFFFFC0  }
0x3a: {  	_ =	swait.ge [sflag:s17], $0x40  }
0x3b: {  	[sflag:s17] =	ssyncset.done $0x0  }
0x3c: {  	[sflag:s17] =	ssyncadd.s32 $0xFFFFFFC0  }
0x3d: {  	_ =	swait.ge [sflag:s17], $0x40  }
0x3e: {  	[sflag:s17] =	ssyncset.done $0x0  }
0x3f: {  	[sflag:s17] =	ssyncadd.s32 $0xFFFFFFC0  }
0x40: {  	_ =	swait.ge [sflag:s17], $0x40  }
0x41: {  	[sflag:s17] =	ssyncset.done $0x0  }
0x42: {  	[sflag:s17] =	ssyncadd.s32 $0xFFFFFFC0  }
0x43: {  	_ =	swait.ge [sflag:s17], $0x40  }
0x44: {  	[sflag:s17] =	ssyncset.done $0x0  }
0x45: {  	[sflag:s17] =	ssyncadd.s32 $0xFFFFFFC0  }
0x46: {  	v3 =	vld [tilespmem:$0x0];
	_ =	sdelay $0x4  }
0x47: {  	v4 =	vshrl.u32 v3, $0x3  }
0x48: {  	v4 =	vmul.u32 $0x30, v4  }
0x49: {  	v3 =	vand.u32 $0x7, v3  }
0x4a: {  	v3 =	vor.u32 v3, v4  }
0x4b: {  	v4 =	vperm.xlane v3, v0;
	_ =	sdelay $0x1  }
0x4c: {  	v4 =	vadd.s32 v1, v4;
	_ =	sdelay $0x3  }
0x4d: {  	s0 =	simm.s32 $0x500;
	s1 =	rddreg [dreg:$0x0];
	v3 =	vperm.xlane v3, v2  }
0x4e: {  	[tilespmem:s0], [sflag:$0x2] =	stream.indirect_vreg.gather [hbm4b:s1+s3], $0x80, v4, vm0, $0xb8;
	[tilespmem:$0x18500] =	vst v63  }
0x4f: {  	s18 =	simm.s32 $0xD00;
	v3 =	vadd.s32 v1, v3  }
0x50: {  	[tilespmem:s18], [sflag:$0x2] =	stream.indirect_vreg.gather [hbm4b:s8+s3], $0x80, v4, vm0, $0xb8;
	[tilespmem:$0x18500] =	vst v63  }
0x51: {  	s19 =	simm.s32 $0x1500  }
0x52: {  	[tilespmem:s19], [sflag:$0x2] =	stream.indirect_vreg.gather [hbm4b:s9+s3], $0x80, v4, vm0, $0xb8;
	[tilespmem:$0x18500] =	vst v63  }
0x53: {  	s20 =	simm.s32 $0x1D00  }
0x54: {  	[tilespmem:s20], [sflag:$0x2] =	stream.indirect_vreg.gather [hbm4b:s1+s3], $0x80, v3, vm0, $0xb8;
	[tilespmem:$0x18500] =	vst v63  }
0x55: {  	s21 =	simm.s32 $0x2500  }
0x56: {  	[tilespmem:s21], [sflag:$0x2] =	stream.indirect_vreg.gather [hbm4b:s8+s3], $0x80, v3, vm0, $0xb8;
	[tilespmem:$0x18500] =	vst v63  }
0x57: {  	s22 =	simm.s32 $0x2D00  }
0x58: {  	[tilespmem:s22], [sflag:$0x2] =	stream.indirect_vreg.gather [hbm4b:s9+s3], $0x80, v3, vm0, $0xb8;
	[tilespmem:$0x18500] =	vst v63  }
0x59: {  	v3 =	vld [tilespmem:$0x10];
	_ =	sdelay $0x4  }
0x5a: {  	v33 =	vshrl.u32 v3, $0x3  }
0x5b: {  	v4 =	vmul.u32 $0x30, v33  }
0x5c: {  	v3 =	vand.u32 $0x7, v3  }
0x5d: {  	v3 =	vor.u32 v3, v4  }
0x5e: {  	v4 =	vperm.xlane v3, v0;
	_ =	sdelay $0x1  }
0x5f: {  	v4 =	vadd.s32 v1, v4;
	_ =	sdelay $0x3  }
0x60: {  	s23 =	simm.s32 $0x3500;
	v3 =	vperm.xlane v3, v2  }
0x61: {  	[tilespmem:s23], [sflag:$0x2] =	stream.indirect_vreg.gather [hbm4b:s1+s3], $0x80, v4, vm0, $0xb8;
	[tilespmem:$0x18500] =	vst v63  }
0x62: {  	s24 =	simm.s32 $0x3D00;
	v3 =	vadd.s32 v1, v3  }
0x63: {  	[tilespmem:s24], [sflag:$0x2] =	stream.indirect_vreg.gather [hbm4b:s8+s3], $0x80, v4, vm0, $0xb8;
	[tilespmem:$0x18500] =	vst v63  }
0x64: {  	s25 =	simm.s32 $0x4500  }
0x65: {  	[tilespmem:s25], [sflag:$0x2] =	stream.indirect_vreg.gather [hbm4b:s9+s3], $0x80, v4, vm0, $0xb8;
	[tilespmem:$0x18500] =	vst v63  }
0x66: {  	s26 =	simm.s32 $0x4D00  }
0x67: {  	[tilespmem:s26], [sflag:$0x2] =	stream.indirect_vreg.gather [hbm4b:s1+s3], $0x80, v3, vm0, $0xb8;
	[tilespmem:$0x18500] =	vst v63  }
0x68: {  	s28 =	simm.s32 $0x5500  }
0x69: {  	[tilespmem:s28], [sflag:$0x2] =	stream.indirect_vreg.gather [hbm4b:s8+s3], $0x80, v3, vm0, $0xb8;
	[tilespmem:$0x18500] =	vst v63  }
0x6a: {  	s29 =	simm.s32 $0x5D00  }
0x6b: {  	[tilespmem:s29], [sflag:$0x2] =	stream.indirect_vreg.gather [hbm4b:s9+s3], $0x80, v3, vm0, $0xb8;
	[tilespmem:$0x18500] =	vst v63  }
0x6c: {  	v3 =	vld [tilespmem:$0x20];
	_ =	sdelay $0x4  }
0x6d: {  	v34 =	vshrl.u32 v3, $0x3  }
0x6e: {  	v4 =	vmul.u32 $0x30, v34  }
0x6f: {  	v3 =	vand.u32 $0x7, v3  }
0x70: {  	v3 =	vor.u32 v3, v4  }
0x71: {  	v4 =	vperm.xlane v3, v0;
	_ =	sdelay $0x1  }
0x72: {  	v4 =	vadd.s32 v1, v4;
	_ =	sdelay $0x3  }
0x73: {  	s30 =	simm.s32 $0x6500;
	v3 =	vperm.xlane v3, v2  }
0x74: {  	[tilespmem:s30], [sflag:$0x2] =	stream.indirect_vreg.gather [hbm4b:s1+s3], $0x80, v4, vm0, $0xb8;
	[tilespmem:$0x18500] =	vst v63  }
0x75: {  	s31 =	simm.s32 $0x6D00;
	v3 =	vadd.s32 v1, v3  }
0x76: {  	[tilespmem:s31], [sflag:$0x2] =	stream.indirect_vreg.gather [hbm4b:s8+s3], $0x80, v4, vm0, $0xb8;
	[tilespmem:$0x18500] =	vst v63  }
0x77: {  	s2 =	simm.s32 $0x7500  }
0x78: {  	[tilespmem:s2], [sflag:$0x2] =	stream.indirect_vreg.gather [hbm4b:s9+s3], $0x80, v4, vm0, $0xb8;
	[tilespmem:$0x18500] =	vst v63  }
0x79: {  	s5 =	simm.s32 $0x7D00  }
0x7a: {  	[tilespmem:s5], [sflag:$0x2] =	stream.indirect_vreg.gather [hbm4b:s1+s3], $0x80, v3, vm0, $0xb8;
	[tilespmem:$0x18500] =	vst v63  }
0x7b: {  	s16 =	simm.s32 $0x8500  }
0x7c: {  	[tilespmem:s16], [sflag:$0x2] =	stream.indirect_vreg.gather [hbm4b:s8+s3], $0x80, v3, vm0, $0xb8;
	[tilespmem:$0x18500] =	vst v63  }
0x7d: {  	s18 =	simm.s32 $0x8D00  }
0x7e: {  	[tilespmem:s18], [sflag:$0x2] =	stream.indirect_vreg.gather [hbm4b:s9+s3], $0x80, v3, vm0, $0xb8;
	[tilespmem:$0x18500] =	vst v63  }
0x7f: {  	v3 =	vld [tilespmem:$0x30];
	_ =	sdelay $0x4  }
0x80: {  	v35 =	vshrl.u32 v3, $0x3  }
0x81: {  	v4 =	vmul.u32 $0x30, v35  }
0x82: {  	v3 =	vand.u32 $0x7, v3  }
0x83: {  	v3 =	vor.u32 v3, v4  }
0x84: {  	v4 =	vperm.xlane v3, v0;
	_ =	sdelay $0x1  }
0x85: {  	v4 =	vadd.s32 v1, v4;
	_ =	sdelay $0x3  }
0x86: {  	s19 =	simm.s32 $0x9500;
	v3 =	vperm.xlane v3, v2  }
0x87: {  	[tilespmem:s19], [sflag:$0x2] =	stream.indirect_vreg.gather [hbm4b:s1+s3], $0x80, v4, vm0, $0xb8;
	[tilespmem:$0x18500] =	vst v63  }
0x88: {  	s20 =	simm.s32 $0x9D00;
	v3 =	vadd.s32 v1, v3  }
0x89: {  	[tilespmem:s20], [sflag:$0x2] =	stream.indirect_vreg.gather [hbm4b:s8+s3], $0x80, v4, vm0, $0xb8;
	[tilespmem:$0x18500] =	vst v63  }
0x8a: {  	s21 =	simm.s32 $0xA500  }
0x8b: {  	[tilespmem:s21], [sflag:$0x2] =	stream.indirect_vreg.gather [hbm4b:s9+s3], $0x80, v4, vm0, $0xb8;
	[tilespmem:$0x18500] =	vst v63  }
0x8c: {  	s22 =	simm.s32 $0xAD00  }
0x8d: {  	[tilespmem:s22], [sflag:$0x2] =	stream.indirect_vreg.gather [hbm4b:s1+s3], $0x80, v3, vm0, $0xb8;
	[tilespmem:$0x18500] =	vst v63  }
0x8e: {  	s23 =	simm.s32 $0xB500  }
0x8f: {  	[tilespmem:s23], [sflag:$0x2] =	stream.indirect_vreg.gather [hbm4b:s8+s3], $0x80, v3, vm0, $0xb8;
	[tilespmem:$0x18500] =	vst v63  }
0x90: {  	s24 =	simm.s32 $0xBD00  }
0x91: {  	[tilespmem:s24], [sflag:$0x2] =	stream.indirect_vreg.gather [hbm4b:s9+s3], $0x80, v3, vm0, $0xb8;
	[tilespmem:$0x18500] =	vst v63  }
0x92: {  	v3 =	vld [tilespmem:$0x80];
	_ =	sdelay $0x4  }
0x93: {  	v36 =	vshrl.u32 v3, $0x3  }
0x94: {  	v4 =	vmul.u32 $0x30, v36  }
0x95: {  	v3 =	vand.u32 $0x7, v3  }
0x96: {  	v3 =	vor.u32 v3, v4  }
0x97: {  	v4 =	vperm.xlane v3, v0;
	_ =	sdelay $0x1  }
0x98: {  	v4 =	vadd.s32 v1, v4;
	_ =	sdelay $0x3  }
0x99: {  	s25 =	simm.s32 $0xC500;
	v3 =	vperm.xlane v3, v2  }
0x9a: {  	[tilespmem:s25], [sflag:$0x3] =	stream.indirect_vreg.gather [hbm4b:s1+s3], $0x80, v4, vm0, $0xb8;
	[tilespmem:$0x18500] =	vst v63  }
0x9b: {  	s26 =	simm.s32 $0xCD00;
	v3 =	vadd.s32 v1, v3  }
0x9c: {  	[tilespmem:s26], [sflag:$0x3] =	stream.indirect_vreg.gather [hbm4b:s8+s3], $0x80, v4, vm0, $0xb8;
	[tilespmem:$0x18500] =	vst v63  }
0x9d: {  	s28 =	simm.s32 $0xD500  }
0x9e: {  	[tilespmem:s28], [sflag:$0x3] =	stream.indirect_vreg.gather [hbm4b:s9+s3], $0x80, v4, vm0, $0xb8;
	[tilespmem:$0x18500] =	vst v63  }
0x9f: {  	s29 =	simm.s32 $0xDD00  }
0xa0: {  	[tilespmem:s29], [sflag:$0x3] =	stream.indirect_vreg.gather [hbm4b:s1+s3], $0x80, v3, vm0, $0xb8;
	[tilespmem:$0x18500] =	vst v63  }
0xa1: {  	s30 =	simm.s32 $0xE500  }
0xa2: {  	[tilespmem:s30], [sflag:$0x3] =	stream.indirect_vreg.gather [hbm4b:s8+s3], $0x80, v3, vm0, $0xb8;
	[tilespmem:$0x18500] =	vst v63  }
0xa3: {  	s31 =	simm.s32 $0xED00  }
0xa4: {  	[tilespmem:s31], [sflag:$0x3] =	stream.indirect_vreg.gather [hbm4b:s9+s3], $0x80, v3, vm0, $0xb8;
	[tilespmem:$0x18500] =	vst v63  }
0xa5: {  	v3 =	vld [tilespmem:$0x90];
	_ =	sdelay $0x4  }
0xa6: {  	v37 =	vshrl.u32 v3, $0x3  }
0xa7: {  	v4 =	vmul.u32 $0x30, v37  }
0xa8: {  	v3 =	vand.u32 $0x7, v3  }
0xa9: {  	v3 =	vor.u32 v3, v4  }
0xaa: {  	v4 =	vperm.xlane v3, v0;
	_ =	sdelay $0x1  }
0xab: {  	v4 =	vadd.s32 v1, v4;
	_ =	sdelay $0x3  }
0xac: {  	s2 =	simm.s32 $0xF500;
	v3 =	vperm.xlane v3, v2  }
0xad: {  	[tilespmem:s2], [sflag:$0x3] =	stream.indirect_vreg.gather [hbm4b:s1+s3], $0x80, v4, vm0, $0xb8;
	[tilespmem:$0x18500] =	vst v63  }
0xae: {  	s5 =	simm.s32 $0xFD00;
	v3 =	vadd.s32 v1, v3  }
0xaf: {  	[tilespmem:s5], [sflag:$0x3] =	stream.indirect_vreg.gather [hbm4b:s8+s3], $0x80, v4, vm0, $0xb8;
	[tilespmem:$0x18500] =	vst v63  }
0xb0: {  	s16 =	simm.s32 $0x10500  }
0xb1: {  	[tilespmem:s16], [sflag:$0x3] =	stream.indirect_vreg.gather [hbm4b:s9+s3], $0x80, v4, vm0, $0xb8;
	[tilespmem:$0x18500] =	vst v63  }
0xb2: {  	s18 =	simm.s32 $0x10D00  }
0xb3: {  	[tilespmem:s18], [sflag:$0x3] =	stream.indirect_vreg.gather [hbm4b:s1+s3], $0x80, v3, vm0, $0xb8;
	[tilespmem:$0x18500] =	vst v63  }
0xb4: {  	s19 =	simm.s32 $0x11500  }
0xb5: {  	[tilespmem:s19], [sflag:$0x3] =	stream.indirect_vreg.gather [hbm4b:s8+s3], $0x80, v3, vm0, $0xb8;
	[tilespmem:$0x18500] =	vst v63  }
0xb6: {  	s20 =	simm.s32 $0x11D00  }
0xb7: {  	[tilespmem:s20], [sflag:$0x3] =	stream.indirect_vreg.gather [hbm4b:s9+s3], $0x80, v3, vm0, $0xb8;
	[tilespmem:$0x18500] =	vst v63  }
0xb8: {  	v3 =	vld [tilespmem:$0xA0];
	_ =	sdelay $0x4  }
0xb9: {  	v38 =	vshrl.u32 v3, $0x3  }
0xba: {  	v4 =	vmul.u32 $0x30, v38  }
0xbb: {  	v3 =	vand.u32 $0x7, v3  }
0xbc: {  	v3 =	vor.u32 v3, v4  }
0xbd: {  	v4 =	vperm.xlane v3, v0;
	_ =	sdelay $0x1  }
0xbe: {  	v4 =	vadd.s32 v1, v4;
	_ =	sdelay $0x3  }
0xbf: {  	s21 =	simm.s32 $0x12500;
	v3 =	vperm.xlane v3, v2  }
0xc0: {  	[tilespmem:s21], [sflag:$0x3] =	stream.indirect_vreg.gather [hbm4b:s1+s3], $0x80, v4, vm0, $0xb8;
	[tilespmem:$0x18500] =	vst v63  }
0xc1: {  	s22 =	simm.s32 $0x12D00;
	v3 =	vadd.s32 v1, v3  }
0xc2: {  	[tilespmem:s22], [sflag:$0x3] =	stream.indirect_vreg.gather [hbm4b:s8+s3], $0x80, v4, vm0, $0xb8;
	[tilespmem:$0x18500] =	vst v63  }
0xc3: {  	s23 =	simm.s32 $0x13500  }
0xc4: {  	[tilespmem:s23], [sflag:$0x3] =	stream.indirect_vreg.gather [hbm4b:s9+s3], $0x80, v4, vm0, $0xb8;
	[tilespmem:$0x18500] =	vst v63  }
0xc5: {  	s24 =	simm.s32 $0x13D00  }
0xc6: {  	[tilespmem:s24], [sflag:$0x3] =	stream.indirect_vreg.gather [hbm4b:s1+s3], $0x80, v3, vm0, $0xb8;
	[tilespmem:$0x18500] =	vst v63  }
0xc7: {  	s25 =	simm.s32 $0x14500  }
0xc8: {  	[tilespmem:s25], [sflag:$0x3] =	stream.indirect_vreg.gather [hbm4b:s8+s3], $0x80, v3, vm0, $0xb8;
	[tilespmem:$0x18500] =	vst v63  }
0xc9: {  	s26 =	simm.s32 $0x14D00  }
0xca: {  	[tilespmem:s26], [sflag:$0x3] =	stream.indirect_vreg.gather [hbm4b:s9+s3], $0x80, v3, vm0, $0xb8;
	[tilespmem:$0x18500] =	vst v63  }
0xcb: {  	v3 =	vld [tilespmem:$0xB0];
	_ =	sdelay $0x4  }
0xcc: {  	v39 =	vshrl.u32 v3, $0x3  }
0xcd: {  	v4 =	vmul.u32 $0x30, v39  }
0xce: {  	v3 =	vand.u32 $0x7, v3  }
0xcf: {  	v3 =	vor.u32 v3, v4  }
0xd0: {  	v4 =	vperm.xlane v3, v0;
	_ =	sdelay $0x1  }
0xd1: {  	v4 =	vadd.s32 v1, v4;
	_ =	sdelay $0x3  }
0xd2: {  	s28 =	simm.s32 $0x15500;
	v3 =	vperm.xlane v3, v2  }
0xd3: {  	[tilespmem:s28], [sflag:$0x3] =	stream.indirect_vreg.gather [hbm4b:s1+s3], $0x80, v4, vm0, $0xb8;
	[tilespmem:$0x18500] =	vst v63  }
0xd4: {  	s29 =	simm.s32 $0x15D00;
	v3 =	vadd.s32 v1, v3  }
0xd5: {  	[tilespmem:s29], [sflag:$0x3] =	stream.indirect_vreg.gather [hbm4b:s8+s3], $0x80, v4, vm0, $0xb8;
	[tilespmem:$0x18500] =	vst v63  }
0xd6: {  	s30 =	simm.s32 $0x16500  }
0xd7: {  	[tilespmem:s30], [sflag:$0x3] =	stream.indirect_vreg.gather [hbm4b:s9+s3], $0x80, v4, vm0, $0xb8;
	[tilespmem:$0x18500] =	vst v63  }
0xd8: {  	s31 =	simm.s32 $0x16D00  }
0xd9: {  	[tilespmem:s31], [sflag:$0x3] =	stream.indirect_vreg.gather [hbm4b:s1+s3], $0x80, v3, vm0, $0xb8;
	[tilespmem:$0x18500] =	vst v63  }
0xda: {  	s1 =	simm.s32 $0x17500  }
0xdb: {  	[tilespmem:s1], [sflag:$0x3] =	stream.indirect_vreg.gather [hbm4b:s8+s3], $0x80, v3, vm0, $0xb8;
	[tilespmem:$0x18500] =	vst v63  }
0xdc: {  	s2 =	simm.s32 $0x17D00;
	s5 =	simm.s32 $0x2  }
0xdd: {  	[tilespmem:s2], [sflag:$0x3] =	stream.indirect_vreg.gather [hbm4b:s9+s3], $0x80, v3, vm0, $0xb8;
	[tilespmem:$0x18500] =	vst v63  }
0xde: {  	_ =	swait.ge [sflag:s5], $0xC000  }
0xdf: {  	[sflag:s5] =	ssyncset.done $0x0  }
0xe0: {  	[sflag:s5] =	ssyncadd.s32 $0xFFFF4000  }
0xe1: {  	v3 =	vld [tilespmem:$0x100];
	_ =	sdelay $0x4  }
0xe2: {  	v40 =	vshrl.u32 v3, $0x3  }
0xe3: {  	v4 =	vmul.u32 $0x30, v40  }
0xe4: {  	v3 =	vand.u32 $0x7, v3  }
0xe5: {  	v3 =	vor.u32 v3, v4  }
0xe6: {  	v4 =	vperm.xlane v3, v0;
	_ =	sdelay $0x1  }
0xe7: {  	v4 =	vadd.s32 v1, v4;
	_ =	sdelay $0x3  }
0xe8: {  	s16 =	simm.s32 $0x500;
	v3 =	vperm.xlane v3, v2  }
0xe9: {  	[hbm4b:s4+s3] =	stream.indirect_vreg.scatter [tilespmem:s16], [sflag:$0x4], $0x80, v4, vm0, $0xb8;
	[tilespmem:$0x18500] =	vst v63  }
0xea: {  	s26 =	simm.s32 $0xD00;
	v3 =	vadd.s32 v1, v3  }
0xeb: {  	[hbm4b:s10+s3] =	stream.indirect_vreg.scatter [tilespmem:s26], [sflag:$0x4], $0x80, v4, vm0, $0xb8;
	[tilespmem:$0x18500] =	vst v63  }
0xec: {  	s18 =	simm.s32 $0x1500  }
0xed: {  	[hbm4b:s11+s3] =	stream.indirect_vreg.scatter [tilespmem:s18], [sflag:$0x4], $0x80, v4, vm0, $0xb8;
	[tilespmem:$0x18500] =	vst v63  }
0xee: {  	s19 =	simm.s32 $0x1D00  }
0xef: {  	[hbm4b:s4+s3] =	stream.indirect_vreg.scatter [tilespmem:s19], [sflag:$0x4], $0x80, v3, vm0, $0xb8;
	[tilespmem:$0x18500] =	vst v63  }
0xf0: {  	s20 =	simm.s32 $0x2500  }
0xf1: {  	[hbm4b:s10+s3] =	stream.indirect_vreg.scatter [tilespmem:s20], [sflag:$0x4], $0x80, v3, vm0, $0xb8;
	[tilespmem:$0x18500] =	vst v63  }
0xf2: {  	s21 =	simm.s32 $0x2D00  }
0xf3: {  	[hbm4b:s11+s3] =	stream.indirect_vreg.scatter [tilespmem:s21], [sflag:$0x4], $0x80, v3, vm0, $0xb8;
	[tilespmem:$0x18500] =	vst v63  }
0xf4: {  	v3 =	vld [tilespmem:$0x110];
	_ =	sdelay $0x4  }
0xf5: {  	v41 =	vshrl.u32 v3, $0x3  }
0xf6: {  	v4 =	vmul.u32 $0x30, v41  }
0xf7: {  	v3 =	vand.u32 $0x7, v3  }
0xf8: {  	v3 =	vor.u32 v3, v4  }
0xf9: {  	v4 =	vperm.xlane v3, v0;
	_ =	sdelay $0x1  }
0xfa: {  	v4 =	vadd.s32 v1, v4;
	_ =	sdelay $0x3  }
0xfb: {  	s28 =	simm.s32 $0x3500;
	v3 =	vperm.xlane v3, v2  }
0xfc: {  	[hbm4b:s4+s3] =	stream.indirect_vreg.scatter [tilespmem:s28], [sflag:$0x4], $0x80, v4, vm0, $0xb8;
	[tilespmem:$0x18500] =	vst v63  }
0xfd: {  	s29 =	simm.s32 $0x3D00;
	v3 =	vadd.s32 v1, v3  }
0xfe: {  	[hbm4b:s10+s3] =	stream.indirect_vreg.scatter [tilespmem:s29], [sflag:$0x4], $0x80, v4, vm0, $0xb8;
	[tilespmem:$0x18500] =	vst v63  }
0xff: {  	s30 =	simm.s32 $0x4500  }
0x100: {  	[hbm4b:s11+s3] =	stream.indirect_vreg.scatter [tilespmem:s30], [sflag:$0x4], $0x80, v4, vm0, $0xb8;
	[tilespmem:$0x18500] =	vst v63  }
0x101: {  	s31 =	simm.s32 $0x4D00  }
0x102: {  	[hbm4b:s4+s3] =	stream.indirect_vreg.scatter [tilespmem:s31], [sflag:$0x4], $0x80, v3, vm0, $0xb8;
	[tilespmem:$0x18500] =	vst v63  }
0x103: {  	s22 =	simm.s32 $0x5500  }
0x104: {  	[hbm4b:s10+s3] =	stream.indirect_vreg.scatter [tilespmem:s22], [sflag:$0x4], $0x80, v3, vm0, $0xb8;
	[tilespmem:$0x18500] =	vst v63  }
0x105: {  	s25 =	simm.s32 $0x5D00  }
0x106: {  	[hbm4b:s11+s3] =	stream.indirect_vreg.scatter [tilespmem:s25], [sflag:$0x4], $0x80, v3, vm0, $0xb8;
	[tilespmem:$0x18500] =	vst v63  }
0x107: {  	v3 =	vld [tilespmem:$0x120];
	_ =	sdelay $0x4  }
0x108: {  	v42 =	vshrl.u32 v3, $0x3  }
0x109: {  	v4 =	vmul.u32 $0x30, v42  }
0x10a: {  	v3 =	vand.u32 $0x7, v3  }
0x10b: {  	v3 =	vor.u32 v3, v4  }
0x10c: {  	v4 =	vperm.xlane v3, v0;
	_ =	sdelay $0x1  }
0x10d: {  	v4 =	vadd.s32 v1, v4;
	_ =	sdelay $0x3  }
0x10e: {  	s24 =	simm.s32 $0x6500;
	v3 =	vperm.xlane v3, v2  }
0x10f: {  	[hbm4b:s4+s3] =	stream.indirect_vreg.scatter [tilespmem:s24], [sflag:$0x4], $0x80, v4, vm0, $0xb8;
	[tilespmem:$0x18500] =	vst v63  }
0x110: {  	s18 =	simm.s32 $0x6D00;
	v3 =	vadd.s32 v1, v3  }
0x111: {  	[hbm4b:s10+s3] =	stream.indirect_vreg.scatter [tilespmem:s18], [sflag:$0x4], $0x80, v4, vm0, $0xb8;
	[tilespmem:$0x18500] =	vst v63  }
0x112: {  	s19 =	simm.s32 $0x7500  }
0x113: {  	[hbm4b:s11+s3] =	stream.indirect_vreg.scatter [tilespmem:s19], [sflag:$0x4], $0x80, v4, vm0, $0xb8;
	[tilespmem:$0x18500] =	vst v63  }
0x114: {  	s20 =	simm.s32 $0x7D00  }
0x115: {  	[hbm4b:s4+s3] =	stream.indirect_vreg.scatter [tilespmem:s20], [sflag:$0x4], $0x80, v3, vm0, $0xb8;
	[tilespmem:$0x18500] =	vst v63  }
0x116: {  	s23 =	simm.s32 $0x8500  }
0x117: {  	[hbm4b:s10+s3] =	stream.indirect_vreg.scatter [tilespmem:s23], [sflag:$0x4], $0x80, v3, vm0, $0xb8;
	[tilespmem:$0x18500] =	vst v63  }
0x118: {  	s21 =	simm.s32 $0x8D00  }
0x119: {  	[hbm4b:s11+s3] =	stream.indirect_vreg.scatter [tilespmem:s21], [sflag:$0x4], $0x80, v3, vm0, $0xb8;
	[tilespmem:$0x18500] =	vst v63  }
0x11a: {  	v3 =	vld [tilespmem:$0x130];
	_ =	sdelay $0x4  }
0x11b: {  	v43 =	vshrl.u32 v3, $0x3  }
0x11c: {  	v4 =	vmul.u32 $0x30, v43  }
0x11d: {  	v3 =	vand.u32 $0x7, v3  }
0x11e: {  	v3 =	vor.u32 v3, v4  }
0x11f: {  	v4 =	vperm.xlane v3, v0;
	_ =	sdelay $0x1  }
0x120: {  	v4 =	vadd.s32 v1, v4;
	_ =	sdelay $0x3  }
0x121: {  	s22 =	simm.s32 $0x9500;
	v3 =	vperm.xlane v3, v2  }
0x122: {  	[hbm4b:s4+s3] =	stream.indirect_vreg.scatter [tilespmem:s22], [sflag:$0x4], $0x80, v4, vm0, $0xb8;
	[tilespmem:$0x18500] =	vst v63  }
0x123: {  	s1 =	simm.s32 $0x9D00;
	v3 =	vadd.s32 v1, v3  }
0x124: {  	[hbm4b:s10+s3] =	stream.indirect_vreg.scatter [tilespmem:s1], [sflag:$0x4], $0x80, v4, vm0, $0xb8;
	[tilespmem:$0x18500] =	vst v63  }
0x125: {  	s2 =	simm.s32 $0xA500  }
0x126: {  	[hbm4b:s11+s3] =	stream.indirect_vreg.scatter [tilespmem:s2], [sflag:$0x4], $0x80, v4, vm0, $0xb8;
	[tilespmem:$0x18500] =	vst v63  }
0x127: {  	s5 =	simm.s32 $0xAD00  }
0x128: {  	[hbm4b:s4+s3] =	stream.indirect_vreg.scatter [tilespmem:s5], [sflag:$0x4], $0x80, v3, vm0, $0xb8;
	[tilespmem:$0x18500] =	vst v63  }
0x129: {  	s16 =	simm.s32 $0xB500  }
0x12a: {  	[hbm4b:s10+s3] =	stream.indirect_vreg.scatter [tilespmem:s16], [sflag:$0x4], $0x80, v3, vm0, $0xb8;
	[tilespmem:$0x18500] =	vst v63  }
0x12b: {  	s23 =	simm.s32 $0xBD00  }
0x12c: {  	[hbm4b:s11+s3] =	stream.indirect_vreg.scatter [tilespmem:s23], [sflag:$0x4], $0x80, v3, vm0, $0xb8;
	[tilespmem:$0x18500] =	vst v63  }
0x12d: {  	v3 =	vld [tilespmem:$0x200];
	_ =	sdelay $0x4  }
0x12e: {  	v44 =	vshrl.u32 v3, $0x3  }
0x12f: {  	v4 =	vmul.u32 $0x30, v44  }
0x130: {  	v3 =	vand.u32 $0x7, v3  }
0x131: {  	v3 =	vor.u32 v3, v4  }
0x132: {  	v4 =	vperm.xlane v3, v0;
	_ =	sdelay $0x1  }
0x133: {  	v4 =	vadd.s32 v1, v4;
	_ =	sdelay $0x3  }
0x134: {  	s0 =	simm.s32 $0x500;
	v3 =	vperm.xlane v3, v2  }
0x135: {  	[hbm4b:s6+s3] =	stream.indirect_vreg.scatter [tilespmem:s0], [sflag:$0x4], $0x80, v4, vm0, $0xb8;
	[tilespmem:$0x18500] =	vst v63  }
0x136: {  	v3 =	vadd.s32 v1, v3  }
0x137: {  	[hbm4b:s12+s3] =	stream.indirect_vreg.scatter [tilespmem:s26], [sflag:$0x4], $0x80, v4, vm0, $0xb8;
	[tilespmem:$0x18500] =	vst v63  }
0x138: {  	s0 =	simm.s32 $0x1500  }
0x139: {  	[hbm4b:s13+s3] =	stream.indirect_vreg.scatter [tilespmem:s0], [sflag:$0x4], $0x80, v4, vm0, $0xb8;
	[tilespmem:$0x18500] =	vst v63  }
0x13a: {  	s0 =	simm.s32 $0x1D00  }
0x13b: {  	[hbm4b:s6+s3] =	stream.indirect_vreg.scatter [tilespmem:s0], [sflag:$0x4], $0x80, v3, vm0, $0xb8;
	[tilespmem:$0x18500] =	vst v63  }
0x13c: {  	s0 =	simm.s32 $0x2500  }
0x13d: {  	[hbm4b:s12+s3] =	stream.indirect_vreg.scatter [tilespmem:s0], [sflag:$0x4], $0x80, v3, vm0, $0xb8;
	[tilespmem:$0x18500] =	vst v63  }
0x13e: {  	s0 =	simm.s32 $0x2D00  }
0x13f: {  	[hbm4b:s13+s3] =	stream.indirect_vreg.scatter [tilespmem:s0], [sflag:$0x4], $0x80, v3, vm0, $0xb8;
	[tilespmem:$0x18500] =	vst v63  }
0x140: {  	v3 =	vld [tilespmem:$0x210];
	_ =	sdelay $0x4  }
0x141: {  	v45 =	vshrl.u32 v3, $0x3  }
0x142: {  	v4 =	vmul.u32 $0x30, v45  }
0x143: {  	v3 =	vand.u32 $0x7, v3  }
0x144: {  	v3 =	vor.u32 v3, v4  }
0x145: {  	v4 =	vperm.xlane v3, v0;
	_ =	sdelay $0x1  }
0x146: {  	v4 =	vadd.s32 v1, v4;
	_ =	sdelay $0x3  }
0x147: {  	v3 =	vperm.xlane v3, v2  }
0x148: {  	[hbm4b:s6+s3] =	stream.indirect_vreg.scatter [tilespmem:s28], [sflag:$0x4], $0x80, v4, vm0, $0xb8;
	[tilespmem:$0x18500] =	vst v63  }
0x149: {  	v3 =	vadd.s32 v1, v3  }
0x14a: {  	[hbm4b:s12+s3] =	stream.indirect_vreg.scatter [tilespmem:s29], [sflag:$0x4], $0x80, v4, vm0, $0xb8;
	[tilespmem:$0x18500] =	vst v63  }
0x14b: {  	_ = 	snop  }
0x14c: {  	[hbm4b:s13+s3] =	stream.indirect_vreg.scatter [tilespmem:s30], [sflag:$0x4], $0x80, v4, vm0, $0xb8;
	[tilespmem:$0x18500] =	vst v63  }
0x14d: {  	_ = 	snop  }
0x14e: {  	[hbm4b:s6+s3] =	stream.indirect_vreg.scatter [tilespmem:s31], [sflag:$0x4], $0x80, v3, vm0, $0xb8;
	[tilespmem:$0x18500] =	vst v63  }
0x14f: {  	s0 =	simm.s32 $0x5500  }
0x150: {  	[hbm4b:s12+s3] =	stream.indirect_vreg.scatter [tilespmem:s0], [sflag:$0x4], $0x80, v3, vm0, $0xb8;
	[tilespmem:$0x18500] =	vst v63  }
0x151: {  	_ = 	snop  }
0x152: {  	[hbm4b:s13+s3] =	stream.indirect_vreg.scatter [tilespmem:s25], [sflag:$0x4], $0x80, v3, vm0, $0xb8;
	[tilespmem:$0x18500] =	vst v63  }
0x153: {  	v3 =	vld [tilespmem:$0x220];
	_ =	sdelay $0x4  }
0x154: {  	v46 =	vshrl.u32 v3, $0x3  }
0x155: {  	v4 =	vmul.u32 $0x30, v46  }
0x156: {  	v3 =	vand.u32 $0x7, v3  }
0x157: {  	v3 =	vor.u32 v3, v4  }
0x158: {  	v4 =	vperm.xlane v3, v0;
	_ =	sdelay $0x1  }
0x159: {  	v4 =	vadd.s32 v1, v4;
	_ =	sdelay $0x3  }
0x15a: {  	v3 =	vperm.xlane v3, v2  }
0x15b: {  	[hbm4b:s6+s3] =	stream.indirect_vreg.scatter [tilespmem:s24], [sflag:$0x4], $0x80, v4, vm0, $0xb8;
	[tilespmem:$0x18500] =	vst v63  }
0x15c: {  	v3 =	vadd.s32 v1, v3  }
0x15d: {  	[hbm4b:s12+s3] =	stream.indirect_vreg.scatter [tilespmem:s18], [sflag:$0x4], $0x80, v4, vm0, $0xb8;
	[tilespmem:$0x18500] =	vst v63  }
0x15e: {  	_ = 	snop  }
0x15f: {  	[hbm4b:s13+s3] =	stream.indirect_vreg.scatter [tilespmem:s19], [sflag:$0x4], $0x80, v4, vm0, $0xb8;
	[tilespmem:$0x18500] =	vst v63  }
0x160: {  	_ = 	snop  }
0x161: {  	[hbm4b:s6+s3] =	stream.indirect_vreg.scatter [tilespmem:s20], [sflag:$0x4], $0x80, v3, vm0, $0xb8;
	[tilespmem:$0x18500] =	vst v63  }
0x162: {  	s0 =	simm.s32 $0x8500  }
0x163: {  	[hbm4b:s12+s3] =	stream.indirect_vreg.scatter [tilespmem:s0], [sflag:$0x4], $0x80, v3, vm0, $0xb8;
	[tilespmem:$0x18500] =	vst v63  }
0x164: {  	_ = 	snop  }
0x165: {  	[hbm4b:s13+s3] =	stream.indirect_vreg.scatter [tilespmem:s21], [sflag:$0x4], $0x80, v3, vm0, $0xb8;
	[tilespmem:$0x18500] =	vst v63  }
0x166: {  	v3 =	vld [tilespmem:$0x230];
	_ =	sdelay $0x4  }
0x167: {  	v47 =	vshrl.u32 v3, $0x3  }
0x168: {  	v4 =	vmul.u32 $0x30, v47  }
0x169: {  	v3 =	vand.u32 $0x7, v3  }
0x16a: {  	v3 =	vor.u32 v3, v4  }
0x16b: {  	v4 =	vperm.xlane v3, v0;
	_ =	sdelay $0x1  }
0x16c: {  	v4 =	vadd.s32 v1, v4;
	_ =	sdelay $0x3  }
0x16d: {  	v3 =	vperm.xlane v3, v2  }
0x16e: {  	[hbm4b:s6+s3] =	stream.indirect_vreg.scatter [tilespmem:s22], [sflag:$0x4], $0x80, v4, vm0, $0xb8;
	[tilespmem:$0x18500] =	vst v63  }
0x16f: {  	v3 =	vadd.s32 v1, v3  }
0x170: {  	[hbm4b:s12+s3] =	stream.indirect_vreg.scatter [tilespmem:s1], [sflag:$0x4], $0x80, v4, vm0, $0xb8;
	[tilespmem:$0x18500] =	vst v63  }
0x171: {  	_ = 	snop  }
0x172: {  	[hbm4b:s13+s3] =	stream.indirect_vreg.scatter [tilespmem:s2], [sflag:$0x4], $0x80, v4, vm0, $0xb8;
	[tilespmem:$0x18500] =	vst v63  }
0x173: {  	_ = 	snop  }
0x174: {  	[hbm4b:s6+s3] =	stream.indirect_vreg.scatter [tilespmem:s5], [sflag:$0x4], $0x80, v3, vm0, $0xb8;
	[tilespmem:$0x18500] =	vst v63  }
0x175: {  	_ = 	snop  }
0x176: {  	[hbm4b:s12+s3] =	stream.indirect_vreg.scatter [tilespmem:s16], [sflag:$0x4], $0x80, v3, vm0, $0xb8;
	[tilespmem:$0x18500] =	vst v63  }
0x177: {  	_ = 	snop  }
0x178: {  	[hbm4b:s13+s3] =	stream.indirect_vreg.scatter [tilespmem:s23], [sflag:$0x4], $0x80, v3, vm0, $0xb8;
	[tilespmem:$0x18500] =	vst v63  }
0x179: {  	v3 =	vld [tilespmem:$0x300];
	_ =	sdelay $0x4  }
0x17a: {  	v48 =	vshrl.u32 v3, $0x3  }
0x17b: {  	v4 =	vmul.u32 $0x30, v48  }
0x17c: {  	v3 =	vand.u32 $0x7, v3  }
0x17d: {  	v3 =	vor.u32 v3, v4  }
0x17e: {  	v4 =	vperm.xlane v3, v0;
	_ =	sdelay $0x1  }
0x17f: {  	v4 =	vadd.s32 v1, v4;
	_ =	sdelay $0x3  }
0x180: {  	s0 =	simm.s32 $0x500;
	v3 =	vperm.xlane v3, v2  }
0x181: {  	[hbm4b:s7+s3] =	stream.indirect_vreg.scatter [tilespmem:s0], [sflag:$0x4], $0x80, v4, vm0, $0xb8;
	[tilespmem:$0x18500] =	vst v63  }
0x182: {  	v3 =	vadd.s32 v1, v3;
	s0 =	simm.s32 $0xD00  }
0x183: {  	[hbm4b:s14+s3] =	stream.indirect_vreg.scatter [tilespmem:s0], [sflag:$0x4], $0x80, v4, vm0, $0xb8;
	[tilespmem:$0x18500] =	vst v63  }
0x184: {  	s0 =	simm.s32 $0x1500  }
0x185: {  	[hbm4b:s15+s3] =	stream.indirect_vreg.scatter [tilespmem:s0], [sflag:$0x4], $0x80, v4, vm0, $0xb8;
	[tilespmem:$0x18500] =	vst v63  }
0x186: {  	s0 =	simm.s32 $0x1D00  }
0x187: {  	[hbm4b:s7+s3] =	stream.indirect_vreg.scatter [tilespmem:s0], [sflag:$0x4], $0x80, v3, vm0, $0xb8;
	[tilespmem:$0x18500] =	vst v63  }
0x188: {  	s0 =	simm.s32 $0x2500  }
0x189: {  	[hbm4b:s14+s3] =	stream.indirect_vreg.scatter [tilespmem:s0], [sflag:$0x4], $0x80, v3, vm0, $0xb8;
	[tilespmem:$0x18500] =	vst v63  }
0x18a: {  	s0 =	simm.s32 $0x2D00  }
0x18b: {  	[hbm4b:s15+s3] =	stream.indirect_vreg.scatter [tilespmem:s0], [sflag:$0x4], $0x80, v3, vm0, $0xb8;
	[tilespmem:$0x18500] =	vst v63  }
0x18c: {  	v3 =	vld [tilespmem:$0x310];
	_ =	sdelay $0x4  }
0x18d: {  	v49 =	vshrl.u32 v3, $0x3  }
0x18e: {  	v4 =	vmul.u32 $0x30, v49  }
0x18f: {  	v3 =	vand.u32 $0x7, v3  }
0x190: {  	v3 =	vor.u32 v3, v4  }
0x191: {  	v4 =	vperm.xlane v3, v0;
	_ =	sdelay $0x1  }
0x192: {  	v4 =	vadd.s32 v1, v4;
	_ =	sdelay $0x3  }
0x193: {  	s28 =	simm.s32 $0x3500;
	v3 =	vperm.xlane v3, v2  }
0x194: {  	[hbm4b:s7+s3] =	stream.indirect_vreg.scatter [tilespmem:s28], [sflag:$0x4], $0x80, v4, vm0, $0xb8;
	[tilespmem:$0x18500] =	vst v63  }
0x195: {  	s29 =	simm.s32 $0x3D00;
	v3 =	vadd.s32 v1, v3  }
0x196: {  	[hbm4b:s14+s3] =	stream.indirect_vreg.scatter [tilespmem:s29], [sflag:$0x4], $0x80, v4, vm0, $0xb8;
	[tilespmem:$0x18500] =	vst v63  }
0x197: {  	s30 =	simm.s32 $0x4500  }
0x198: {  	[hbm4b:s15+s3] =	stream.indirect_vreg.scatter [tilespmem:s30], [sflag:$0x4], $0x80, v4, vm0, $0xb8;
	[tilespmem:$0x18500] =	vst v63  }
0x199: {  	s31 =	simm.s32 $0x4D00  }
0x19a: {  	[hbm4b:s7+s3] =	stream.indirect_vreg.scatter [tilespmem:s31], [sflag:$0x4], $0x80, v3, vm0, $0xb8;
	[tilespmem:$0x18500] =	vst v63  }
0x19b: {  	s26 =	simm.s32 $0x5500  }
0x19c: {  	[hbm4b:s14+s3] =	stream.indirect_vreg.scatter [tilespmem:s26], [sflag:$0x4], $0x80, v3, vm0, $0xb8;
	[tilespmem:$0x18500] =	vst v63  }
0x19d: {  	s25 =	simm.s32 $0x5D00  }
0x19e: {  	[hbm4b:s15+s3] =	stream.indirect_vreg.scatter [tilespmem:s25], [sflag:$0x4], $0x80, v3, vm0, $0xb8;
	[tilespmem:$0x18500] =	vst v63  }
0x19f: {  	v3 =	vld [tilespmem:$0x320];
	_ =	sdelay $0x4  }
0x1a0: {  	v50 =	vshrl.u32 v3, $0x3  }
0x1a1: {  	v4 =	vmul.u32 $0x30, v50  }
0x1a2: {  	v3 =	vand.u32 $0x7, v3  }
0x1a3: {  	v3 =	vor.u32 v3, v4  }
0x1a4: {  	v4 =	vperm.xlane v3, v0;
	_ =	sdelay $0x1  }
0x1a5: {  	v4 =	vadd.s32 v1, v4;
	_ =	sdelay $0x3  }
0x1a6: {  	s24 =	simm.s32 $0x6500;
	v3 =	vperm.xlane v3, v2  }
0x1a7: {  	[hbm4b:s7+s3] =	stream.indirect_vreg.scatter [tilespmem:s24], [sflag:$0x4], $0x80, v4, vm0, $0xb8;
	[tilespmem:$0x18500] =	vst v63  }
0x1a8: {  	s18 =	simm.s32 $0x6D00;
	v3 =	vadd.s32 v1, v3  }
0x1a9: {  	[hbm4b:s14+s3] =	stream.indirect_vreg.scatter [tilespmem:s18], [sflag:$0x4], $0x80, v4, vm0, $0xb8;
	[tilespmem:$0x18500] =	vst v63  }
0x1aa: {  	s19 =	simm.s32 $0x7500  }
0x1ab: {  	[hbm4b:s15+s3] =	stream.indirect_vreg.scatter [tilespmem:s19], [sflag:$0x4], $0x80, v4, vm0, $0xb8;
	[tilespmem:$0x18500] =	vst v63  }
0x1ac: {  	s20 =	simm.s32 $0x7D00  }
0x1ad: {  	[hbm4b:s7+s3] =	stream.indirect_vreg.scatter [tilespmem:s20], [sflag:$0x4], $0x80, v3, vm0, $0xb8;
	[tilespmem:$0x18500] =	vst v63  }
0x1ae: {  	s20 =	simm.s32 $0x8500  }
0x1af: {  	[hbm4b:s14+s3] =	stream.indirect_vreg.scatter [tilespmem:s20], [sflag:$0x4], $0x80, v3, vm0, $0xb8;
	[tilespmem:$0x18500] =	vst v63  }
0x1b0: {  	s21 =	simm.s32 $0x8D00  }
0x1b1: {  	[hbm4b:s15+s3] =	stream.indirect_vreg.scatter [tilespmem:s21], [sflag:$0x4], $0x80, v3, vm0, $0xb8;
	[tilespmem:$0x18500] =	vst v63  }
0x1b2: {  	v3 =	vld [tilespmem:$0x330];
	_ =	sdelay $0x4  }
0x1b3: {  	v51 =	vshrl.u32 v3, $0x3  }
0x1b4: {  	v4 =	vmul.u32 $0x30, v51  }
0x1b5: {  	v3 =	vand.u32 $0x7, v3  }
0x1b6: {  	v3 =	vor.u32 v3, v4  }
0x1b7: {  	v4 =	vperm.xlane v3, v0;
	_ =	sdelay $0x1  }
0x1b8: {  	v4 =	vadd.s32 v1, v4;
	_ =	sdelay $0x3  }
0x1b9: {  	s22 =	simm.s32 $0x9500;
	v3 =	vperm.xlane v3, v2  }
0x1ba: {  	[hbm4b:s7+s3] =	stream.indirect_vreg.scatter [tilespmem:s22], [sflag:$0x4], $0x80, v4, vm0, $0xb8;
	[tilespmem:$0x18500] =	vst v63  }
0x1bb: {  	s1 =	simm.s32 $0x9D00;
	v3 =	vadd.s32 v1, v3  }
0x1bc: {  	[hbm4b:s14+s3] =	stream.indirect_vreg.scatter [tilespmem:s1], [sflag:$0x4], $0x80, v4, vm0, $0xb8;
	[tilespmem:$0x18500] =	vst v63  }
0x1bd: {  	s2 =	simm.s32 $0xA500  }
0x1be: {  	[hbm4b:s15+s3] =	stream.indirect_vreg.scatter [tilespmem:s2], [sflag:$0x4], $0x80, v4, vm0, $0xb8;
	[tilespmem:$0x18500] =	vst v63  }
0x1bf: {  	s5 =	simm.s32 $0xAD00  }
0x1c0: {  	[hbm4b:s7+s3] =	stream.indirect_vreg.scatter [tilespmem:s5], [sflag:$0x4], $0x80, v3, vm0, $0xb8;
	[tilespmem:$0x18500] =	vst v63  }
0x1c1: {  	s16 =	simm.s32 $0xB500  }
0x1c2: {  	[hbm4b:s14+s3] =	stream.indirect_vreg.scatter [tilespmem:s16], [sflag:$0x4], $0x80, v3, vm0, $0xb8;
	[tilespmem:$0x18500] =	vst v63  }
0x1c3: {  	s23 =	simm.s32 $0xBD00;
	s24 =	simm.s32 $0x3  }
0x1c4: {  	[hbm4b:s15+s3] =	stream.indirect_vreg.scatter [tilespmem:s23], [sflag:$0x4], $0x80, v3, vm0, $0xb8;
	[tilespmem:$0x18500] =	vst v63  }
0x1c5: {  	_ =	swait.ge [sflag:s24], $0xC000  }
0x1c6: {  	[sflag:s24] =	ssyncset.done $0x0  }
0x1c7: {  	[sflag:s24] =	ssyncadd.s32 $0xFFFF4000  }
0x1c8: {  	v3 =	vld [tilespmem:$0x180];
	_ =	sdelay $0x4  }
0x1c9: {  	v52 =	vshrl.u32 v3, $0x3  }
0x1ca: {  	v4 =	vmul.u32 $0x30, v52  }
0x1cb: {  	v3 =	vand.u32 $0x7, v3  }
0x1cc: {  	v3 =	vor.u32 v3, v4  }
0x1cd: {  	v4 =	vperm.xlane v3, v0;
	_ =	sdelay $0x1  }
0x1ce: {  	v4 =	vadd.s32 v1, v4;
	_ =	sdelay $0x3  }
0x1cf: {  	s1 =	simm.s32 $0xC500;
	v3 =	vperm.xlane v3, v2  }
0x1d0: {  	[hbm4b:s4+s3] =	stream.indirect_vreg.scatter [tilespmem:s1], [sflag:$0x5], $0x80, v4, vm0, $0xb8;
	[tilespmem:$0x18500] =	vst v63  }
0x1d1: {  	s0 =	simm.s32 $0xCD00;
	v3 =	vadd.s32 v1, v3  }
0x1d2: {  	[hbm4b:s10+s3] =	stream.indirect_vreg.scatter [tilespmem:s0], [sflag:$0x5], $0x80, v4, vm0, $0xb8;
	[tilespmem:$0x18500] =	vst v63  }
0x1d3: {  	s2 =	simm.s32 $0xD500  }
0x1d4: {  	[hbm4b:s11+s3] =	stream.indirect_vreg.scatter [tilespmem:s2], [sflag:$0x5], $0x80, v4, vm0, $0xb8;
	[tilespmem:$0x18500] =	vst v63  }
0x1d5: {  	s5 =	simm.s32 $0xDD00  }
0x1d6: {  	[hbm4b:s4+s3] =	stream.indirect_vreg.scatter [tilespmem:s5], [sflag:$0x5], $0x80, v3, vm0, $0xb8;
	[tilespmem:$0x18500] =	vst v63  }
0x1d7: {  	s18 =	simm.s32 $0xE500  }
0x1d8: {  	[hbm4b:s10+s3] =	stream.indirect_vreg.scatter [tilespmem:s18], [sflag:$0x5], $0x80, v3, vm0, $0xb8;
	[tilespmem:$0x18500] =	vst v63  }
0x1d9: {  	s25 =	simm.s32 $0xED00  }
0x1da: {  	[hbm4b:s11+s3] =	stream.indirect_vreg.scatter [tilespmem:s25], [sflag:$0x5], $0x80, v3, vm0, $0xb8;
	[tilespmem:$0x18500] =	vst v63  }
0x1db: {  	v3 =	vld [tilespmem:$0x190];
	_ =	sdelay $0x4  }
0x1dc: {  	v53 =	vshrl.u32 v3, $0x3  }
0x1dd: {  	v4 =	vmul.u32 $0x30, v53  }
0x1de: {  	v3 =	vand.u32 $0x7, v3  }
0x1df: {  	v3 =	vor.u32 v3, v4  }
0x1e0: {  	v4 =	vperm.xlane v3, v0;
	_ =	sdelay $0x1  }
0x1e1: {  	v4 =	vadd.s32 v1, v4;
	_ =	sdelay $0x3  }
0x1e2: {  	s26 =	simm.s32 $0xF500;
	v3 =	vperm.xlane v3, v2  }
0x1e3: {  	[hbm4b:s4+s3] =	stream.indirect_vreg.scatter [tilespmem:s26], [sflag:$0x5], $0x80, v4, vm0, $0xb8;
	[tilespmem:$0x18500] =	vst v63  }
0x1e4: {  	s19 =	simm.s32 $0xFD00;
	v3 =	vadd.s32 v1, v3  }
0x1e5: {  	[hbm4b:s10+s3] =	stream.indirect_vreg.scatter [tilespmem:s19], [sflag:$0x5], $0x80, v4, vm0, $0xb8;
	[tilespmem:$0x18500] =	vst v63  }
0x1e6: {  	s20 =	simm.s32 $0x10500  }
0x1e7: {  	[hbm4b:s11+s3] =	stream.indirect_vreg.scatter [tilespmem:s20], [sflag:$0x5], $0x80, v4, vm0, $0xb8;
	[tilespmem:$0x18500] =	vst v63  }
0x1e8: {  	s21 =	simm.s32 $0x10D00  }
0x1e9: {  	[hbm4b:s4+s3] =	stream.indirect_vreg.scatter [tilespmem:s21], [sflag:$0x5], $0x80, v3, vm0, $0xb8;
	[tilespmem:$0x18500] =	vst v63  }
0x1ea: {  	s22 =	simm.s32 $0x11500  }
0x1eb: {  	[hbm4b:s10+s3] =	stream.indirect_vreg.scatter [tilespmem:s22], [sflag:$0x5], $0x80, v3, vm0, $0xb8;
	[tilespmem:$0x18500] =	vst v63  }
0x1ec: {  	s28 =	simm.s32 $0x11D00  }
0x1ed: {  	[hbm4b:s11+s3] =	stream.indirect_vreg.scatter [tilespmem:s28], [sflag:$0x5], $0x80, v3, vm0, $0xb8;
	[tilespmem:$0x18500] =	vst v63  }
0x1ee: {  	v3 =	vld [tilespmem:$0x1A0];
	_ =	sdelay $0x4  }
0x1ef: {  	v54 =	vshrl.u32 v3, $0x3  }
0x1f0: {  	v4 =	vmul.u32 $0x30, v54  }
0x1f1: {  	v3 =	vand.u32 $0x7, v3  }
0x1f2: {  	v3 =	vor.u32 v3, v4  }
0x1f3: {  	v4 =	vperm.xlane v3, v0;
	_ =	sdelay $0x1  }
0x1f4: {  	v4 =	vadd.s32 v1, v4;
	_ =	sdelay $0x3  }
0x1f5: {  	s29 =	simm.s32 $0x12500;
	v3 =	vperm.xlane v3, v2  }
0x1f6: {  	[hbm4b:s4+s3] =	stream.indirect_vreg.scatter [tilespmem:s29], [sflag:$0x5], $0x80, v4, vm0, $0xb8;
	[tilespmem:$0x18500] =	vst v63  }
0x1f7: {  	s23 =	simm.s32 $0x12D00;
	v3 =	vadd.s32 v1, v3  }
0x1f8: {  	[hbm4b:s10+s3] =	stream.indirect_vreg.scatter [tilespmem:s23], [sflag:$0x5], $0x80, v4, vm0, $0xb8;
	[tilespmem:$0x18500] =	vst v63  }
0x1f9: {  	s24 =	simm.s32 $0x13500  }
0x1fa: {  	[hbm4b:s11+s3] =	stream.indirect_vreg.scatter [tilespmem:s24], [sflag:$0x5], $0x80, v4, vm0, $0xb8;
	[tilespmem:$0x18500] =	vst v63  }
0x1fb: {  	s25 =	simm.s32 $0x13D00  }
0x1fc: {  	[hbm4b:s4+s3] =	stream.indirect_vreg.scatter [tilespmem:s25], [sflag:$0x5], $0x80, v3, vm0, $0xb8;
	[tilespmem:$0x18500] =	vst v63  }
0x1fd: {  	s26 =	simm.s32 $0x14500  }
0x1fe: {  	[hbm4b:s10+s3] =	stream.indirect_vreg.scatter [tilespmem:s26], [sflag:$0x5], $0x80, v3, vm0, $0xb8;
	[tilespmem:$0x18500] =	vst v63  }
0x1ff: {  	s30 =	simm.s32 $0x14D00  }
0x200: {  	[hbm4b:s11+s3] =	stream.indirect_vreg.scatter [tilespmem:s30], [sflag:$0x5], $0x80, v3, vm0, $0xb8;
	[tilespmem:$0x18500] =	vst v63  }
0x201: {  	v3 =	vld [tilespmem:$0x1B0];
	_ =	sdelay $0x4  }
0x202: {  	v55 =	vshrl.u32 v3, $0x3  }
0x203: {  	v4 =	vmul.u32 $0x30, v55  }
0x204: {  	v3 =	vand.u32 $0x7, v3  }
0x205: {  	v3 =	vor.u32 v3, v4  }
0x206: {  	v4 =	vperm.xlane v3, v0;
	_ =	sdelay $0x1  }
0x207: {  	v4 =	vadd.s32 v1, v4;
	_ =	sdelay $0x3  }
0x208: {  	s31 =	simm.s32 $0x15500;
	v3 =	vperm.xlane v3, v2  }
0x209: {  	[hbm4b:s4+s3] =	stream.indirect_vreg.scatter [tilespmem:s31], [sflag:$0x5], $0x80, v4, vm0, $0xb8;
	[tilespmem:$0x18500] =	vst v63  }
0x20a: {  	s28 =	simm.s32 $0x15D00;
	v3 =	vadd.s32 v1, v3  }
0x20b: {  	[hbm4b:s10+s3] =	stream.indirect_vreg.scatter [tilespmem:s28], [sflag:$0x5], $0x80, v4, vm0, $0xb8;
	[tilespmem:$0x18500] =	vst v63  }
0x20c: {  	s29 =	simm.s32 $0x16500  }
0x20d: {  	[hbm4b:s11+s3] =	stream.indirect_vreg.scatter [tilespmem:s29], [sflag:$0x5], $0x80, v4, vm0, $0xb8;
	[tilespmem:$0x18500] =	vst v63  }
0x20e: {  	s30 =	simm.s32 $0x16D00  }
0x20f: {  	[hbm4b:s4+s3] =	stream.indirect_vreg.scatter [tilespmem:s30], [sflag:$0x5], $0x80, v3, vm0, $0xb8;
	[tilespmem:$0x18500] =	vst v63  }
0x210: {  	s31 =	simm.s32 $0x17500  }
0x211: {  	[hbm4b:s10+s3] =	stream.indirect_vreg.scatter [tilespmem:s31], [sflag:$0x5], $0x80, v3, vm0, $0xb8;
	[tilespmem:$0x18500] =	vst v63  }
0x212: {  	s16 =	simm.s32 $0x17D00  }
0x213: {  	[hbm4b:s11+s3] =	stream.indirect_vreg.scatter [tilespmem:s16], [sflag:$0x5], $0x80, v3, vm0, $0xb8;
	[tilespmem:$0x18500] =	vst v63  }
0x214: {  	v3 =	vld [tilespmem:$0x280];
	_ =	sdelay $0x4  }
0x215: {  	v56 =	vshrl.u32 v3, $0x3  }
0x216: {  	v4 =	vmul.u32 $0x30, v56  }
0x217: {  	v3 =	vand.u32 $0x7, v3  }
0x218: {  	v3 =	vor.u32 v3, v4  }
0x219: {  	v4 =	vperm.xlane v3, v0;
	_ =	sdelay $0x1  }
0x21a: {  	v4 =	vadd.s32 v1, v4;
	_ =	sdelay $0x3  }
0x21b: {  	v3 =	vperm.xlane v3, v2  }
0x21c: {  	[hbm4b:s6+s3] =	stream.indirect_vreg.scatter [tilespmem:s1], [sflag:$0x5], $0x80, v4, vm0, $0xb8;
	[tilespmem:$0x18500] =	vst v63  }
0x21d: {  	v3 =	vadd.s32 v1, v3  }
0x21e: {  	[hbm4b:s12+s3] =	stream.indirect_vreg.scatter [tilespmem:s0], [sflag:$0x5], $0x80, v4, vm0, $0xb8;
	[tilespmem:$0x18500] =	vst v63  }
0x21f: {  	_ = 	snop  }
0x220: {  	[hbm4b:s13+s3] =	stream.indirect_vreg.scatter [tilespmem:s2], [sflag:$0x5], $0x80, v4, vm0, $0xb8;
	[tilespmem:$0x18500] =	vst v63  }
0x221: {  	_ = 	snop  }
0x222: {  	[hbm4b:s6+s3] =	stream.indirect_vreg.scatter [tilespmem:s5], [sflag:$0x5], $0x80, v3, vm0, $0xb8;
	[tilespmem:$0x18500] =	vst v63  }
0x223: {  	_ = 	snop  }
0x224: {  	[hbm4b:s12+s3] =	stream.indirect_vreg.scatter [tilespmem:s18], [sflag:$0x5], $0x80, v3, vm0, $0xb8;
	[tilespmem:$0x18500] =	vst v63  }
0x225: {  	s0 =	simm.s32 $0xED00  }
0x226: {  	[hbm4b:s13+s3] =	stream.indirect_vreg.scatter [tilespmem:s0], [sflag:$0x5], $0x80, v3, vm0, $0xb8;
	[tilespmem:$0x18500] =	vst v63  }
0x227: {  	v3 =	vld [tilespmem:$0x290];
	_ =	sdelay $0x4  }
0x228: {  	v57 =	vshrl.u32 v3, $0x3  }
0x229: {  	v4 =	vmul.u32 $0x30, v57  }
0x22a: {  	v3 =	vand.u32 $0x7, v3  }
0x22b: {  	v3 =	vor.u32 v3, v4  }
0x22c: {  	v4 =	vperm.xlane v3, v0;
	_ =	sdelay $0x1  }
0x22d: {  	v4 =	vadd.s32 v1, v4;
	_ =	sdelay $0x3  }
0x22e: {  	s0 =	simm.s32 $0xF500;
	v3 =	vperm.xlane v3, v2  }
0x22f: {  	[hbm4b:s6+s3] =	stream.indirect_vreg.scatter [tilespmem:s0], [sflag:$0x5], $0x80, v4, vm0, $0xb8;
	[tilespmem:$0x18500] =	vst v63  }
0x230: {  	v3 =	vadd.s32 v1, v3  }
0x231: {  	[hbm4b:s12+s3] =	stream.indirect_vreg.scatter [tilespmem:s19], [sflag:$0x5], $0x80, v4, vm0, $0xb8;
	[tilespmem:$0x18500] =	vst v63  }
0x232: {  	_ = 	snop  }
0x233: {  	[hbm4b:s13+s3] =	stream.indirect_vreg.scatter [tilespmem:s20], [sflag:$0x5], $0x80, v4, vm0, $0xb8;
	[tilespmem:$0x18500] =	vst v63  }
0x234: {  	_ = 	snop  }
0x235: {  	[hbm4b:s6+s3] =	stream.indirect_vreg.scatter [tilespmem:s21], [sflag:$0x5], $0x80, v3, vm0, $0xb8;
	[tilespmem:$0x18500] =	vst v63  }
0x236: {  	_ = 	snop  }
0x237: {  	[hbm4b:s12+s3] =	stream.indirect_vreg.scatter [tilespmem:s22], [sflag:$0x5], $0x80, v3, vm0, $0xb8;
	[tilespmem:$0x18500] =	vst v63  }
0x238: {  	s0 =	simm.s32 $0x11D00  }
0x239: {  	[hbm4b:s13+s3] =	stream.indirect_vreg.scatter [tilespmem:s0], [sflag:$0x5], $0x80, v3, vm0, $0xb8;
	[tilespmem:$0x18500] =	vst v63  }
0x23a: {  	v3 =	vld [tilespmem:$0x2A0];
	_ =	sdelay $0x4  }
0x23b: {  	v58 =	vshrl.u32 v3, $0x3  }
0x23c: {  	v4 =	vmul.u32 $0x30, v58  }
0x23d: {  	v3 =	vand.u32 $0x7, v3  }
0x23e: {  	v3 =	vor.u32 v3, v4  }
0x23f: {  	v4 =	vperm.xlane v3, v0;
	_ =	sdelay $0x1  }
0x240: {  	v4 =	vadd.s32 v1, v4;
	_ =	sdelay $0x3  }
0x241: {  	s0 =	simm.s32 $0x12500;
	v3 =	vperm.xlane v3, v2  }
0x242: {  	[hbm4b:s6+s3] =	stream.indirect_vreg.scatter [tilespmem:s0], [sflag:$0x5], $0x80, v4, vm0, $0xb8;
	[tilespmem:$0x18500] =	vst v63  }
0x243: {  	v3 =	vadd.s32 v1, v3  }
0x244: {  	[hbm4b:s12+s3] =	stream.indirect_vreg.scatter [tilespmem:s23], [sflag:$0x5], $0x80, v4, vm0, $0xb8;
	[tilespmem:$0x18500] =	vst v63  }
0x245: {  	_ = 	snop  }
0x246: {  	[hbm4b:s13+s3] =	stream.indirect_vreg.scatter [tilespmem:s24], [sflag:$0x5], $0x80, v4, vm0, $0xb8;
	[tilespmem:$0x18500] =	vst v63  }
0x247: {  	_ = 	snop  }
0x248: {  	[hbm4b:s6+s3] =	stream.indirect_vreg.scatter [tilespmem:s25], [sflag:$0x5], $0x80, v3, vm0, $0xb8;
	[tilespmem:$0x18500] =	vst v63  }
0x249: {  	_ = 	snop  }
0x24a: {  	[hbm4b:s12+s3] =	stream.indirect_vreg.scatter [tilespmem:s26], [sflag:$0x5], $0x80, v3, vm0, $0xb8;
	[tilespmem:$0x18500] =	vst v63  }
0x24b: {  	s0 =	simm.s32 $0x14D00  }
0x24c: {  	[hbm4b:s13+s3] =	stream.indirect_vreg.scatter [tilespmem:s0], [sflag:$0x5], $0x80, v3, vm0, $0xb8;
	[tilespmem:$0x18500] =	vst v63  }
0x24d: {  	v3 =	vld [tilespmem:$0x2B0];
	_ =	sdelay $0x4  }
0x24e: {  	v59 =	vshrl.u32 v3, $0x3  }
0x24f: {  	v4 =	vmul.u32 $0x30, v59  }
0x250: {  	v3 =	vand.u32 $0x7, v3  }
0x251: {  	v3 =	vor.u32 v3, v4  }
0x252: {  	v4 =	vperm.xlane v3, v0;
	_ =	sdelay $0x1  }
0x253: {  	v4 =	vadd.s32 v1, v4;
	_ =	sdelay $0x3  }
0x254: {  	s0 =	simm.s32 $0x15500;
	v3 =	vperm.xlane v3, v2  }
0x255: {  	[hbm4b:s6+s3] =	stream.indirect_vreg.scatter [tilespmem:s0], [sflag:$0x5], $0x80, v4, vm0, $0xb8;
	[tilespmem:$0x18500] =	vst v63  }
0x256: {  	v3 =	vadd.s32 v1, v3  }
0x257: {  	[hbm4b:s12+s3] =	stream.indirect_vreg.scatter [tilespmem:s28], [sflag:$0x5], $0x80, v4, vm0, $0xb8;
	[tilespmem:$0x18500] =	vst v63  }
0x258: {  	_ = 	snop  }
0x259: {  	[hbm4b:s13+s3] =	stream.indirect_vreg.scatter [tilespmem:s29], [sflag:$0x5], $0x80, v4, vm0, $0xb8;
	[tilespmem:$0x18500] =	vst v63  }
0x25a: {  	_ = 	snop  }
0x25b: {  	[hbm4b:s6+s3] =	stream.indirect_vreg.scatter [tilespmem:s30], [sflag:$0x5], $0x80, v3, vm0, $0xb8;
	[tilespmem:$0x18500] =	vst v63  }
0x25c: {  	_ = 	snop  }
0x25d: {  	[hbm4b:s12+s3] =	stream.indirect_vreg.scatter [tilespmem:s31], [sflag:$0x5], $0x80, v3, vm0, $0xb8;
	[tilespmem:$0x18500] =	vst v63  }
0x25e: {  	_ = 	snop  }
0x25f: {  	[hbm4b:s13+s3] =	stream.indirect_vreg.scatter [tilespmem:s16], [sflag:$0x5], $0x80, v3, vm0, $0xb8;
	[tilespmem:$0x18500] =	vst v63  }
0x260: {  	v3 =	vld [tilespmem:$0x380];
	_ =	sdelay $0x4  }
0x261: {  	v60 =	vshrl.u32 v3, $0x3  }
0x262: {  	v4 =	vmul.u32 $0x30, v60  }
0x263: {  	v3 =	vand.u32 $0x7, v3  }
0x264: {  	v3 =	vor.u32 v3, v4  }
0x265: {  	v4 =	vperm.xlane v3, v0;
	_ =	sdelay $0x1  }
0x266: {  	v4 =	vadd.s32 v1, v4;
	_ =	sdelay $0x3  }
0x267: {  	s1 =	simm.s32 $0xC500;
	v3 =	vperm.xlane v3, v2  }
0x268: {  	[hbm4b:s7+s3] =	stream.indirect_vreg.scatter [tilespmem:s1], [sflag:$0x5], $0x80, v4, vm0, $0xb8;
	[tilespmem:$0x18500] =	vst v63  }
0x269: {  	v3 =	vadd.s32 v1, v3;
	s1 =	simm.s32 $0xCD00  }
0x26a: {  	[hbm4b:s14+s3] =	stream.indirect_vreg.scatter [tilespmem:s1], [sflag:$0x5], $0x80, v4, vm0, $0xb8;
	[tilespmem:$0x18500] =	vst v63  }
0x26b: {  	s2 =	simm.s32 $0xD500  }
0x26c: {  	[hbm4b:s15+s3] =	stream.indirect_vreg.scatter [tilespmem:s2], [sflag:$0x5], $0x80, v4, vm0, $0xb8;
	[tilespmem:$0x18500] =	vst v63  }
0x26d: {  	s5 =	simm.s32 $0xDD00  }
0x26e: {  	[hbm4b:s7+s3] =	stream.indirect_vreg.scatter [tilespmem:s5], [sflag:$0x5], $0x80, v3, vm0, $0xb8;
	[tilespmem:$0x18500] =	vst v63  }
0x26f: {  	s18 =	simm.s32 $0xE500  }
0x270: {  	[hbm4b:s14+s3] =	stream.indirect_vreg.scatter [tilespmem:s18], [sflag:$0x5], $0x80, v3, vm0, $0xb8;
	[tilespmem:$0x18500] =	vst v63  }
0x271: {  	s5 =	simm.s32 $0xED00  }
0x272: {  	[hbm4b:s15+s3] =	stream.indirect_vreg.scatter [tilespmem:s5], [sflag:$0x5], $0x80, v3, vm0, $0xb8;
	[tilespmem:$0x18500] =	vst v63  }
0x273: {  	v3 =	vld [tilespmem:$0x390];
	_ =	sdelay $0x4  }
0x274: {  	v61 =	vshrl.u32 v3, $0x3  }
0x275: {  	v4 =	vmul.u32 $0x30, v61  }
0x276: {  	v3 =	vand.u32 $0x7, v3  }
0x277: {  	v3 =	vor.u32 v3, v4  }
0x278: {  	v4 =	vperm.xlane v3, v0;
	_ =	sdelay $0x1  }
0x279: {  	v4 =	vadd.s32 v1, v4;
	_ =	sdelay $0x3  }
0x27a: {  	s18 =	simm.s32 $0xF500;
	v3 =	vperm.xlane v3, v2  }
0x27b: {  	[hbm4b:s7+s3] =	stream.indirect_vreg.scatter [tilespmem:s18], [sflag:$0x5], $0x80, v4, vm0, $0xb8;
	[tilespmem:$0x18500] =	vst v63  }
0x27c: {  	s19 =	simm.s32 $0xFD00;
	v3 =	vadd.s32 v1, v3  }
0x27d: {  	[hbm4b:s14+s3] =	stream.indirect_vreg.scatter [tilespmem:s19], [sflag:$0x5], $0x80, v4, vm0, $0xb8;
	[tilespmem:$0x18500] =	vst v63  }
0x27e: {  	s20 =	simm.s32 $0x10500  }
0x27f: {  	[hbm4b:s15+s3] =	stream.indirect_vreg.scatter [tilespmem:s20], [sflag:$0x5], $0x80, v4, vm0, $0xb8;
	[tilespmem:$0x18500] =	vst v63  }
0x280: {  	s21 =	simm.s32 $0x10D00  }
0x281: {  	[hbm4b:s7+s3] =	stream.indirect_vreg.scatter [tilespmem:s21], [sflag:$0x5], $0x80, v3, vm0, $0xb8;
	[tilespmem:$0x18500] =	vst v63  }
0x282: {  	s22 =	simm.s32 $0x11500  }
0x283: {  	[hbm4b:s14+s3] =	stream.indirect_vreg.scatter [tilespmem:s22], [sflag:$0x5], $0x80, v3, vm0, $0xb8;
	[tilespmem:$0x18500] =	vst v63  }
0x284: {  	s21 =	simm.s32 $0x11D00  }
0x285: {  	[hbm4b:s15+s3] =	stream.indirect_vreg.scatter [tilespmem:s21], [sflag:$0x5], $0x80, v3, vm0, $0xb8;
	[tilespmem:$0x18500] =	vst v63  }
0x286: {  	v3 =	vld [tilespmem:$0x3A0];
	_ =	sdelay $0x4  }
0x287: {  	v62 =	vshrl.u32 v3, $0x3  }
0x288: {  	v4 =	vmul.u32 $0x30, v62  }
0x289: {  	v3 =	vand.u32 $0x7, v3  }
0x28a: {  	v3 =	vor.u32 v3, v4  }
0x28b: {  	v4 =	vperm.xlane v3, v0;
	_ =	sdelay $0x1  }
0x28c: {  	v4 =	vadd.s32 v1, v4;
	_ =	sdelay $0x3  }
0x28d: {  	s22 =	simm.s32 $0x12500;
	v3 =	vperm.xlane v3, v2  }
0x28e: {  	[hbm4b:s7+s3] =	stream.indirect_vreg.scatter [tilespmem:s22], [sflag:$0x5], $0x80, v4, vm0, $0xb8;
	[tilespmem:$0x18500] =	vst v63  }
0x28f: {  	s23 =	simm.s32 $0x12D00;
	v3 =	vadd.s32 v1, v3  }
0x290: {  	[hbm4b:s14+s3] =	stream.indirect_vreg.scatter [tilespmem:s23], [sflag:$0x5], $0x80, v4, vm0, $0xb8;
	[tilespmem:$0x18500] =	vst v63  }
0x291: {  	s24 =	simm.s32 $0x13500  }
0x292: {  	[hbm4b:s15+s3] =	stream.indirect_vreg.scatter [tilespmem:s24], [sflag:$0x5], $0x80, v4, vm0, $0xb8;
	[tilespmem:$0x18500] =	vst v63  }
0x293: {  	s25 =	simm.s32 $0x13D00  }
0x294: {  	[hbm4b:s7+s3] =	stream.indirect_vreg.scatter [tilespmem:s25], [sflag:$0x5], $0x80, v3, vm0, $0xb8;
	[tilespmem:$0x18500] =	vst v63  }
0x295: {  	s26 =	simm.s32 $0x14500  }
0x296: {  	[hbm4b:s14+s3] =	stream.indirect_vreg.scatter [tilespmem:s26], [sflag:$0x5], $0x80, v3, vm0, $0xb8;
	[tilespmem:$0x18500] =	vst v63  }
0x297: {  	s26 =	simm.s32 $0x14D00  }
0x298: {  	[hbm4b:s15+s3] =	stream.indirect_vreg.scatter [tilespmem:s26], [sflag:$0x5], $0x80, v3, vm0, $0xb8;
	[tilespmem:$0x18500] =	vst v63  }
0x299: {  	v3 =	vld [tilespmem:$0x3B0];
	_ =	sdelay $0x4  }
0x29a: {  	v63 =	vshrl.u32 v3, $0x3  }
0x29b: {  	v4 =	vmul.u32 $0x30, v63  }
0x29c: {  	v3 =	vand.u32 $0x7, v3  }
0x29d: {  	v3 =	vor.u32 v3, v4  }
0x29e: {  	v4 =	vperm.xlane v3, v0;
	_ =	sdelay $0x1  }
0x29f: {  	v4 =	vadd.s32 v1, v4;
	_ =	sdelay $0x3  }
0x2a0: {  	s0 =	simm.s32 $0x15500;
	v3 =	vperm.xlane v3, v2  }
0x2a1: {  	[hbm4b:s7+s3] =	stream.indirect_vreg.scatter [tilespmem:s0], [sflag:$0x5], $0x80, v4, vm0, $0xb8;
	[tilespmem:$0x18500] =	vst v63  }
0x2a2: {  	s28 =	simm.s32 $0x15D00;
	v3 =	vadd.s32 v1, v3  }
0x2a3: {  	[hbm4b:s14+s3] =	stream.indirect_vreg.scatter [tilespmem:s28], [sflag:$0x5], $0x80, v4, vm0, $0xb8;
	[tilespmem:$0x18500] =	vst v63  }
0x2a4: {  	s29 =	simm.s32 $0x16500  }
0x2a5: {  	[hbm4b:s15+s3] =	stream.indirect_vreg.scatter [tilespmem:s29], [sflag:$0x5], $0x80, v4, vm0, $0xb8;
	[tilespmem:$0x18500] =	vst v63  }
0x2a6: {  	s30 =	simm.s32 $0x16D00  }
0x2a7: {  	[hbm4b:s7+s3] =	stream.indirect_vreg.scatter [tilespmem:s30], [sflag:$0x5], $0x80, v3, vm0, $0xb8;
	[tilespmem:$0x18500] =	vst v63  }
0x2a8: {  	s31 =	simm.s32 $0x17500  }
0x2a9: {  	[hbm4b:s14+s3] =	stream.indirect_vreg.scatter [tilespmem:s31], [sflag:$0x5], $0x80, v3, vm0, $0xb8;
	[tilespmem:$0x18500] =	vst v63  }
0x2aa: {  	s16 =	simm.s32 $0x17D00;
	s30 =	simm.s32 $0x4  }
0x2ab: {  	[hbm4b:s15+s3] =	stream.indirect_vreg.scatter [tilespmem:s16], [sflag:$0x5], $0x80, v3, vm0, $0xb8;
	[tilespmem:$0x18500] =	vst v63  }
0x2ac: {  	s2 =	rddreg [dreg:$0x12];
	_ =	swait.ge [sflag:s30], $0xC000  }
0x2ad: {  	[sflag:s30] =	ssyncset.done $0x0  }
0x2ae: {  	[sflag:s30] =	ssyncadd.s32 $0xFFFF4000  }
0x2af: {  	_ =	swait.ge [sflag:s30], $0xC000  }
0x2b0: {  	[sflag:s30] =	ssyncset.done $0x0  }
0x2b1: {  	[sflag:s30] =	ssyncadd.s32 $0xFFFF4000  }
0x2b2: {  	_ =	swait.ge [sflag:s30], $0xC000  }
0x2b3: {  	[sflag:s30] =	ssyncset.done $0x0  }
0x2b4: {  	s31 =	simm.s32 $0x5;
	[sflag:s30] =	ssyncadd.s32 $0xFFFF4000  }
0x2b5: {  	_ =	swait.ge [sflag:s31], $0xC000  }
0x2b6: {  	[sflag:s31] =	ssyncset.done $0x0  }
0x2b7: {  	[sflag:s31] =	ssyncadd.s32 $0xFFFF4000  }
0x2b8: {  	p0 =	sne.s32 s2, $0x1;
	_ =	swait.ge [sflag:s31], $0xC000  }
.Ltmp0:
0x2b9: {  	[sflag:s31] =	ssyncset.done $0x0;
	(pc) =	sbr.rel @p0 .LBB2_1-.Ltmp0, $4  }
0x2ba: {  	[sflag:s31] =	ssyncadd.s32 $0xFFFF4000  }
0x2bb: {  	_ =	swait.ge [sflag:s31], $0xC000  }
0x2bc: {  	[sflag:s31] =	ssyncset.done $0x0  }
0x2bd: {  	s2 =	sadd.s32 $0xFFFFFFFF, s2;
	[sflag:s31] =	ssyncadd.s32 $0xFFFF4000  }
0x2be: {  	_ =	sfence.sel $0x180000  }
0x2bf: {  	[bflag:$0x0] =	sbarrier.arrive $0xFFFF  }
0x2c0: {  	_ =	strace $0x90000047  }
0x2c1: {  	s0 =	stileid.u32;
	[bflag:$0x2] =	sbarrier.arrive $0xFFFF  }
0x2c2: {  	p0 =	sne.s32 s0, $0x0;
	s0 =	rddreg [dreg:$0x2]  }
0x2c3: {  	s0 =	sadd.s32 @!p0 $0x100000, s0  }
0x2c4: {  	[sflag:s0] =	ssyncadd.tile.s32 @!p0 $0x1;
	_ =	shalt  }
.Lfunc_end2:
_tile_overlayer_lowered:
.L_overlay_start_2:
0x2c5: {  	(tag) =	ssettag $0x2  }
0x2c6: {  	s0 =	rddreg [dreg:$0x0];
	s2 =	stileid.u32  }
0x2c7: {  	s1 =	rddreg [dreg:$0x1];
	p0 =	sne.s32 s2, $0x0  }
0x2c8: {  	s3 =	rddreg [dreg:$0x2];
	[bflag:$0x3] =	sbarrier.arrive $0xFFFF;
	s2 =	simm.s32 @!p0 $0x1C06  }
0x2c9: {  	[timem:s3], [sflag:s2] =	dma.local @!p0 [hbm:s0], s1  }
0x2ca: {  	s0 =	simm.s32 @!p0 $0x6  }
0x2cb: {  	_ =	swait.ge @!p0 [sflag:s0], s1  }
0x2cc: {  	s1 =	ssub.s32 @!p0 $0x0, s1;
	[sflag:s0] =	ssyncset.done @!p0 $0x0  }
0x2cd: {  	[sflag:s0] =	ssyncadd.s32 @!p0 s1  }
0x2ce: {  	[bflag:$0x3] =	sbarrier.arrive $0xFFFF  }
0x2cf: {  	_ =	shalt  }

</sc_bundles>
